<compile_context>
chip_gen: v7x
topology: tpu7x:2x2x1
jax: 0.10.2.dev20260603
libtpu: 0.0.44.dev20260713+nightly
codegen_flags: <defaults>
</compile_context>

<pallas_src>
import functools
import math

import jax
import jax.numpy as jnp
from jax import lax
from jax.experimental import pallas as pl
from jax.experimental.pallas import tpu as pltpu
from jax.experimental.pallas import tpu_sc as plsc

D_MODEL = 64
MAXLEN = 200
BATCH = 4096
NC, NS = 2, 16
NW = NC * NS
NSEQ = BATCH // NW
SCALE = math.sqrt(D_MODEL)
NSLICE = D_MODEL // 16
NBUF = 4
LOOK = 2
G1, G2 = 104, 96

_mesh = plsc.VectorSubcoreMesh(core_axis_name="c", subcore_axis_name="s")


@functools.partial(
    pl.kernel,
    out_type=jax.ShapeDtypeStruct((BATCH, MAXLEN, D_MODEL), jnp.float32),
    mesh=_mesh,
    scratch_types=(
        [pltpu.VMEM((MAXLEN, D_MODEL), jnp.float32)]
        + [pltpu.VMEM((NSEQ, MAXLEN), jnp.int32)]
        + [pltpu.VMEM((MAXLEN, D_MODEL), jnp.float32)] * NBUF
        + [pltpu.SemaphoreType.DMA] * NBUF
        + [pltpu.SemaphoreType.DMA] * NBUF
    ),
    compiler_params=pltpu.CompilerParams(use_tc_tiling_on_sc=False),
)
def _emb(table_hbm, x_hbm, pos_hbm, out_hbm, pos_v, idx_v, *bufs_and_sems):
    rows = bufs_and_sems[:NBUF]
    sem_g = bufs_and_sems[NBUF:2 * NBUF]
    sem_o = bufs_and_sems[2 * NBUF:3 * NBUF]

    wid = lax.axis_index("s") * NC + lax.axis_index("c")
    sbase = wid * NSEQ

    pltpu.sync_copy(x_hbm.at[pl.ds(sbase, NSEQ)], idx_v)
    pltpu.sync_copy(pos_hbm, pos_v)

    def scale_pos(t, carry):
        for j in range(NSLICE):
            sl = pl.ds(j * 16, 16)
            pos_v[t, sl] = pos_v[t, sl] * SCALE
        return carry

    lax.fori_loop(0, MAXLEN, scale_pos, 0)

    def start_gather(c, b):
        pltpu.async_copy(table_hbm.at[idx_v.at[c, pl.ds(0, G1)]],
                         rows[b].at[pl.ds(0, G1)], sem_g[b])
        pltpu.async_copy(table_hbm.at[idx_v.at[c, pl.ds(G1, G2)]],
                         rows[b].at[pl.ds(G1, G2)], sem_g[b])

    def wait_gather(b):
        pltpu.make_async_copy(table_hbm.at[idx_v.at[0, pl.ds(0, G1)]],
                              rows[b].at[pl.ds(0, G1)], sem_g[b]).wait()
        pltpu.make_async_copy(table_hbm.at[idx_v.at[0, pl.ds(0, G2)]],
                              rows[b].at[pl.ds(G1, G2)], sem_g[b]).wait()

    def start_out(c, b):
        pltpu.async_copy(rows[b], out_hbm.at[sbase + c], sem_o[b])

    def wait_out(b):
        pltpu.make_async_copy(rows[b], out_hbm.at[0], sem_o[b]).wait()

    def compute(b):
        buf = rows[b]

        def row_body(t, carry):
            for j in range(NSLICE):
                sl = pl.ds(j * 16, 16)
                buf[t, sl] = buf[t, sl] * SCALE + pos_v[t, sl]
            return carry

        lax.fori_loop(0, MAXLEN, row_body, 0)

    start_gather(0, 0)
    start_gather(1, 1)

    for c in range(2):
        start_gather(c + LOOK, (c + LOOK) % NBUF)
        wait_gather(c % NBUF)
        compute(c % NBUF)
        start_out(c, c % NBUF)
    for c in range(2, 4):
        wait_out((c + LOOK) % NBUF)
        start_gather(c + LOOK, (c + LOOK) % NBUF)
        wait_gather(c % NBUF)
        compute(c % NBUF)
        start_out(c, c % NBUF)

    def steady(i, carry):
        c0 = i * NBUF
        for k in range(NBUF):
            c = c0 + k
            wait_out((k + LOOK) % NBUF)
            start_gather(c + LOOK, (k + LOOK) % NBUF)
            wait_gather(k)
            compute(k)
            start_out(c, k)
        return carry

    lax.fori_loop(1, NSEQ // NBUF - 1, steady, 0)

    for c in range(NSEQ - 4, NSEQ - 2):
        b = c % NBUF
        wait_out((b + LOOK) % NBUF)
        start_gather(c + LOOK, (b + LOOK) % NBUF)
        wait_gather(b)
        compute(b)
        start_out(c, b)
    for c in range(NSEQ - 2, NSEQ):
        b = c % NBUF
        wait_gather(b)
        compute(b)
        start_out(c, b)
    for b in range(NBUF):
        wait_out(b)


def kernel(x, token_table, pos_table):
    return _emb(token_table, x.astype(jnp.int32), pos_table)

# --- scband reference (transcript-rebuilt; emitter-appended) ---
"""Pipeline reference for scband-embeddings-20718922236495 (READ-ONLY COPY).

The authoritative reference and input builder live on the scoring server;
editing this copy changes nothing except your own understanding.
"""

import jax, jax.numpy as jnp
import numpy as np
import math

D_MODEL = 64
VOCAB = 1000000
MAXLEN = 200

def setup_inputs(seed: int = 0) -> dict:
    key = jax.random.key(seed)
    k1, k2, k3 = jax.random.split(key, 3)
    x = jax.random.randint(k1, (4096, MAXLEN), 0, VOCAB, dtype=jnp.int64 if jax.config.jax_enable_x64 else jnp.int32)
    token_table = jax.random.normal(k2, (VOCAB, D_MODEL), dtype=jnp.float32)
    pos_table = jax.random.normal(k3, (MAXLEN, D_MODEL), dtype=jnp.float32)
    return {"x": x, "token_table": token_table, "pos_table": pos_table}

def reference(x, token_table, pos_table):
    positions = jnp.take(pos_table, jnp.arange(MAXLEN), axis=0)  # [maxlen, d_model]
    tokens = jnp.take(token_table, x, axis=0)                    # [B, maxlen, d_model]
    return (positions + tokens) * math.sqrt(D_MODEL)

if __name__ == "__main__":
    import jax
    _d = setup_inputs()
    print(jax.jit(kernel)(*tuple(_d.values())))

</pallas_src>

<mosaic_0001>
#map = affine_map<(d0, d1) -> (0, 0)>
#map1 = affine_map<(d0, d1) -> (0, 0, 0)>
module attributes {stable_mosaic.version = 14 : i64} {
  func.func @_emb(%arg0: i32, %arg1: i32, %arg2: memref<1000000x64xf32, #tpu.memory_space<hbm>>, %arg3: memref<4096x200xi32, #tpu.memory_space<hbm>>, %arg4: memref<200x64xf32, #tpu.memory_space<hbm>>, %arg5: memref<4096x200x64xf32, #tpu.memory_space<hbm>>, %arg6: memref<200x64xf32, #tpu.memory_space<vmem>>, %arg7: memref<128x200xi32, #tpu.memory_space<vmem>>, %arg8: memref<200x64xf32, #tpu.memory_space<vmem>>, %arg9: memref<200x64xf32, #tpu.memory_space<vmem>>, %arg10: memref<200x64xf32, #tpu.memory_space<vmem>>, %arg11: memref<200x64xf32, #tpu.memory_space<vmem>>, %arg12: memref<!tpu.dma_semaphore, #tpu.memory_space<semaphore_mem>>, %arg13: memref<!tpu.dma_semaphore, #tpu.memory_space<semaphore_mem>>, %arg14: memref<!tpu.dma_semaphore, #tpu.memory_space<semaphore_mem>>, %arg15: memref<!tpu.dma_semaphore, #tpu.memory_space<semaphore_mem>>, %arg16: memref<!tpu.dma_semaphore, #tpu.memory_space<semaphore_mem>>, %arg17: memref<!tpu.dma_semaphore, #tpu.memory_space<semaphore_mem>>, %arg18: memref<!tpu.dma_semaphore, #tpu.memory_space<semaphore_mem>>, %arg19: memref<!tpu.dma_semaphore, #tpu.memory_space<semaphore_mem>>) attributes {dimension_semantics = [#tpu.dimension_semantics<core_parallel>, #tpu.dimension_semantics<subcore_parallel>], iteration_bounds = array<i64: 2, 16>, scalar_prefetch = 0 : i64, scratch_operands = 14 : i64, tpu.core_type = #tpu.core_type<sc_vector_subcore>, window_params = [{transform_indices = #map}, {transform_indices = #map}, {transform_indices = #map}, {transform_indices = #map1}]} {
    %mul3A = arith.constant 2 : i32
    %mul3A_0 = arith.muli %arg1, %mul3A : i32
    %add3A = arith.addi %mul3A_0, %arg0 : i32
    %mul3A_1 = arith.constant 128 : i32
    %mul3A_2 = arith.muli %add3A, %mul3A_1 : i32
    "tpu.region"() ({
      %run_scoped3A = tpu.sem_alloc : memref<!tpu.dma_semaphore, #tpu.memory_space<semaphore_mem>>
      %dma_start3A_532 = arith.constant 0 : i32
      %dma_start3A_533 = tpu.memref_slice %arg3[%mul3A_2, %dma_start3A_532] : memref<4096x200xi32, #tpu.memory_space<hbm>> -> memref<128x200xi32, #tpu.memory_space<hbm>>
      %dma_start3A_534 = arith.constant 0 : i32
      %dma_start3A_535 = tpu.memref_slice %arg3[%mul3A_2, %dma_start3A_534] : memref<4096x200xi32, #tpu.memory_space<hbm>> -> memref<128x200xi32, #tpu.memory_space<hbm>>
      tpu.enqueue_dma source(%dma_start3A_535 : memref<128x200xi32, #tpu.memory_space<hbm>>) target(%arg7 : memref<128x200xi32, #tpu.memory_space<vmem>>) target_semaphore(%run_scoped3A : memref<!tpu.dma_semaphore, #tpu.memory_space<semaphore_mem>>)
      %dma_wait3A_536 = arith.constant 0 : i32
      %dma_wait3A_537 = tpu.memref_slice %arg3[%mul3A_2, %dma_wait3A_536] : memref<4096x200xi32, #tpu.memory_space<hbm>> -> memref<128x200xi32, #tpu.memory_space<hbm>>
      %dma_wait3A_538 = arith.constant 0 : i32
      %dma_wait3A_539 = tpu.memref_slice %arg3[%mul3A_2, %dma_wait3A_538] : memref<4096x200xi32, #tpu.memory_space<hbm>> -> memref<128x200xi32, #tpu.memory_space<hbm>>
      tpu.wait_dma2 semaphore(%run_scoped3A : memref<!tpu.dma_semaphore, #tpu.memory_space<semaphore_mem>>) src(%dma_wait3A_539 : memref<128x200xi32, #tpu.memory_space<hbm>>) dst(%arg7 : memref<128x200xi32, #tpu.memory_space<vmem>>)
      tpu.yield
    }) : () -> ()
    "tpu.region"() ({
      %run_scoped3A = tpu.sem_alloc : memref<!tpu.dma_semaphore, #tpu.memory_space<semaphore_mem>>
      tpu.enqueue_dma source(%arg4 : memref<200x64xf32, #tpu.memory_space<hbm>>) target(%arg6 : memref<200x64xf32, #tpu.memory_space<vmem>>) target_semaphore(%run_scoped3A : memref<!tpu.dma_semaphore, #tpu.memory_space<semaphore_mem>>)
      tpu.wait_dma2 semaphore(%run_scoped3A : memref<!tpu.dma_semaphore, #tpu.memory_space<semaphore_mem>>) src(%arg4 : memref<200x64xf32, #tpu.memory_space<hbm>>) dst(%arg6 : memref<200x64xf32, #tpu.memory_space<vmem>>)
      tpu.yield
    }) : () -> ()
    %scan3A = arith.constant 0 : i32
    %scan3A_3 = arith.constant 0 : i32
    %scan3A_4 = arith.constant 200 : i32
    %scan3A_5 = arith.addi %scan3A_3, %scan3A_4 : i32
    %scan3A_6 = arith.constant 1 : i32
    scf.for %scan3A_532 = %scan3A_3 to %scan3A_5 step %scan3A_6  : i32 {
      %get3A = arith.index_cast %scan3A_532 : i32 to index
      %get3A_533 = arith.constant 0 : index
      %get3A_534 = tpu.vector_load %arg6[%get3A, %get3A_533] {strides = array<i32>} : memref<200x64xf32, #tpu.memory_space<vmem>>, vector<1x16xf32>,
      %get3A_535 = vector.shape_cast %get3A_534 : vector<1x16xf32> to vector<16xf32>
      %mul3A_536 = arith.constant 8.000000e+00 : f32
      %mul3A_537 = vector.broadcast %mul3A_536 : f32 to vector<16xf32>
      %mul3A_538 = arith.mulf %get3A_535, %mul3A_537 : vector<16xf32>
      %swap3A = arith.index_cast %scan3A_532 : i32 to index
      %swap3A_539 = arith.constant 0 : index
      %swap3A_540 = tpu.vector_load %arg6[%swap3A, %swap3A_539] {strides = array<i32>} : memref<200x64xf32, #tpu.memory_space<vmem>>, vector<1x16xf32>,
      %swap3A_541 = vector.shape_cast %swap3A_540 : vector<1x16xf32> to vector<16xf32>
      %swap3A_542 = vector.shape_cast %mul3A_538 : vector<16xf32> to vector<1x16xf32>
      tpu.vector_store %arg6[%swap3A, %swap3A_539], %swap3A_542 {strides = array<i32>} : memref<200x64xf32, #tpu.memory_space<vmem>>, vector<1x16xf32>,
      %get3A_543 = arith.index_cast %scan3A_532 : i32 to index
      %get3A_544 = arith.constant 16 : index
      %get3A_545 = tpu.vector_load %arg6[%get3A_543, %get3A_544] {strides = array<i32>} : memref<200x64xf32, #tpu.memory_space<vmem>>, vector<1x16xf32>,
      %get3A_546 = vector.shape_cast %get3A_545 : vector<1x16xf32> to vector<16xf32>
      %mul3A_547 = arith.constant 8.000000e+00 : f32
      %mul3A_548 = vector.broadcast %mul3A_547 : f32 to vector<16xf32>
      %mul3A_549 = arith.mulf %get3A_546, %mul3A_548 : vector<16xf32>
      %swap3A_550 = arith.index_cast %scan3A_532 : i32 to index
      %swap3A_551 = arith.constant 16 : index
      %swap3A_552 = tpu.vector_load %arg6[%swap3A_550, %swap3A_551] {strides = array<i32>} : memref<200x64xf32, #tpu.memory_space<vmem>>, vector<1x16xf32>,
      %swap3A_553 = vector.shape_cast %swap3A_552 : vector<1x16xf32> to vector<16xf32>
      %swap3A_554 = vector.shape_cast %mul3A_549 : vector<16xf32> to vector<1x16xf32>
      tpu.vector_store %arg6[%swap3A_550, %swap3A_551], %swap3A_554 {strides = array<i32>} : memref<200x64xf32, #tpu.memory_space<vmem>>, vector<1x16xf32>,
      %get3A_555 = arith.index_cast %scan3A_532 : i32 to index
      %get3A_556 = arith.constant 32 : index
      %get3A_557 = tpu.vector_load %arg6[%get3A_555, %get3A_556] {strides = array<i32>} : memref<200x64xf32, #tpu.memory_space<vmem>>, vector<1x16xf32>,
      %get3A_558 = vector.shape_cast %get3A_557 : vector<1x16xf32> to vector<16xf32>
      %mul3A_559 = arith.constant 8.000000e+00 : f32
      %mul3A_560 = vector.broadcast %mul3A_559 : f32 to vector<16xf32>
      %mul3A_561 = arith.mulf %get3A_558, %mul3A_560 : vector<16xf32>
      %swap3A_562 = arith.index_cast %scan3A_532 : i32 to index
      %swap3A_563 = arith.constant 32 : index
      %swap3A_564 = tpu.vector_load %arg6[%swap3A_562, %swap3A_563] {strides = array<i32>} : memref<200x64xf32, #tpu.memory_space<vmem>>, vector<1x16xf32>,
      %swap3A_565 = vector.shape_cast %swap3A_564 : vector<1x16xf32> to vector<16xf32>
      %swap3A_566 = vector.shape_cast %mul3A_561 : vector<16xf32> to vector<1x16xf32>
      tpu.vector_store %arg6[%swap3A_562, %swap3A_563], %swap3A_566 {strides = array<i32>} : memref<200x64xf32, #tpu.memory_space<vmem>>, vector<1x16xf32>,
      %get3A_567 = arith.index_cast %scan3A_532 : i32 to index
      %get3A_568 = arith.constant 48 : index
      %get3A_569 = tpu.vector_load %arg6[%get3A_567, %get3A_568] {strides = array<i32>} : memref<200x64xf32, #tpu.memory_space<vmem>>, vector<1x16xf32>,
      %get3A_570 = vector.shape_cast %get3A_569 : vector<1x16xf32> to vector<16xf32>
      %mul3A_571 = arith.constant 8.000000e+00 : f32
      %mul3A_572 = vector.broadcast %mul3A_571 : f32 to vector<16xf32>
      %mul3A_573 = arith.mulf %get3A_570, %mul3A_572 : vector<16xf32>
      %swap3A_574 = arith.index_cast %scan3A_532 : i32 to index
      %swap3A_575 = arith.constant 48 : index
      %swap3A_576 = tpu.vector_load %arg6[%swap3A_574, %swap3A_575] {strides = array<i32>} : memref<200x64xf32, #tpu.memory_space<vmem>>, vector<1x16xf32>,
      %swap3A_577 = vector.shape_cast %swap3A_576 : vector<1x16xf32> to vector<16xf32>
      %swap3A_578 = vector.shape_cast %mul3A_573 : vector<16xf32> to vector<1x16xf32>
      tpu.vector_store %arg6[%swap3A_574, %swap3A_575], %swap3A_578 {strides = array<i32>} : memref<200x64xf32, #tpu.memory_space<vmem>>, vector<1x16xf32>,
    }
    %scan3A_7 = arith.constant 200 : i32
    %dma_start3A = arith.constant 0 : i32
    %dma_start3A_8 = arith.constant 0 : i32
    %dma_start3A_9 = arith.constant 0 : i32
    %dma_start3A_10 = tpu.memref_slice %arg8[%dma_start3A_8, %dma_start3A_9] : memref<200x64xf32, #tpu.memory_space<vmem>> -> memref<104x64xf32, #tpu.memory_space<vmem>>
    %dma_start3A_11 = arith.constant 0 : i32
    %dma_start3A_12 = tpu.memref_slice %arg7[%dma_start3A, %dma_start3A_11] : memref<128x200xi32, #tpu.memory_space<vmem>> -> memref<1x104xi32, #tpu.memory_space<vmem>>
    %dma_start3A_13 = tpu.memref_squeeze %dma_start3A_12 : memref<1x104xi32, #tpu.memory_space<vmem>> -> memref<104xi32, #tpu.memory_space<vmem>>
    %dma_start3A_14 = arith.constant 0 : i32
    %dma_start3A_15 = arith.constant 0 : i32
    %dma_start3A_16 = tpu.memref_slice %arg2[%dma_start3A_14, %dma_start3A_15] : memref<1000000x64xf32, #tpu.memory_space<hbm>> -> memref<1000000x64xf32, #tpu.memory_space<hbm>>
    tpu.enqueue_indirect_dma source(%dma_start3A_16 : memref<1000000x64xf32, #tpu.memory_space<hbm>>) target(%dma_start3A_10 : memref<104x64xf32, #tpu.memory_space<vmem>>) offsets(%dma_start3A_13 : memref<104xi32, #tpu.memory_space<vmem>>) semaphore(%arg12 : memref<!tpu.dma_semaphore, #tpu.memory_space<semaphore_mem>>)
    %dma_start3A_17 = arith.constant 0 : i32
    %dma_start3A_18 = arith.constant 104 : i32
    %dma_start3A_19 = arith.constant 0 : i32
    %dma_start3A_20 = tpu.memref_slice %arg8[%dma_start3A_18, %dma_start3A_19] : memref<200x64xf32, #tpu.memory_space<vmem>> -> memref<96x64xf32, #tpu.memory_space<vmem>>
    %dma_start3A_21 = arith.constant 104 : i32
    %dma_start3A_22 = tpu.memref_slice %arg7[%dma_start3A_17, %dma_start3A_21] : memref<128x200xi32, #tpu.memory_space<vmem>> -> memref<1x96xi32, #tpu.memory_space<vmem>>
    %dma_start3A_23 = tpu.memref_squeeze %dma_start3A_22 : memref<1x96xi32, #tpu.memory_space<vmem>> -> memref<96xi32, #tpu.memory_space<vmem>>
    %dma_start3A_24 = arith.constant 0 : i32
    %dma_start3A_25 = arith.constant 0 : i32
    %dma_start3A_26 = tpu.memref_slice %arg2[%dma_start3A_24, %dma_start3A_25] : memref<1000000x64xf32, #tpu.memory_space<hbm>> -> memref<1000000x64xf32, #tpu.memory_space<hbm>>
    tpu.enqueue_indirect_dma source(%dma_start3A_26 : memref<1000000x64xf32, #tpu.memory_space<hbm>>) target(%dma_start3A_20 : memref<96x64xf32, #tpu.memory_space<vmem>>) offsets(%dma_start3A_23 : memref<96xi32, #tpu.memory_space<vmem>>) semaphore(%arg12 : memref<!tpu.dma_semaphore, #tpu.memory_space<semaphore_mem>>)
    %dma_start3A_27 = arith.constant 1 : i32
    %dma_start3A_28 = arith.constant 0 : i32
    %dma_start3A_29 = arith.constant 0 : i32
    %dma_start3A_30 = tpu.memref_slice %arg9[%dma_start3A_28, %dma_start3A_29] : memref<200x64xf32, #tpu.memory_space<vmem>> -> memref<104x64xf32, #tpu.memory_space<vmem>>
    %dma_start3A_31 = arith.constant 0 : i32
    %dma_start3A_32 = tpu.memref_slice %arg7[%dma_start3A_27, %dma_start3A_31] : memref<128x200xi32, #tpu.memory_space<vmem>> -> memref<1x104xi32, #tpu.memory_space<vmem>>
    %dma_start3A_33 = tpu.memref_squeeze %dma_start3A_32 : memref<1x104xi32, #tpu.memory_space<vmem>> -> memref<104xi32, #tpu.memory_space<vmem>>
    %dma_start3A_34 = arith.constant 0 : i32
    %dma_start3A_35 = arith.constant 0 : i32
    %dma_start3A_36 = tpu.memref_slice %arg2[%dma_start3A_34, %dma_start3A_35] : memref<1000000x64xf32, #tpu.memory_space<hbm>> -> memref<1000000x64xf32, #tpu.memory_space<hbm>>
    tpu.enqueue_indirect_dma source(%dma_start3A_36 : memref<1000000x64xf32, #tpu.memory_space<hbm>>) target(%dma_start3A_30 : memref<104x64xf32, #tpu.memory_space<vmem>>) offsets(%dma_start3A_33 : memref<104xi32, #tpu.memory_space<vmem>>) semaphore(%arg13 : memref<!tpu.dma_semaphore, #tpu.memory_space<semaphore_mem>>)
    %dma_start3A_37 = arith.constant 1 : i32
    %dma_start3A_38 = arith.constant 104 : i32
    %dma_start3A_39 = arith.constant 0 : i32
    %dma_start3A_40 = tpu.memref_slice %arg9[%dma_start3A_38, %dma_start3A_39] : memref<200x64xf32, #tpu.memory_space<vmem>> -> memref<96x64xf32, #tpu.memory_space<vmem>>
    %dma_start3A_41 = arith.constant 104 : i32
    %dma_start3A_42 = tpu.memref_slice %arg7[%dma_start3A_37, %dma_start3A_41] : memref<128x200xi32, #tpu.memory_space<vmem>> -> memref<1x96xi32, #tpu.memory_space<vmem>>
    %dma_start3A_43 = tpu.memref_squeeze %dma_start3A_42 : memref<1x96xi32, #tpu.memory_space<vmem>> -> memref<96xi32, #tpu.memory_space<vmem>>
    %dma_start3A_44 = arith.constant 0 : i32
    %dma_start3A_45 = arith.constant 0 : i32
    %dma_start3A_46 = tpu.memref_slice %arg2[%dma_start3A_44, %dma_start3A_45] : memref<1000000x64xf32, #tpu.memory_space<hbm>> -> memref<1000000x64xf32, #tpu.memory_space<hbm>>
    tpu.enqueue_indirect_dma source(%dma_start3A_46 : memref<1000000x64xf32, #tpu.memory_space<hbm>>) target(%dma_start3A_40 : memref<96x64xf32, #tpu.memory_space<vmem>>) offsets(%dma_start3A_43 : memref<96xi32, #tpu.memory_space<vmem>>) semaphore(%arg13 : memref<!tpu.dma_semaphore, #tpu.memory_space<semaphore_mem>>)
    %dma_start3A_47 = arith.constant 2 : i32
    %dma_start3A_48 = arith.constant 0 : i32
    %dma_start3A_49 = arith.constant 0 : i32
    %dma_start3A_50 = tpu.memref_slice %arg10[%dma_start3A_48, %dma_start3A_49] : memref<200x64xf32, #tpu.memory_space<vmem>> -> memref<104x64xf32, #tpu.memory_space<vmem>>
    %dma_start3A_51 = arith.constant 0 : i32
    %dma_start3A_52 = tpu.memref_slice %arg7[%dma_start3A_47, %dma_start3A_51] : memref<128x200xi32, #tpu.memory_space<vmem>> -> memref<1x104xi32, #tpu.memory_space<vmem>>
    %dma_start3A_53 = tpu.memref_squeeze %dma_start3A_52 : memref<1x104xi32, #tpu.memory_space<vmem>> -> memref<104xi32, #tpu.memory_space<vmem>>
    %dma_start3A_54 = arith.constant 0 : i32
    %dma_start3A_55 = arith.constant 0 : i32
    %dma_start3A_56 = tpu.memref_slice %arg2[%dma_start3A_54, %dma_start3A_55] : memref<1000000x64xf32, #tpu.memory_space<hbm>> -> memref<1000000x64xf32, #tpu.memory_space<hbm>>
    tpu.enqueue_indirect_dma source(%dma_start3A_56 : memref<1000000x64xf32, #tpu.memory_space<hbm>>) target(%dma_start3A_50 : memref<104x64xf32, #tpu.memory_space<vmem>>) offsets(%dma_start3A_53 : memref<104xi32, #tpu.memory_space<vmem>>) semaphore(%arg14 : memref<!tpu.dma_semaphore, #tpu.memory_space<semaphore_mem>>)
    %dma_start3A_57 = arith.constant 2 : i32
    %dma_start3A_58 = arith.constant 104 : i32
    %dma_start3A_59 = arith.constant 0 : i32
    %dma_start3A_60 = tpu.memref_slice %arg10[%dma_start3A_58, %dma_start3A_59] : memref<200x64xf32, #tpu.memory_space<vmem>> -> memref<96x64xf32, #tpu.memory_space<vmem>>
    %dma_start3A_61 = arith.constant 104 : i32
    %dma_start3A_62 = tpu.memref_slice %arg7[%dma_start3A_57, %dma_start3A_61] : memref<128x200xi32, #tpu.memory_space<vmem>> -> memref<1x96xi32, #tpu.memory_space<vmem>>
    %dma_start3A_63 = tpu.memref_squeeze %dma_start3A_62 : memref<1x96xi32, #tpu.memory_space<vmem>> -> memref<96xi32, #tpu.memory_space<vmem>>
    %dma_start3A_64 = arith.constant 0 : i32
    %dma_start3A_65 = arith.constant 0 : i32
    %dma_start3A_66 = tpu.memref_slice %arg2[%dma_start3A_64, %dma_start3A_65] : memref<1000000x64xf32, #tpu.memory_space<hbm>> -> memref<1000000x64xf32, #tpu.memory_space<hbm>>
    tpu.enqueue_indirect_dma source(%dma_start3A_66 : memref<1000000x64xf32, #tpu.memory_space<hbm>>) target(%dma_start3A_60 : memref<96x64xf32, #tpu.memory_space<vmem>>) offsets(%dma_start3A_63 : memref<96xi32, #tpu.memory_space<vmem>>) semaphore(%arg14 : memref<!tpu.dma_semaphore, #tpu.memory_space<semaphore_mem>>)
    %dma_wait3A = arith.constant 0 : i32
    %dma_wait3A_67 = arith.constant 0 : i32
    %dma_wait3A_68 = arith.constant 0 : i32
    %dma_wait3A_69 = tpu.memref_slice %arg8[%dma_wait3A_67, %dma_wait3A_68] : memref<200x64xf32, #tpu.memory_space<vmem>> -> memref<104x64xf32, #tpu.memory_space<vmem>>
    %dma_wait3A_70 = arith.constant 0 : i32
    %dma_wait3A_71 = tpu.memref_slice %arg7[%dma_wait3A, %dma_wait3A_70] : memref<128x200xi32, #tpu.memory_space<vmem>> -> memref<1x104xi32, #tpu.memory_space<vmem>>
    %dma_wait3A_72 = tpu.memref_squeeze %dma_wait3A_71 : memref<1x104xi32, #tpu.memory_space<vmem>> -> memref<104xi32, #tpu.memory_space<vmem>>
    %dma_wait3A_73 = arith.constant 0 : i32
    %dma_wait3A_74 = arith.constant 0 : i32
    %dma_wait3A_75 = tpu.memref_slice %arg2[%dma_wait3A_73, %dma_wait3A_74] : memref<1000000x64xf32, #tpu.memory_space<hbm>> -> memref<1000000x64xf32, #tpu.memory_space<hbm>>
    tpu.wait_indirect_dma semaphore(%arg12 : memref<!tpu.dma_semaphore, #tpu.memory_space<semaphore_mem>>) src(%dma_wait3A_75 : memref<1000000x64xf32, #tpu.memory_space<hbm>>) dst(%dma_wait3A_69 : memref<104x64xf32, #tpu.memory_space<vmem>>)
    %dma_wait3A_76 = arith.constant 0 : i32
    %dma_wait3A_77 = arith.constant 104 : i32
    %dma_wait3A_78 = arith.constant 0 : i32
    %dma_wait3A_79 = tpu.memref_slice %arg8[%dma_wait3A_77, %dma_wait3A_78] : memref<200x64xf32, #tpu.memory_space<vmem>> -> memref<96x64xf32, #tpu.memory_space<vmem>>
    %dma_wait3A_80 = arith.constant 0 : i32
    %dma_wait3A_81 = tpu.memref_slice %arg7[%dma_wait3A_76, %dma_wait3A_80] : memref<128x200xi32, #tpu.memory_space<vmem>> -> memref<1x96xi32, #tpu.memory_space<vmem>>
    %dma_wait3A_82 = tpu.memref_squeeze %dma_wait3A_81 : memref<1x96xi32, #tpu.memory_space<vmem>> -> memref<96xi32, #tpu.memory_space<vmem>>
    %dma_wait3A_83 = arith.constant 0 : i32
    %dma_wait3A_84 = arith.constant 0 : i32
    %dma_wait3A_85 = tpu.memref_slice %arg2[%dma_wait3A_83, %dma_wait3A_84] : memref<1000000x64xf32, #tpu.memory_space<hbm>> -> memref<1000000x64xf32, #tpu.memory_space<hbm>>
    tpu.wait_indirect_dma semaphore(%arg12 : memref<!tpu.dma_semaphore, #tpu.memory_space<semaphore_mem>>) src(%dma_wait3A_85 : memref<1000000x64xf32, #tpu.memory_space<hbm>>) dst(%dma_wait3A_79 : memref<96x64xf32, #tpu.memory_space<vmem>>)
    %scan3A_86 = arith.constant 0 : i32
    %scan3A_87 = arith.constant 0 : i32
    %scan3A_88 = arith.constant 200 : i32
    %scan3A_89 = arith.addi %scan3A_87, %scan3A_88 : i32
    %scan3A_90 = arith.constant 1 : i32
    scf.for %scan3A_532 = %scan3A_87 to %scan3A_89 step %scan3A_90  : i32 {
      %get3A = arith.index_cast %scan3A_532 : i32 to index
      %get3A_533 = arith.constant 0 : index
      %get3A_534 = tpu.vector_load %arg8[%get3A, %get3A_533] {strides = array<i32>} : memref<200x64xf32, #tpu.memory_space<vmem>>, vector<1x16xf32>,
      %get3A_535 = vector.shape_cast %get3A_534 : vector<1x16xf32> to vector<16xf32>
      %mul3A_536 = arith.constant 8.000000e+00 : f32
      %mul3A_537 = vector.broadcast %mul3A_536 : f32 to vector<16xf32>
      %mul3A_538 = arith.mulf %get3A_535, %mul3A_537 : vector<16xf32>
      %get3A_539 = arith.index_cast %scan3A_532 : i32 to index
      %get3A_540 = arith.constant 0 : index
      %get3A_541 = tpu.vector_load %arg6[%get3A_539, %get3A_540] {strides = array<i32>} : memref<200x64xf32, #tpu.memory_space<vmem>>, vector<1x16xf32>,
      %get3A_542 = vector.shape_cast %get3A_541 : vector<1x16xf32> to vector<16xf32>
      %add3A_543 = arith.addf %mul3A_538, %get3A_542 : vector<16xf32>
      %swap3A = arith.index_cast %scan3A_532 : i32 to index
      %swap3A_544 = arith.constant 0 : index
      %swap3A_545 = tpu.vector_load %arg8[%swap3A, %swap3A_544] {strides = array<i32>} : memref<200x64xf32, #tpu.memory_space<vmem>>, vector<1x16xf32>,
      %swap3A_546 = vector.shape_cast %swap3A_545 : vector<1x16xf32> to vector<16xf32>
      %swap3A_547 = vector.shape_cast %add3A_543 : vector<16xf32> to vector<1x16xf32>
      tpu.vector_store %arg8[%swap3A, %swap3A_544], %swap3A_547 {strides = array<i32>} : memref<200x64xf32, #tpu.memory_space<vmem>>, vector<1x16xf32>,
      %get3A_548 = arith.index_cast %scan3A_532 : i32 to index
      %get3A_549 = arith.constant 16 : index
      %get3A_550 = tpu.vector_load %arg8[%get3A_548, %get3A_549] {strides = array<i32>} : memref<200x64xf32, #tpu.memory_space<vmem>>, vector<1x16xf32>,
      %get3A_551 = vector.shape_cast %get3A_550 : vector<1x16xf32> to vector<16xf32>
      %mul3A_552 = arith.constant 8.000000e+00 : f32
      %mul3A_553 = vector.broadcast %mul3A_552 : f32 to vector<16xf32>
      %mul3A_554 = arith.mulf %get3A_551, %mul3A_553 : vector<16xf32>
      %get3A_555 = arith.index_cast %scan3A_532 : i32 to index
      %get3A_556 = arith.constant 16 : index
      %get3A_557 = tpu.vector_load %arg6[%get3A_555, %get3A_556] {strides = array<i32>} : memref<200x64xf32, #tpu.memory_space<vmem>>, vector<1x16xf32>,
      %get3A_558 = vector.shape_cast %get3A_557 : vector<1x16xf32> to vector<16xf32>
      %add3A_559 = arith.addf %mul3A_554, %get3A_558 : vector<16xf32>
      %swap3A_560 = arith.index_cast %scan3A_532 : i32 to index
      %swap3A_561 = arith.constant 16 : index
      %swap3A_562 = tpu.vector_load %arg8[%swap3A_560, %swap3A_561] {strides = array<i32>} : memref<200x64xf32, #tpu.memory_space<vmem>>, vector<1x16xf32>,
      %swap3A_563 = vector.shape_cast %swap3A_562 : vector<1x16xf32> to vector<16xf32>
      %swap3A_564 = vector.shape_cast %add3A_559 : vector<16xf32> to vector<1x16xf32>
      tpu.vector_store %arg8[%swap3A_560, %swap3A_561], %swap3A_564 {strides = array<i32>} : memref<200x64xf32, #tpu.memory_space<vmem>>, vector<1x16xf32>,
      %get3A_565 = arith.index_cast %scan3A_532 : i32 to index
      %get3A_566 = arith.constant 32 : index
      %get3A_567 = tpu.vector_load %arg8[%get3A_565, %get3A_566] {strides = array<i32>} : memref<200x64xf32, #tpu.memory_space<vmem>>, vector<1x16xf32>,
      %get3A_568 = vector.shape_cast %get3A_567 : vector<1x16xf32> to vector<16xf32>
      %mul3A_569 = arith.constant 8.000000e+00 : f32
      %mul3A_570 = vector.broadcast %mul3A_569 : f32 to vector<16xf32>
      %mul3A_571 = arith.mulf %get3A_568, %mul3A_570 : vector<16xf32>
      %get3A_572 = arith.index_cast %scan3A_532 : i32 to index
      %get3A_573 = arith.constant 32 : index
      %get3A_574 = tpu.vector_load %arg6[%get3A_572, %get3A_573] {strides = array<i32>} : memref<200x64xf32, #tpu.memory_space<vmem>>, vector<1x16xf32>,
      %get3A_575 = vector.shape_cast %get3A_574 : vector<1x16xf32> to vector<16xf32>
      %add3A_576 = arith.addf %mul3A_571, %get3A_575 : vector<16xf32>
      %swap3A_577 = arith.index_cast %scan3A_532 : i32 to index
      %swap3A_578 = arith.constant 32 : index
      %swap3A_579 = tpu.vector_load %arg8[%swap3A_577, %swap3A_578] {strides = array<i32>} : memref<200x64xf32, #tpu.memory_space<vmem>>, vector<1x16xf32>,
      %swap3A_580 = vector.shape_cast %swap3A_579 : vector<1x16xf32> to vector<16xf32>
      %swap3A_581 = vector.shape_cast %add3A_576 : vector<16xf32> to vector<1x16xf32>
      tpu.vector_store %arg8[%swap3A_577, %swap3A_578], %swap3A_581 {strides = array<i32>} : memref<200x64xf32, #tpu.memory_space<vmem>>, vector<1x16xf32>,
      %get3A_582 = arith.index_cast %scan3A_532 : i32 to index
      %get3A_583 = arith.constant 48 : index
      %get3A_584 = tpu.vector_load %arg8[%get3A_582, %get3A_583] {strides = array<i32>} : memref<200x64xf32, #tpu.memory_space<vmem>>, vector<1x16xf32>,
      %get3A_585 = vector.shape_cast %get3A_584 : vector<1x16xf32> to vector<16xf32>
      %mul3A_586 = arith.constant 8.000000e+00 : f32
      %mul3A_587 = vector.broadcast %mul3A_586 : f32 to vector<16xf32>
      %mul3A_588 = arith.mulf %get3A_585, %mul3A_587 : vector<16xf32>
      %get3A_589 = arith.index_cast %scan3A_532 : i32 to index
      %get3A_590 = arith.constant 48 : index
      %get3A_591 = tpu.vector_load %arg6[%get3A_589, %get3A_590] {strides = array<i32>} : memref<200x64xf32, #tpu.memory_space<vmem>>, vector<1x16xf32>,
      %get3A_592 = vector.shape_cast %get3A_591 : vector<1x16xf32> to vector<16xf32>
      %add3A_593 = arith.addf %mul3A_588, %get3A_592 : vector<16xf32>
      %swap3A_594 = arith.index_cast %scan3A_532 : i32 to index
      %swap3A_595 = arith.constant 48 : index
      %swap3A_596 = tpu.vector_load %arg8[%swap3A_594, %swap3A_595] {strides = array<i32>} : memref<200x64xf32, #tpu.memory_space<vmem>>, vector<1x16xf32>,
      %swap3A_597 = vector.shape_cast %swap3A_596 : vector<1x16xf32> to vector<16xf32>
      %swap3A_598 = vector.shape_cast %add3A_593 : vector<16xf32> to vector<1x16xf32>
      tpu.vector_store %arg8[%swap3A_594, %swap3A_595], %swap3A_598 {strides = array<i32>} : memref<200x64xf32, #tpu.memory_space<vmem>>, vector<1x16xf32>,
    }
    %scan3A_91 = arith.constant 200 : i32
    %add3A_92 = arith.constant 0 : i32
    %add3A_93 = arith.addi %mul3A_2, %add3A_92 : i32
    %dma_start3A_94 = arith.constant 0 : i32
    %dma_start3A_95 = arith.constant 0 : i32
    %dma_start3A_96 = tpu.memref_slice %arg5[%add3A_93, %dma_start3A_94, %dma_start3A_95] : memref<4096x200x64xf32, #tpu.memory_space<hbm>> -> memref<1x200x64xf32, #tpu.memory_space<hbm>>
    %dma_start3A_97 = tpu.memref_squeeze %dma_start3A_96 : memref<1x200x64xf32, #tpu.memory_space<hbm>> -> memref<200x64xf32, #tpu.memory_space<hbm>>
    %dma_start3A_98 = arith.constant 0 : i32
    %dma_start3A_99 = arith.constant 0 : i32
    %dma_start3A_100 = tpu.memref_slice %arg5[%add3A_93, %dma_start3A_98, %dma_start3A_99] : memref<4096x200x64xf32, #tpu.memory_space<hbm>> -> memref<1x200x64xf32, #tpu.memory_space<hbm>>
    %dma_start3A_101 = tpu.memref_squeeze %dma_start3A_100 : memref<1x200x64xf32, #tpu.memory_space<hbm>> -> memref<200x64xf32, #tpu.memory_space<hbm>>
    tpu.enqueue_dma source(%arg8 : memref<200x64xf32, #tpu.memory_space<vmem>>) target(%dma_start3A_101 : memref<200x64xf32, #tpu.memory_space<hbm>>) target_semaphore(%arg16 : memref<!tpu.dma_semaphore, #tpu.memory_space<semaphore_mem>>)
    %dma_start3A_102 = arith.constant 3 : i32
    %dma_start3A_103 = arith.constant 0 : i32
    %dma_start3A_104 = arith.constant 0 : i32
    %dma_start3A_105 = tpu.memref_slice %arg11[%dma_start3A_103, %dma_start3A_104] : memref<200x64xf32, #tpu.memory_space<vmem>> -> memref<104x64xf32, #tpu.memory_space<vmem>>
    %dma_start3A_106 = arith.constant 0 : i32
    %dma_start3A_107 = tpu.memref_slice %arg7[%dma_start3A_102, %dma_start3A_106] : memref<128x200xi32, #tpu.memory_space<vmem>> -> memref<1x104xi32, #tpu.memory_space<vmem>>
    %dma_start3A_108 = tpu.memref_squeeze %dma_start3A_107 : memref<1x104xi32, #tpu.memory_space<vmem>> -> memref<104xi32, #tpu.memory_space<vmem>>
    %dma_start3A_109 = arith.constant 0 : i32
    %dma_start3A_110 = arith.constant 0 : i32
    %dma_start3A_111 = tpu.memref_slice %arg2[%dma_start3A_109, %dma_start3A_110] : memref<1000000x64xf32, #tpu.memory_space<hbm>> -> memref<1000000x64xf32, #tpu.memory_space<hbm>>
    tpu.enqueue_indirect_dma source(%dma_start3A_111 : memref<1000000x64xf32, #tpu.memory_space<hbm>>) target(%dma_start3A_105 : memref<104x64xf32, #tpu.memory_space<vmem>>) offsets(%dma_start3A_108 : memref<104xi32, #tpu.memory_space<vmem>>) semaphore(%arg15 : memref<!tpu.dma_semaphore, #tpu.memory_space<semaphore_mem>>)
    %dma_start3A_112 = arith.constant 3 : i32
    %dma_start3A_113 = arith.constant 104 : i32
    %dma_start3A_114 = arith.constant 0 : i32
    %dma_start3A_115 = tpu.memref_slice %arg11[%dma_start3A_113, %dma_start3A_114] : memref<200x64xf32, #tpu.memory_space<vmem>> -> memref<96x64xf32, #tpu.memory_space<vmem>>
    %dma_start3A_116 = arith.constant 104 : i32
    %dma_start3A_117 = tpu.memref_slice %arg7[%dma_start3A_112, %dma_start3A_116] : memref<128x200xi32, #tpu.memory_space<vmem>> -> memref<1x96xi32, #tpu.memory_space<vmem>>
    %dma_start3A_118 = tpu.memref_squeeze %dma_start3A_117 : memref<1x96xi32, #tpu.memory_space<vmem>> -> memref<96xi32, #tpu.memory_space<vmem>>
    %dma_start3A_119 = arith.constant 0 : i32
    %dma_start3A_120 = arith.constant 0 : i32
    %dma_start3A_121 = tpu.memref_slice %arg2[%dma_start3A_119, %dma_start3A_120] : memref<1000000x64xf32, #tpu.memory_space<hbm>> -> memref<1000000x64xf32, #tpu.memory_space<hbm>>
    tpu.enqueue_indirect_dma source(%dma_start3A_121 : memref<1000000x64xf32, #tpu.memory_space<hbm>>) target(%dma_start3A_115 : memref<96x64xf32, #tpu.memory_space<vmem>>) offsets(%dma_start3A_118 : memref<96xi32, #tpu.memory_space<vmem>>) semaphore(%arg15 : memref<!tpu.dma_semaphore, #tpu.memory_space<semaphore_mem>>)
    %dma_wait3A_122 = arith.constant 0 : i32
    %dma_wait3A_123 = arith.constant 0 : i32
    %dma_wait3A_124 = arith.constant 0 : i32
    %dma_wait3A_125 = tpu.memref_slice %arg9[%dma_wait3A_123, %dma_wait3A_124] : memref<200x64xf32, #tpu.memory_space<vmem>> -> memref<104x64xf32, #tpu.memory_space<vmem>>
    %dma_wait3A_126 = arith.constant 0 : i32
    %dma_wait3A_127 = tpu.memref_slice %arg7[%dma_wait3A_122, %dma_wait3A_126] : memref<128x200xi32, #tpu.memory_space<vmem>> -> memref<1x104xi32, #tpu.memory_space<vmem>>
    %dma_wait3A_128 = tpu.memref_squeeze %dma_wait3A_127 : memref<1x104xi32, #tpu.memory_space<vmem>> -> memref<104xi32, #tpu.memory_space<vmem>>
    %dma_wait3A_129 = arith.constant 0 : i32
    %dma_wait3A_130 = arith.constant 0 : i32
    %dma_wait3A_131 = tpu.memref_slice %arg2[%dma_wait3A_129, %dma_wait3A_130] : memref<1000000x64xf32, #tpu.memory_space<hbm>> -> memref<1000000x64xf32, #tpu.memory_space<hbm>>
    tpu.wait_indirect_dma semaphore(%arg13 : memref<!tpu.dma_semaphore, #tpu.memory_space<semaphore_mem>>) src(%dma_wait3A_131 : memref<1000000x64xf32, #tpu.memory_space<hbm>>) dst(%dma_wait3A_125 : memref<104x64xf32, #tpu.memory_space<vmem>>)
    %dma_wait3A_132 = arith.constant 0 : i32
    %dma_wait3A_133 = arith.constant 104 : i32
    %dma_wait3A_134 = arith.constant 0 : i32
    %dma_wait3A_135 = tpu.memref_slice %arg9[%dma_wait3A_133, %dma_wait3A_134] : memref<200x64xf32, #tpu.memory_space<vmem>> -> memref<96x64xf32, #tpu.memory_space<vmem>>
    %dma_wait3A_136 = arith.constant 0 : i32
    %dma_wait3A_137 = tpu.memref_slice %arg7[%dma_wait3A_132, %dma_wait3A_136] : memref<128x200xi32, #tpu.memory_space<vmem>> -> memref<1x96xi32, #tpu.memory_space<vmem>>
    %dma_wait3A_138 = tpu.memref_squeeze %dma_wait3A_137 : memref<1x96xi32, #tpu.memory_space<vmem>> -> memref<96xi32, #tpu.memory_space<vmem>>
    %dma_wait3A_139 = arith.constant 0 : i32
    %dma_wait3A_140 = arith.constant 0 : i32
    %dma_wait3A_141 = tpu.memref_slice %arg2[%dma_wait3A_139, %dma_wait3A_140] : memref<1000000x64xf32, #tpu.memory_space<hbm>> -> memref<1000000x64xf32, #tpu.memory_space<hbm>>
    tpu.wait_indirect_dma semaphore(%arg13 : memref<!tpu.dma_semaphore, #tpu.memory_space<semaphore_mem>>) src(%dma_wait3A_141 : memref<1000000x64xf32, #tpu.memory_space<hbm>>) dst(%dma_wait3A_135 : memref<96x64xf32, #tpu.memory_space<vmem>>)
    %scan3A_142 = arith.constant 0 : i32
    %scan3A_143 = arith.constant 0 : i32
    %scan3A_144 = arith.constant 200 : i32
    %scan3A_145 = arith.addi %scan3A_143, %scan3A_144 : i32
    %scan3A_146 = arith.constant 1 : i32
    scf.for %scan3A_532 = %scan3A_143 to %scan3A_145 step %scan3A_146  : i32 {
      %get3A = arith.index_cast %scan3A_532 : i32 to index
      %get3A_533 = arith.constant 0 : index
      %get3A_534 = tpu.vector_load %arg9[%get3A, %get3A_533] {strides = array<i32>} : memref<200x64xf32, #tpu.memory_space<vmem>>, vector<1x16xf32>,
      %get3A_535 = vector.shape_cast %get3A_534 : vector<1x16xf32> to vector<16xf32>
      %mul3A_536 = arith.constant 8.000000e+00 : f32
      %mul3A_537 = vector.broadcast %mul3A_536 : f32 to vector<16xf32>
      %mul3A_538 = arith.mulf %get3A_535, %mul3A_537 : vector<16xf32>
      %get3A_539 = arith.index_cast %scan3A_532 : i32 to index
      %get3A_540 = arith.constant 0 : index
      %get3A_541 = tpu.vector_load %arg6[%get3A_539, %get3A_540] {strides = array<i32>} : memref<200x64xf32, #tpu.memory_space<vmem>>, vector<1x16xf32>,
      %get3A_542 = vector.shape_cast %get3A_541 : vector<1x16xf32> to vector<16xf32>
      %add3A_543 = arith.addf %mul3A_538, %get3A_542 : vector<16xf32>
      %swap3A = arith.index_cast %scan3A_532 : i32 to index
      %swap3A_544 = arith.constant 0 : index
      %swap3A_545 = tpu.vector_load %arg9[%swap3A, %swap3A_544] {strides = array<i32>} : memref<200x64xf32, #tpu.memory_space<vmem>>, vector<1x16xf32>,
      %swap3A_546 = vector.shape_cast %swap3A_545 : vector<1x16xf32> to vector<16xf32>
      %swap3A_547 = vector.shape_cast %add3A_543 : vector<16xf32> to vector<1x16xf32>
      tpu.vector_store %arg9[%swap3A, %swap3A_544], %swap3A_547 {strides = array<i32>} : memref<200x64xf32, #tpu.memory_space<vmem>>, vector<1x16xf32>,
      %get3A_548 = arith.index_cast %scan3A_532 : i32 to index
      %get3A_549 = arith.constant 16 : index
      %get3A_550 = tpu.vector_load %arg9[%get3A_548, %get3A_549] {strides = array<i32>} : memref<200x64xf32, #tpu.memory_space<vmem>>, vector<1x16xf32>,
      %get3A_551 = vector.shape_cast %get3A_550 : vector<1x16xf32> to vector<16xf32>
      %mul3A_552 = arith.constant 8.000000e+00 : f32
      %mul3A_553 = vector.broadcast %mul3A_552 : f32 to vector<16xf32>
      %mul3A_554 = arith.mulf %get3A_551, %mul3A_553 : vector<16xf32>
      %get3A_555 = arith.index_cast %scan3A_532 : i32 to index
      %get3A_556 = arith.constant 16 : index
      %get3A_557 = tpu.vector_load %arg6[%get3A_555, %get3A_556] {strides = array<i32>} : memref<200x64xf32, #tpu.memory_space<vmem>>, vector<1x16xf32>,
      %get3A_558 = vector.shape_cast %get3A_557 : vector<1x16xf32> to vector<16xf32>
      %add3A_559 = arith.addf %mul3A_554, %get3A_558 : vector<16xf32>
      %swap3A_560 = arith.index_cast %scan3A_532 : i32 to index
      %swap3A_561 = arith.constant 16 : index
      %swap3A_562 = tpu.vector_load %arg9[%swap3A_560, %swap3A_561] {strides = array<i32>} : memref<200x64xf32, #tpu.memory_space<vmem>>, vector<1x16xf32>,
      %swap3A_563 = vector.shape_cast %swap3A_562 : vector<1x16xf32> to vector<16xf32>
      %swap3A_564 = vector.shape_cast %add3A_559 : vector<16xf32> to vector<1x16xf32>
      tpu.vector_store %arg9[%swap3A_560, %swap3A_561], %swap3A_564 {strides = array<i32>} : memref<200x64xf32, #tpu.memory_space<vmem>>, vector<1x16xf32>,
      %get3A_565 = arith.index_cast %scan3A_532 : i32 to index
      %get3A_566 = arith.constant 32 : index
      %get3A_567 = tpu.vector_load %arg9[%get3A_565, %get3A_566] {strides = array<i32>} : memref<200x64xf32, #tpu.memory_space<vmem>>, vector<1x16xf32>,
      %get3A_568 = vector.shape_cast %get3A_567 : vector<1x16xf32> to vector<16xf32>
      %mul3A_569 = arith.constant 8.000000e+00 : f32
      %mul3A_570 = vector.broadcast %mul3A_569 : f32 to vector<16xf32>
      %mul3A_571 = arith.mulf %get3A_568, %mul3A_570 : vector<16xf32>
      %get3A_572 = arith.index_cast %scan3A_532 : i32 to index
      %get3A_573 = arith.constant 32 : index
      %get3A_574 = tpu.vector_load %arg6[%get3A_572, %get3A_573] {strides = array<i32>} : memref<200x64xf32, #tpu.memory_space<vmem>>, vector<1x16xf32>,
      %get3A_575 = vector.shape_cast %get3A_574 : vector<1x16xf32> to vector<16xf32>
      %add3A_576 = arith.addf %mul3A_571, %get3A_575 : vector<16xf32>
      %swap3A_577 = arith.index_cast %scan3A_532 : i32 to index
      %swap3A_578 = arith.constant 32 : index
      %swap3A_579 = tpu.vector_load %arg9[%swap3A_577, %swap3A_578] {strides = array<i32>} : memref<200x64xf32, #tpu.memory_space<vmem>>, vector<1x16xf32>,
      %swap3A_580 = vector.shape_cast %swap3A_579 : vector<1x16xf32> to vector<16xf32>
      %swap3A_581 = vector.shape_cast %add3A_576 : vector<16xf32> to vector<1x16xf32>
      tpu.vector_store %arg9[%swap3A_577, %swap3A_578], %swap3A_581 {strides = array<i32>} : memref<200x64xf32, #tpu.memory_space<vmem>>, vector<1x16xf32>,
      %get3A_582 = arith.index_cast %scan3A_532 : i32 to index
      %get3A_583 = arith.constant 48 : index
      %get3A_584 = tpu.vector_load %arg9[%get3A_582, %get3A_583] {strides = array<i32>} : memref<200x64xf32, #tpu.memory_space<vmem>>, vector<1x16xf32>,
      %get3A_585 = vector.shape_cast %get3A_584 : vector<1x16xf32> to vector<16xf32>
      %mul3A_586 = arith.constant 8.000000e+00 : f32
      %mul3A_587 = vector.broadcast %mul3A_586 : f32 to vector<16xf32>
      %mul3A_588 = arith.mulf %get3A_585, %mul3A_587 : vector<16xf32>
      %get3A_589 = arith.index_cast %scan3A_532 : i32 to index
      %get3A_590 = arith.constant 48 : index
      %get3A_591 = tpu.vector_load %arg6[%get3A_589, %get3A_590] {strides = array<i32>} : memref<200x64xf32, #tpu.memory_space<vmem>>, vector<1x16xf32>,
      %get3A_592 = vector.shape_cast %get3A_591 : vector<1x16xf32> to vector<16xf32>
      %add3A_593 = arith.addf %mul3A_588, %get3A_592 : vector<16xf32>
      %swap3A_594 = arith.index_cast %scan3A_532 : i32 to index
      %swap3A_595 = arith.constant 48 : index
      %swap3A_596 = tpu.vector_load %arg9[%swap3A_594, %swap3A_595] {strides = array<i32>} : memref<200x64xf32, #tpu.memory_space<vmem>>, vector<1x16xf32>,
      %swap3A_597 = vector.shape_cast %swap3A_596 : vector<1x16xf32> to vector<16xf32>
      %swap3A_598 = vector.shape_cast %add3A_593 : vector<16xf32> to vector<1x16xf32>
      tpu.vector_store %arg9[%swap3A_594, %swap3A_595], %swap3A_598 {strides = array<i32>} : memref<200x64xf32, #tpu.memory_space<vmem>>, vector<1x16xf32>,
    }
    %scan3A_147 = arith.constant 200 : i32
    %add3A_148 = arith.constant 1 : i32
    %add3A_149 = arith.addi %mul3A_2, %add3A_148 : i32
    %dma_start3A_150 = arith.constant 0 : i32
    %dma_start3A_151 = arith.constant 0 : i32
    %dma_start3A_152 = tpu.memref_slice %arg5[%add3A_149, %dma_start3A_150, %dma_start3A_151] : memref<4096x200x64xf32, #tpu.memory_space<hbm>> -> memref<1x200x64xf32, #tpu.memory_space<hbm>>
    %dma_start3A_153 = tpu.memref_squeeze %dma_start3A_152 : memref<1x200x64xf32, #tpu.memory_space<hbm>> -> memref<200x64xf32, #tpu.memory_space<hbm>>
    %dma_start3A_154 = arith.constant 0 : i32
    %dma_start3A_155 = arith.constant 0 : i32
    %dma_start3A_156 = tpu.memref_slice %arg5[%add3A_149, %dma_start3A_154, %dma_start3A_155] : memref<4096x200x64xf32, #tpu.memory_space<hbm>> -> memref<1x200x64xf32, #tpu.memory_space<hbm>>
    %dma_start3A_157 = tpu.memref_squeeze %dma_start3A_156 : memref<1x200x64xf32, #tpu.memory_space<hbm>> -> memref<200x64xf32, #tpu.memory_space<hbm>>
    tpu.enqueue_dma source(%arg9 : memref<200x64xf32, #tpu.memory_space<vmem>>) target(%dma_start3A_157 : memref<200x64xf32, #tpu.memory_space<hbm>>) target_semaphore(%arg17 : memref<!tpu.dma_semaphore, #tpu.memory_space<semaphore_mem>>)
    %dma_wait3A_158 = arith.constant 0 : i32
    %dma_wait3A_159 = arith.constant 0 : i32
    %dma_wait3A_160 = arith.constant 0 : i32
    %dma_wait3A_161 = tpu.memref_slice %arg5[%dma_wait3A_158, %dma_wait3A_159, %dma_wait3A_160] : memref<4096x200x64xf32, #tpu.memory_space<hbm>> -> memref<1x200x64xf32, #tpu.memory_space<hbm>>
    %dma_wait3A_162 = tpu.memref_squeeze %dma_wait3A_161 : memref<1x200x64xf32, #tpu.memory_space<hbm>> -> memref<200x64xf32, #tpu.memory_space<hbm>>
    %dma_wait3A_163 = arith.constant 0 : i32
    %dma_wait3A_164 = arith.constant 0 : i32
    %dma_wait3A_165 = tpu.memref_slice %arg5[%dma_wait3A_158, %dma_wait3A_163, %dma_wait3A_164] : memref<4096x200x64xf32, #tpu.memory_space<hbm>> -> memref<1x200x64xf32, #tpu.memory_space<hbm>>
    %dma_wait3A_166 = tpu.memref_squeeze %dma_wait3A_165 : memref<1x200x64xf32, #tpu.memory_space<hbm>> -> memref<200x64xf32, #tpu.memory_space<hbm>>
    tpu.wait_dma2 semaphore(%arg16 : memref<!tpu.dma_semaphore, #tpu.memory_space<semaphore_mem>>) src(%arg8 : memref<200x64xf32, #tpu.memory_space<vmem>>) dst(%dma_wait3A_166 : memref<200x64xf32, #tpu.memory_space<hbm>>)
    %dma_start3A_167 = arith.constant 4 : i32
    %dma_start3A_168 = arith.constant 0 : i32
    %dma_start3A_169 = arith.constant 0 : i32
    %dma_start3A_170 = tpu.memref_slice %arg8[%dma_start3A_168, %dma_start3A_169] : memref<200x64xf32, #tpu.memory_space<vmem>> -> memref<104x64xf32, #tpu.memory_space<vmem>>
    %dma_start3A_171 = arith.constant 0 : i32
    %dma_start3A_172 = tpu.memref_slice %arg7[%dma_start3A_167, %dma_start3A_171] : memref<128x200xi32, #tpu.memory_space<vmem>> -> memref<1x104xi32, #tpu.memory_space<vmem>>
    %dma_start3A_173 = tpu.memref_squeeze %dma_start3A_172 : memref<1x104xi32, #tpu.memory_space<vmem>> -> memref<104xi32, #tpu.memory_space<vmem>>
    %dma_start3A_174 = arith.constant 0 : i32
    %dma_start3A_175 = arith.constant 0 : i32
    %dma_start3A_176 = tpu.memref_slice %arg2[%dma_start3A_174, %dma_start3A_175] : memref<1000000x64xf32, #tpu.memory_space<hbm>> -> memref<1000000x64xf32, #tpu.memory_space<hbm>>
    tpu.enqueue_indirect_dma source(%dma_start3A_176 : memref<1000000x64xf32, #tpu.memory_space<hbm>>) target(%dma_start3A_170 : memref<104x64xf32, #tpu.memory_space<vmem>>) offsets(%dma_start3A_173 : memref<104xi32, #tpu.memory_space<vmem>>) semaphore(%arg12 : memref<!tpu.dma_semaphore, #tpu.memory_space<semaphore_mem>>)
    %dma_start3A_177 = arith.constant 4 : i32
    %dma_start3A_178 = arith.constant 104 : i32
    %dma_start3A_179 = arith.constant 0 : i32
    %dma_start3A_180 = tpu.memref_slice %arg8[%dma_start3A_178, %dma_start3A_179] : memref<200x64xf32, #tpu.memory_space<vmem>> -> memref<96x64xf32, #tpu.memory_space<vmem>>
    %dma_start3A_181 = arith.constant 104 : i32
    %dma_start3A_182 = tpu.memref_slice %arg7[%dma_start3A_177, %dma_start3A_181] : memref<128x200xi32, #tpu.memory_space<vmem>> -> memref<1x96xi32, #tpu.memory_space<vmem>>
    %dma_start3A_183 = tpu.memref_squeeze %dma_start3A_182 : memref<1x96xi32, #tpu.memory_space<vmem>> -> memref<96xi32, #tpu.memory_space<vmem>>
    %dma_start3A_184 = arith.constant 0 : i32
    %dma_start3A_185 = arith.constant 0 : i32
    %dma_start3A_186 = tpu.memref_slice %arg2[%dma_start3A_184, %dma_start3A_185] : memref<1000000x64xf32, #tpu.memory_space<hbm>> -> memref<1000000x64xf32, #tpu.memory_space<hbm>>
    tpu.enqueue_indirect_dma source(%dma_start3A_186 : memref<1000000x64xf32, #tpu.memory_space<hbm>>) target(%dma_start3A_180 : memref<96x64xf32, #tpu.memory_space<vmem>>) offsets(%dma_start3A_183 : memref<96xi32, #tpu.memory_space<vmem>>) semaphore(%arg12 : memref<!tpu.dma_semaphore, #tpu.memory_space<semaphore_mem>>)
    %dma_wait3A_187 = arith.constant 0 : i32
    %dma_wait3A_188 = arith.constant 0 : i32
    %dma_wait3A_189 = arith.constant 0 : i32
    %dma_wait3A_190 = tpu.memref_slice %arg10[%dma_wait3A_188, %dma_wait3A_189] : memref<200x64xf32, #tpu.memory_space<vmem>> -> memref<104x64xf32, #tpu.memory_space<vmem>>
    %dma_wait3A_191 = arith.constant 0 : i32
    %dma_wait3A_192 = tpu.memref_slice %arg7[%dma_wait3A_187, %dma_wait3A_191] : memref<128x200xi32, #tpu.memory_space<vmem>> -> memref<1x104xi32, #tpu.memory_space<vmem>>
    %dma_wait3A_193 = tpu.memref_squeeze %dma_wait3A_192 : memref<1x104xi32, #tpu.memory_space<vmem>> -> memref<104xi32, #tpu.memory_space<vmem>>
    %dma_wait3A_194 = arith.constant 0 : i32
    %dma_wait3A_195 = arith.constant 0 : i32
    %dma_wait3A_196 = tpu.memref_slice %arg2[%dma_wait3A_194, %dma_wait3A_195] : memref<1000000x64xf32, #tpu.memory_space<hbm>> -> memref<1000000x64xf32, #tpu.memory_space<hbm>>
    tpu.wait_indirect_dma semaphore(%arg14 : memref<!tpu.dma_semaphore, #tpu.memory_space<semaphore_mem>>) src(%dma_wait3A_196 : memref<1000000x64xf32, #tpu.memory_space<hbm>>) dst(%dma_wait3A_190 : memref<104x64xf32, #tpu.memory_space<vmem>>)
    %dma_wait3A_197 = arith.constant 0 : i32
    %dma_wait3A_198 = arith.constant 104 : i32
    %dma_wait3A_199 = arith.constant 0 : i32
    %dma_wait3A_200 = tpu.memref_slice %arg10[%dma_wait3A_198, %dma_wait3A_199] : memref<200x64xf32, #tpu.memory_space<vmem>> -> memref<96x64xf32, #tpu.memory_space<vmem>>
    %dma_wait3A_201 = arith.constant 0 : i32
    %dma_wait3A_202 = tpu.memref_slice %arg7[%dma_wait3A_197, %dma_wait3A_201] : memref<128x200xi32, #tpu.memory_space<vmem>> -> memref<1x96xi32, #tpu.memory_space<vmem>>
    %dma_wait3A_203 = tpu.memref_squeeze %dma_wait3A_202 : memref<1x96xi32, #tpu.memory_space<vmem>> -> memref<96xi32, #tpu.memory_space<vmem>>
    %dma_wait3A_204 = arith.constant 0 : i32
    %dma_wait3A_205 = arith.constant 0 : i32
    %dma_wait3A_206 = tpu.memref_slice %arg2[%dma_wait3A_204, %dma_wait3A_205] : memref<1000000x64xf32, #tpu.memory_space<hbm>> -> memref<1000000x64xf32, #tpu.memory_space<hbm>>
    tpu.wait_indirect_dma semaphore(%arg14 : memref<!tpu.dma_semaphore, #tpu.memory_space<semaphore_mem>>) src(%dma_wait3A_206 : memref<1000000x64xf32, #tpu.memory_space<hbm>>) dst(%dma_wait3A_200 : memref<96x64xf32, #tpu.memory_space<vmem>>)
    %scan3A_207 = arith.constant 0 : i32
    %scan3A_208 = arith.constant 0 : i32
    %scan3A_209 = arith.constant 200 : i32
    %scan3A_210 = arith.addi %scan3A_208, %scan3A_209 : i32
    %scan3A_211 = arith.constant 1 : i32
    scf.for %scan3A_532 = %scan3A_208 to %scan3A_210 step %scan3A_211  : i32 {
      %get3A = arith.index_cast %scan3A_532 : i32 to index
      %get3A_533 = arith.constant 0 : index
      %get3A_534 = tpu.vector_load %arg10[%get3A, %get3A_533] {strides = array<i32>} : memref<200x64xf32, #tpu.memory_space<vmem>>, vector<1x16xf32>,
      %get3A_535 = vector.shape_cast %get3A_534 : vector<1x16xf32> to vector<16xf32>
      %mul3A_536 = arith.constant 8.000000e+00 : f32
      %mul3A_537 = vector.broadcast %mul3A_536 : f32 to vector<16xf32>
      %mul3A_538 = arith.mulf %get3A_535, %mul3A_537 : vector<16xf32>
      %get3A_539 = arith.index_cast %scan3A_532 : i32 to index
      %get3A_540 = arith.constant 0 : index
      %get3A_541 = tpu.vector_load %arg6[%get3A_539, %get3A_540] {strides = array<i32>} : memref<200x64xf32, #tpu.memory_space<vmem>>, vector<1x16xf32>,
      %get3A_542 = vector.shape_cast %get3A_541 : vector<1x16xf32> to vector<16xf32>
      %add3A_543 = arith.addf %mul3A_538, %get3A_542 : vector<16xf32>
      %swap3A = arith.index_cast %scan3A_532 : i32 to index
      %swap3A_544 = arith.constant 0 : index
      %swap3A_545 = tpu.vector_load %arg10[%swap3A, %swap3A_544] {strides = array<i32>} : memref<200x64xf32, #tpu.memory_space<vmem>>, vector<1x16xf32>,
      %swap3A_546 = vector.shape_cast %swap3A_545 : vector<1x16xf32> to vector<16xf32>
      %swap3A_547 = vector.shape_cast %add3A_543 : vector<16xf32> to vector<1x16xf32>
      tpu.vector_store %arg10[%swap3A, %swap3A_544], %swap3A_547 {strides = array<i32>} : memref<200x64xf32, #tpu.memory_space<vmem>>, vector<1x16xf32>,
      %get3A_548 = arith.index_cast %scan3A_532 : i32 to index
      %get3A_549 = arith.constant 16 : index
      %get3A_550 = tpu.vector_load %arg10[%get3A_548, %get3A_549] {strides = array<i32>} : memref<200x64xf32, #tpu.memory_space<vmem>>, vector<1x16xf32>,
      %get3A_551 = vector.shape_cast %get3A_550 : vector<1x16xf32> to vector<16xf32>
      %mul3A_552 = arith.constant 8.000000e+00 : f32
      %mul3A_553 = vector.broadcast %mul3A_552 : f32 to vector<16xf32>
      %mul3A_554 = arith.mulf %get3A_551, %mul3A_553 : vector<16xf32>
      %get3A_555 = arith.index_cast %scan3A_532 : i32 to index
      %get3A_556 = arith.constant 16 : index
      %get3A_557 = tpu.vector_load %arg6[%get3A_555, %get3A_556] {strides = array<i32>} : memref<200x64xf32, #tpu.memory_space<vmem>>, vector<1x16xf32>,
      %get3A_558 = vector.shape_cast %get3A_557 : vector<1x16xf32> to vector<16xf32>
      %add3A_559 = arith.addf %mul3A_554, %get3A_558 : vector<16xf32>
      %swap3A_560 = arith.index_cast %scan3A_532 : i32 to index
      %swap3A_561 = arith.constant 16 : index
      %swap3A_562 = tpu.vector_load %arg10[%swap3A_560, %swap3A_561] {strides = array<i32>} : memref<200x64xf32, #tpu.memory_space<vmem>>, vector<1x16xf32>,
      %swap3A_563 = vector.shape_cast %swap3A_562 : vector<1x16xf32> to vector<16xf32>
      %swap3A_564 = vector.shape_cast %add3A_559 : vector<16xf32> to vector<1x16xf32>
      tpu.vector_store %arg10[%swap3A_560, %swap3A_561], %swap3A_564 {strides = array<i32>} : memref<200x64xf32, #tpu.memory_space<vmem>>, vector<1x16xf32>,
      %get3A_565 = arith.index_cast %scan3A_532 : i32 to index
      %get3A_566 = arith.constant 32 : index
      %get3A_567 = tpu.vector_load %arg10[%get3A_565, %get3A_566] {strides = array<i32>} : memref<200x64xf32, #tpu.memory_space<vmem>>, vector<1x16xf32>,
      %get3A_568 = vector.shape_cast %get3A_567 : vector<1x16xf32> to vector<16xf32>
      %mul3A_569 = arith.constant 8.000000e+00 : f32
      %mul3A_570 = vector.broadcast %mul3A_569 : f32 to vector<16xf32>
      %mul3A_571 = arith.mulf %get3A_568, %mul3A_570 : vector<16xf32>
      %get3A_572 = arith.index_cast %scan3A_532 : i32 to index
      %get3A_573 = arith.constant 32 : index
      %get3A_574 = tpu.vector_load %arg6[%get3A_572, %get3A_573] {strides = array<i32>} : memref<200x64xf32, #tpu.memory_space<vmem>>, vector<1x16xf32>,
      %get3A_575 = vector.shape_cast %get3A_574 : vector<1x16xf32> to vector<16xf32>
      %add3A_576 = arith.addf %mul3A_571, %get3A_575 : vector<16xf32>
      %swap3A_577 = arith.index_cast %scan3A_532 : i32 to index
      %swap3A_578 = arith.constant 32 : index
      %swap3A_579 = tpu.vector_load %arg10[%swap3A_577, %swap3A_578] {strides = array<i32>} : memref<200x64xf32, #tpu.memory_space<vmem>>, vector<1x16xf32>,
      %swap3A_580 = vector.shape_cast %swap3A_579 : vector<1x16xf32> to vector<16xf32>
      %swap3A_581 = vector.shape_cast %add3A_576 : vector<16xf32> to vector<1x16xf32>
      tpu.vector_store %arg10[%swap3A_577, %swap3A_578], %swap3A_581 {strides = array<i32>} : memref<200x64xf32, #tpu.memory_space<vmem>>, vector<1x16xf32>,
      %get3A_582 = arith.index_cast %scan3A_532 : i32 to index
      %get3A_583 = arith.constant 48 : index
      %get3A_584 = tpu.vector_load %arg10[%get3A_582, %get3A_583] {strides = array<i32>} : memref<200x64xf32, #tpu.memory_space<vmem>>, vector<1x16xf32>,
      %get3A_585 = vector.shape_cast %get3A_584 : vector<1x16xf32> to vector<16xf32>
      %mul3A_586 = arith.constant 8.000000e+00 : f32
      %mul3A_587 = vector.broadcast %mul3A_586 : f32 to vector<16xf32>
      %mul3A_588 = arith.mulf %get3A_585, %mul3A_587 : vector<16xf32>
      %get3A_589 = arith.index_cast %scan3A_532 : i32 to index
      %get3A_590 = arith.constant 48 : index
      %get3A_591 = tpu.vector_load %arg6[%get3A_589, %get3A_590] {strides = array<i32>} : memref<200x64xf32, #tpu.memory_space<vmem>>, vector<1x16xf32>,
      %get3A_592 = vector.shape_cast %get3A_591 : vector<1x16xf32> to vector<16xf32>
      %add3A_593 = arith.addf %mul3A_588, %get3A_592 : vector<16xf32>
      %swap3A_594 = arith.index_cast %scan3A_532 : i32 to index
      %swap3A_595 = arith.constant 48 : index
      %swap3A_596 = tpu.vector_load %arg10[%swap3A_594, %swap3A_595] {strides = array<i32>} : memref<200x64xf32, #tpu.memory_space<vmem>>, vector<1x16xf32>,
      %swap3A_597 = vector.shape_cast %swap3A_596 : vector<1x16xf32> to vector<16xf32>
      %swap3A_598 = vector.shape_cast %add3A_593 : vector<16xf32> to vector<1x16xf32>
      tpu.vector_store %arg10[%swap3A_594, %swap3A_595], %swap3A_598 {strides = array<i32>} : memref<200x64xf32, #tpu.memory_space<vmem>>, vector<1x16xf32>,
    }
    %scan3A_212 = arith.constant 200 : i32
    %add3A_213 = arith.constant 2 : i32
    %add3A_214 = arith.addi %mul3A_2, %add3A_213 : i32
    %dma_start3A_215 = arith.constant 0 : i32
    %dma_start3A_216 = arith.constant 0 : i32
    %dma_start3A_217 = tpu.memref_slice %arg5[%add3A_214, %dma_start3A_215, %dma_start3A_216] : memref<4096x200x64xf32, #tpu.memory_space<hbm>> -> memref<1x200x64xf32, #tpu.memory_space<hbm>>
    %dma_start3A_218 = tpu.memref_squeeze %dma_start3A_217 : memref<1x200x64xf32, #tpu.memory_space<hbm>> -> memref<200x64xf32, #tpu.memory_space<hbm>>
    %dma_start3A_219 = arith.constant 0 : i32
    %dma_start3A_220 = arith.constant 0 : i32
    %dma_start3A_221 = tpu.memref_slice %arg5[%add3A_214, %dma_start3A_219, %dma_start3A_220] : memref<4096x200x64xf32, #tpu.memory_space<hbm>> -> memref<1x200x64xf32, #tpu.memory_space<hbm>>
    %dma_start3A_222 = tpu.memref_squeeze %dma_start3A_221 : memref<1x200x64xf32, #tpu.memory_space<hbm>> -> memref<200x64xf32, #tpu.memory_space<hbm>>
    tpu.enqueue_dma source(%arg10 : memref<200x64xf32, #tpu.memory_space<vmem>>) target(%dma_start3A_222 : memref<200x64xf32, #tpu.memory_space<hbm>>) target_semaphore(%arg18 : memref<!tpu.dma_semaphore, #tpu.memory_space<semaphore_mem>>)
    %dma_wait3A_223 = arith.constant 0 : i32
    %dma_wait3A_224 = arith.constant 0 : i32
    %dma_wait3A_225 = arith.constant 0 : i32
    %dma_wait3A_226 = tpu.memref_slice %arg5[%dma_wait3A_223, %dma_wait3A_224, %dma_wait3A_225] : memref<4096x200x64xf32, #tpu.memory_space<hbm>> -> memref<1x200x64xf32, #tpu.memory_space<hbm>>
    %dma_wait3A_227 = tpu.memref_squeeze %dma_wait3A_226 : memref<1x200x64xf32, #tpu.memory_space<hbm>> -> memref<200x64xf32, #tpu.memory_space<hbm>>
    %dma_wait3A_228 = arith.constant 0 : i32
    %dma_wait3A_229 = arith.constant 0 : i32
    %dma_wait3A_230 = tpu.memref_slice %arg5[%dma_wait3A_223, %dma_wait3A_228, %dma_wait3A_229] : memref<4096x200x64xf32, #tpu.memory_space<hbm>> -> memref<1x200x64xf32, #tpu.memory_space<hbm>>
    %dma_wait3A_231 = tpu.memref_squeeze %dma_wait3A_230 : memref<1x200x64xf32, #tpu.memory_space<hbm>> -> memref<200x64xf32, #tpu.memory_space<hbm>>
    tpu.wait_dma2 semaphore(%arg17 : memref<!tpu.dma_semaphore, #tpu.memory_space<semaphore_mem>>) src(%arg9 : memref<200x64xf32, #tpu.memory_space<vmem>>) dst(%dma_wait3A_231 : memref<200x64xf32, #tpu.memory_space<hbm>>)
    %dma_start3A_232 = arith.constant 5 : i32
    %dma_start3A_233 = arith.constant 0 : i32
    %dma_start3A_234 = arith.constant 0 : i32
    %dma_start3A_235 = tpu.memref_slice %arg9[%dma_start3A_233, %dma_start3A_234] : memref<200x64xf32, #tpu.memory_space<vmem>> -> memref<104x64xf32, #tpu.memory_space<vmem>>
    %dma_start3A_236 = arith.constant 0 : i32
    %dma_start3A_237 = tpu.memref_slice %arg7[%dma_start3A_232, %dma_start3A_236] : memref<128x200xi32, #tpu.memory_space<vmem>> -> memref<1x104xi32, #tpu.memory_space<vmem>>
    %dma_start3A_238 = tpu.memref_squeeze %dma_start3A_237 : memref<1x104xi32, #tpu.memory_space<vmem>> -> memref<104xi32, #tpu.memory_space<vmem>>
    %dma_start3A_239 = arith.constant 0 : i32
    %dma_start3A_240 = arith.constant 0 : i32
    %dma_start3A_241 = tpu.memref_slice %arg2[%dma_start3A_239, %dma_start3A_240] : memref<1000000x64xf32, #tpu.memory_space<hbm>> -> memref<1000000x64xf32, #tpu.memory_space<hbm>>
    tpu.enqueue_indirect_dma source(%dma_start3A_241 : memref<1000000x64xf32, #tpu.memory_space<hbm>>) target(%dma_start3A_235 : memref<104x64xf32, #tpu.memory_space<vmem>>) offsets(%dma_start3A_238 : memref<104xi32, #tpu.memory_space<vmem>>) semaphore(%arg13 : memref<!tpu.dma_semaphore, #tpu.memory_space<semaphore_mem>>)
    %dma_start3A_242 = arith.constant 5 : i32
    %dma_start3A_243 = arith.constant 104 : i32
    %dma_start3A_244 = arith.constant 0 : i32
    %dma_start3A_245 = tpu.memref_slice %arg9[%dma_start3A_243, %dma_start3A_244] : memref<200x64xf32, #tpu.memory_space<vmem>> -> memref<96x64xf32, #tpu.memory_space<vmem>>
    %dma_start3A_246 = arith.constant 104 : i32
    %dma_start3A_247 = tpu.memref_slice %arg7[%dma_start3A_242, %dma_start3A_246] : memref<128x200xi32, #tpu.memory_space<vmem>> -> memref<1x96xi32, #tpu.memory_space<vmem>>
    %dma_start3A_248 = tpu.memref_squeeze %dma_start3A_247 : memref<1x96xi32, #tpu.memory_space<vmem>> -> memref<96xi32, #tpu.memory_space<vmem>>
    %dma_start3A_249 = arith.constant 0 : i32
    %dma_start3A_250 = arith.constant 0 : i32
    %dma_start3A_251 = tpu.memref_slice %arg2[%dma_start3A_249, %dma_start3A_250] : memref<1000000x64xf32, #tpu.memory_space<hbm>> -> memref<1000000x64xf32, #tpu.memory_space<hbm>>
    tpu.enqueue_indirect_dma source(%dma_start3A_251 : memref<1000000x64xf32, #tpu.memory_space<hbm>>) target(%dma_start3A_245 : memref<96x64xf32, #tpu.memory_space<vmem>>) offsets(%dma_start3A_248 : memref<96xi32, #tpu.memory_space<vmem>>) semaphore(%arg13 : memref<!tpu.dma_semaphore, #tpu.memory_space<semaphore_mem>>)
    %dma_wait3A_252 = arith.constant 0 : i32
    %dma_wait3A_253 = arith.constant 0 : i32
    %dma_wait3A_254 = arith.constant 0 : i32
    %dma_wait3A_255 = tpu.memref_slice %arg11[%dma_wait3A_253, %dma_wait3A_254] : memref<200x64xf32, #tpu.memory_space<vmem>> -> memref<104x64xf32, #tpu.memory_space<vmem>>
    %dma_wait3A_256 = arith.constant 0 : i32
    %dma_wait3A_257 = tpu.memref_slice %arg7[%dma_wait3A_252, %dma_wait3A_256] : memref<128x200xi32, #tpu.memory_space<vmem>> -> memref<1x104xi32, #tpu.memory_space<vmem>>
    %dma_wait3A_258 = tpu.memref_squeeze %dma_wait3A_257 : memref<1x104xi32, #tpu.memory_space<vmem>> -> memref<104xi32, #tpu.memory_space<vmem>>
    %dma_wait3A_259 = arith.constant 0 : i32
    %dma_wait3A_260 = arith.constant 0 : i32
    %dma_wait3A_261 = tpu.memref_slice %arg2[%dma_wait3A_259, %dma_wait3A_260] : memref<1000000x64xf32, #tpu.memory_space<hbm>> -> memref<1000000x64xf32, #tpu.memory_space<hbm>>
    tpu.wait_indirect_dma semaphore(%arg15 : memref<!tpu.dma_semaphore, #tpu.memory_space<semaphore_mem>>) src(%dma_wait3A_261 : memref<1000000x64xf32, #tpu.memory_space<hbm>>) dst(%dma_wait3A_255 : memref<104x64xf32, #tpu.memory_space<vmem>>)
    %dma_wait3A_262 = arith.constant 0 : i32
    %dma_wait3A_263 = arith.constant 104 : i32
    %dma_wait3A_264 = arith.constant 0 : i32
    %dma_wait3A_265 = tpu.memref_slice %arg11[%dma_wait3A_263, %dma_wait3A_264] : memref<200x64xf32, #tpu.memory_space<vmem>> -> memref<96x64xf32, #tpu.memory_space<vmem>>
    %dma_wait3A_266 = arith.constant 0 : i32
    %dma_wait3A_267 = tpu.memref_slice %arg7[%dma_wait3A_262, %dma_wait3A_266] : memref<128x200xi32, #tpu.memory_space<vmem>> -> memref<1x96xi32, #tpu.memory_space<vmem>>
    %dma_wait3A_268 = tpu.memref_squeeze %dma_wait3A_267 : memref<1x96xi32, #tpu.memory_space<vmem>> -> memref<96xi32, #tpu.memory_space<vmem>>
    %dma_wait3A_269 = arith.constant 0 : i32
    %dma_wait3A_270 = arith.constant 0 : i32
    %dma_wait3A_271 = tpu.memref_slice %arg2[%dma_wait3A_269, %dma_wait3A_270] : memref<1000000x64xf32, #tpu.memory_space<hbm>> -> memref<1000000x64xf32, #tpu.memory_space<hbm>>
    tpu.wait_indirect_dma semaphore(%arg15 : memref<!tpu.dma_semaphore, #tpu.memory_space<semaphore_mem>>) src(%dma_wait3A_271 : memref<1000000x64xf32, #tpu.memory_space<hbm>>) dst(%dma_wait3A_265 : memref<96x64xf32, #tpu.memory_space<vmem>>)
    %scan3A_272 = arith.constant 0 : i32
    %scan3A_273 = arith.constant 0 : i32
    %scan3A_274 = arith.constant 200 : i32
    %scan3A_275 = arith.addi %scan3A_273, %scan3A_274 : i32
    %scan3A_276 = arith.constant 1 : i32
    scf.for %scan3A_532 = %scan3A_273 to %scan3A_275 step %scan3A_276  : i32 {
      %get3A = arith.index_cast %scan3A_532 : i32 to index
      %get3A_533 = arith.constant 0 : index
      %get3A_534 = tpu.vector_load %arg11[%get3A, %get3A_533] {strides = array<i32>} : memref<200x64xf32, #tpu.memory_space<vmem>>, vector<1x16xf32>,
      %get3A_535 = vector.shape_cast %get3A_534 : vector<1x16xf32> to vector<16xf32>
      %mul3A_536 = arith.constant 8.000000e+00 : f32
      %mul3A_537 = vector.broadcast %mul3A_536 : f32 to vector<16xf32>
      %mul3A_538 = arith.mulf %get3A_535, %mul3A_537 : vector<16xf32>
      %get3A_539 = arith.index_cast %scan3A_532 : i32 to index
      %get3A_540 = arith.constant 0 : index
      %get3A_541 = tpu.vector_load %arg6[%get3A_539, %get3A_540] {strides = array<i32>} : memref<200x64xf32, #tpu.memory_space<vmem>>, vector<1x16xf32>,
      %get3A_542 = vector.shape_cast %get3A_541 : vector<1x16xf32> to vector<16xf32>
      %add3A_543 = arith.addf %mul3A_538, %get3A_542 : vector<16xf32>
      %swap3A = arith.index_cast %scan3A_532 : i32 to index
      %swap3A_544 = arith.constant 0 : index
      %swap3A_545 = tpu.vector_load %arg11[%swap3A, %swap3A_544] {strides = array<i32>} : memref<200x64xf32, #tpu.memory_space<vmem>>, vector<1x16xf32>,
      %swap3A_546 = vector.shape_cast %swap3A_545 : vector<1x16xf32> to vector<16xf32>
      %swap3A_547 = vector.shape_cast %add3A_543 : vector<16xf32> to vector<1x16xf32>
      tpu.vector_store %arg11[%swap3A, %swap3A_544], %swap3A_547 {strides = array<i32>} : memref<200x64xf32, #tpu.memory_space<vmem>>, vector<1x16xf32>,
      %get3A_548 = arith.index_cast %scan3A_532 : i32 to index
      %get3A_549 = arith.constant 16 : index
      %get3A_550 = tpu.vector_load %arg11[%get3A_548, %get3A_549] {strides = array<i32>} : memref<200x64xf32, #tpu.memory_space<vmem>>, vector<1x16xf32>,
      %get3A_551 = vector.shape_cast %get3A_550 : vector<1x16xf32> to vector<16xf32>
      %mul3A_552 = arith.constant 8.000000e+00 : f32
      %mul3A_553 = vector.broadcast %mul3A_552 : f32 to vector<16xf32>
      %mul3A_554 = arith.mulf %get3A_551, %mul3A_553 : vector<16xf32>
      %get3A_555 = arith.index_cast %scan3A_532 : i32 to index
      %get3A_556 = arith.constant 16 : index
      %get3A_557 = tpu.vector_load %arg6[%get3A_555, %get3A_556] {strides = array<i32>} : memref<200x64xf32, #tpu.memory_space<vmem>>, vector<1x16xf32>,
      %get3A_558 = vector.shape_cast %get3A_557 : vector<1x16xf32> to vector<16xf32>
      %add3A_559 = arith.addf %mul3A_554, %get3A_558 : vector<16xf32>
      %swap3A_560 = arith.index_cast %scan3A_532 : i32 to index
      %swap3A_561 = arith.constant 16 : index
      %swap3A_562 = tpu.vector_load %arg11[%swap3A_560, %swap3A_561] {strides = array<i32>} : memref<200x64xf32, #tpu.memory_space<vmem>>, vector<1x16xf32>,
      %swap3A_563 = vector.shape_cast %swap3A_562 : vector<1x16xf32> to vector<16xf32>
      %swap3A_564 = vector.shape_cast %add3A_559 : vector<16xf32> to vector<1x16xf32>
      tpu.vector_store %arg11[%swap3A_560, %swap3A_561], %swap3A_564 {strides = array<i32>} : memref<200x64xf32, #tpu.memory_space<vmem>>, vector<1x16xf32>,
      %get3A_565 = arith.index_cast %scan3A_532 : i32 to index
      %get3A_566 = arith.constant 32 : index
      %get3A_567 = tpu.vector_load %arg11[%get3A_565, %get3A_566] {strides = array<i32>} : memref<200x64xf32, #tpu.memory_space<vmem>>, vector<1x16xf32>,
      %get3A_568 = vector.shape_cast %get3A_567 : vector<1x16xf32> to vector<16xf32>
      %mul3A_569 = arith.constant 8.000000e+00 : f32
      %mul3A_570 = vector.broadcast %mul3A_569 : f32 to vector<16xf32>
      %mul3A_571 = arith.mulf %get3A_568, %mul3A_570 : vector<16xf32>
      %get3A_572 = arith.index_cast %scan3A_532 : i32 to index
      %get3A_573 = arith.constant 32 : index
      %get3A_574 = tpu.vector_load %arg6[%get3A_572, %get3A_573] {strides = array<i32>} : memref<200x64xf32, #tpu.memory_space<vmem>>, vector<1x16xf32>,
      %get3A_575 = vector.shape_cast %get3A_574 : vector<1x16xf32> to vector<16xf32>
      %add3A_576 = arith.addf %mul3A_571, %get3A_575 : vector<16xf32>
      %swap3A_577 = arith.index_cast %scan3A_532 : i32 to index
      %swap3A_578 = arith.constant 32 : index
      %swap3A_579 = tpu.vector_load %arg11[%swap3A_577, %swap3A_578] {strides = array<i32>} : memref<200x64xf32, #tpu.memory_space<vmem>>, vector<1x16xf32>,
      %swap3A_580 = vector.shape_cast %swap3A_579 : vector<1x16xf32> to vector<16xf32>
      %swap3A_581 = vector.shape_cast %add3A_576 : vector<16xf32> to vector<1x16xf32>
      tpu.vector_store %arg11[%swap3A_577, %swap3A_578], %swap3A_581 {strides = array<i32>} : memref<200x64xf32, #tpu.memory_space<vmem>>, vector<1x16xf32>,
      %get3A_582 = arith.index_cast %scan3A_532 : i32 to index
      %get3A_583 = arith.constant 48 : index
      %get3A_584 = tpu.vector_load %arg11[%get3A_582, %get3A_583] {strides = array<i32>} : memref<200x64xf32, #tpu.memory_space<vmem>>, vector<1x16xf32>,
      %get3A_585 = vector.shape_cast %get3A_584 : vector<1x16xf32> to vector<16xf32>
      %mul3A_586 = arith.constant 8.000000e+00 : f32
      %mul3A_587 = vector.broadcast %mul3A_586 : f32 to vector<16xf32>
      %mul3A_588 = arith.mulf %get3A_585, %mul3A_587 : vector<16xf32>
      %get3A_589 = arith.index_cast %scan3A_532 : i32 to index
      %get3A_590 = arith.constant 48 : index
      %get3A_591 = tpu.vector_load %arg6[%get3A_589, %get3A_590] {strides = array<i32>} : memref<200x64xf32, #tpu.memory_space<vmem>>, vector<1x16xf32>,
      %get3A_592 = vector.shape_cast %get3A_591 : vector<1x16xf32> to vector<16xf32>
      %add3A_593 = arith.addf %mul3A_588, %get3A_592 : vector<16xf32>
      %swap3A_594 = arith.index_cast %scan3A_532 : i32 to index
      %swap3A_595 = arith.constant 48 : index
      %swap3A_596 = tpu.vector_load %arg11[%swap3A_594, %swap3A_595] {strides = array<i32>} : memref<200x64xf32, #tpu.memory_space<vmem>>, vector<1x16xf32>,
      %swap3A_597 = vector.shape_cast %swap3A_596 : vector<1x16xf32> to vector<16xf32>
      %swap3A_598 = vector.shape_cast %add3A_593 : vector<16xf32> to vector<1x16xf32>
      tpu.vector_store %arg11[%swap3A_594, %swap3A_595], %swap3A_598 {strides = array<i32>} : memref<200x64xf32, #tpu.memory_space<vmem>>, vector<1x16xf32>,
    }
    %scan3A_277 = arith.constant 200 : i32
    %add3A_278 = arith.constant 3 : i32
    %add3A_279 = arith.addi %mul3A_2, %add3A_278 : i32
    %dma_start3A_280 = arith.constant 0 : i32
    %dma_start3A_281 = arith.constant 0 : i32
    %dma_start3A_282 = tpu.memref_slice %arg5[%add3A_279, %dma_start3A_280, %dma_start3A_281] : memref<4096x200x64xf32, #tpu.memory_space<hbm>> -> memref<1x200x64xf32, #tpu.memory_space<hbm>>
    %dma_start3A_283 = tpu.memref_squeeze %dma_start3A_282 : memref<1x200x64xf32, #tpu.memory_space<hbm>> -> memref<200x64xf32, #tpu.memory_space<hbm>>
    %dma_start3A_284 = arith.constant 0 : i32
    %dma_start3A_285 = arith.constant 0 : i32
    %dma_start3A_286 = tpu.memref_slice %arg5[%add3A_279, %dma_start3A_284, %dma_start3A_285] : memref<4096x200x64xf32, #tpu.memory_space<hbm>> -> memref<1x200x64xf32, #tpu.memory_space<hbm>>
    %dma_start3A_287 = tpu.memref_squeeze %dma_start3A_286 : memref<1x200x64xf32, #tpu.memory_space<hbm>> -> memref<200x64xf32, #tpu.memory_space<hbm>>
    tpu.enqueue_dma source(%arg11 : memref<200x64xf32, #tpu.memory_space<vmem>>) target(%dma_start3A_287 : memref<200x64xf32, #tpu.memory_space<hbm>>) target_semaphore(%arg19 : memref<!tpu.dma_semaphore, #tpu.memory_space<semaphore_mem>>)
    %scan3A_288 = arith.constant 0 : i32
    %scan3A_289 = arith.constant 1 : i32
    %scan3A_290 = arith.constant 30 : i32
    %scan3A_291 = arith.addi %scan3A_289, %scan3A_290 : i32
    %scan3A_292 = arith.constant 1 : i32
    scf.for %scan3A_532 = %scan3A_289 to %scan3A_291 step %scan3A_292  : i32 {
      %mul3A_533 = arith.constant 4 : i32
      %mul3A_534 = arith.muli %scan3A_532, %mul3A_533 : i32
      %add3A_535 = arith.constant 0 : i32
      %add3A_536 = arith.addi %mul3A_534, %add3A_535 : i32
      %dma_wait3A_537 = arith.constant 0 : i32
      %dma_wait3A_538 = arith.constant 0 : i32
      %dma_wait3A_539 = arith.constant 0 : i32
      %dma_wait3A_540 = tpu.memref_slice %arg5[%dma_wait3A_537, %dma_wait3A_538, %dma_wait3A_539] : memref<4096x200x64xf32, #tpu.memory_space<hbm>> -> memref<1x200x64xf32, #tpu.memory_space<hbm>>
      %dma_wait3A_541 = tpu.memref_squeeze %dma_wait3A_540 : memref<1x200x64xf32, #tpu.memory_space<hbm>> -> memref<200x64xf32, #tpu.memory_space<hbm>>
      %dma_wait3A_542 = arith.constant 0 : i32
      %dma_wait3A_543 = arith.constant 0 : i32
      %dma_wait3A_544 = tpu.memref_slice %arg5[%dma_wait3A_537, %dma_wait3A_542, %dma_wait3A_543] : memref<4096x200x64xf32, #tpu.memory_space<hbm>> -> memref<1x200x64xf32, #tpu.memory_space<hbm>>
      %dma_wait3A_545 = tpu.memref_squeeze %dma_wait3A_544 : memref<1x200x64xf32, #tpu.memory_space<hbm>> -> memref<200x64xf32, #tpu.memory_space<hbm>>
      tpu.wait_dma2 semaphore(%arg18 : memref<!tpu.dma_semaphore, #tpu.memory_space<semaphore_mem>>) src(%arg10 : memref<200x64xf32, #tpu.memory_space<vmem>>) dst(%dma_wait3A_545 : memref<200x64xf32, #tpu.memory_space<hbm>>)
      %add3A_546 = arith.constant 2 : i32
      %add3A_547 = arith.addi %add3A_536, %add3A_546 : i32
      %dma_start3A_548 = arith.constant 0 : i32
      %dma_start3A_549 = arith.constant 0 : i32
      %dma_start3A_550 = tpu.memref_slice %arg10[%dma_start3A_548, %dma_start3A_549] : memref<200x64xf32, #tpu.memory_space<vmem>> -> memref<104x64xf32, #tpu.memory_space<vmem>>
      %dma_start3A_551 = arith.constant 0 : i32
      %dma_start3A_552 = tpu.memref_slice %arg7[%add3A_547, %dma_start3A_551] : memref<128x200xi32, #tpu.memory_space<vmem>> -> memref<1x104xi32, #tpu.memory_space<vmem>>
      %dma_start3A_553 = tpu.memref_squeeze %dma_start3A_552 : memref<1x104xi32, #tpu.memory_space<vmem>> -> memref<104xi32, #tpu.memory_space<vmem>>
      %dma_start3A_554 = arith.constant 0 : i32
      %dma_start3A_555 = arith.constant 0 : i32
      %dma_start3A_556 = tpu.memref_slice %arg2[%dma_start3A_554, %dma_start3A_555] : memref<1000000x64xf32, #tpu.memory_space<hbm>> -> memref<1000000x64xf32, #tpu.memory_space<hbm>>
      tpu.enqueue_indirect_dma source(%dma_start3A_556 : memref<1000000x64xf32, #tpu.memory_space<hbm>>) target(%dma_start3A_550 : memref<104x64xf32, #tpu.memory_space<vmem>>) offsets(%dma_start3A_553 : memref<104xi32, #tpu.memory_space<vmem>>) semaphore(%arg14 : memref<!tpu.dma_semaphore, #tpu.memory_space<semaphore_mem>>)
      %dma_start3A_557 = arith.constant 104 : i32
      %dma_start3A_558 = arith.constant 0 : i32
      %dma_start3A_559 = tpu.memref_slice %arg10[%dma_start3A_557, %dma_start3A_558] : memref<200x64xf32, #tpu.memory_space<vmem>> -> memref<96x64xf32, #tpu.memory_space<vmem>>
      %dma_start3A_560 = arith.constant 104 : i32
      %dma_start3A_561 = tpu.memref_slice %arg7[%add3A_547, %dma_start3A_560] : memref<128x200xi32, #tpu.memory_space<vmem>> -> memref<1x96xi32, #tpu.memory_space<vmem>>
      %dma_start3A_562 = tpu.memref_squeeze %dma_start3A_561 : memref<1x96xi32, #tpu.memory_space<vmem>> -> memref<96xi32, #tpu.memory_space<vmem>>
      %dma_start3A_563 = arith.constant 0 : i32
      %dma_start3A_564 = arith.constant 0 : i32
      %dma_start3A_565 = tpu.memref_slice %arg2[%dma_start3A_563, %dma_start3A_564] : memref<1000000x64xf32, #tpu.memory_space<hbm>> -> memref<1000000x64xf32, #tpu.memory_space<hbm>>
      tpu.enqueue_indirect_dma source(%dma_start3A_565 : memref<1000000x64xf32, #tpu.memory_space<hbm>>) target(%dma_start3A_559 : memref<96x64xf32, #tpu.memory_space<vmem>>) offsets(%dma_start3A_562 : memref<96xi32, #tpu.memory_space<vmem>>) semaphore(%arg14 : memref<!tpu.dma_semaphore, #tpu.memory_space<semaphore_mem>>)
      %dma_wait3A_566 = arith.constant 0 : i32
      %dma_wait3A_567 = arith.constant 0 : i32
      %dma_wait3A_568 = arith.constant 0 : i32
      %dma_wait3A_569 = tpu.memref_slice %arg8[%dma_wait3A_567, %dma_wait3A_568] : memref<200x64xf32, #tpu.memory_space<vmem>> -> memref<104x64xf32, #tpu.memory_space<vmem>>
      %dma_wait3A_570 = arith.constant 0 : i32
      %dma_wait3A_571 = tpu.memref_slice %arg7[%dma_wait3A_566, %dma_wait3A_570] : memref<128x200xi32, #tpu.memory_space<vmem>> -> memref<1x104xi32, #tpu.memory_space<vmem>>
      %dma_wait3A_572 = tpu.memref_squeeze %dma_wait3A_571 : memref<1x104xi32, #tpu.memory_space<vmem>> -> memref<104xi32, #tpu.memory_space<vmem>>
      %dma_wait3A_573 = arith.constant 0 : i32
      %dma_wait3A_574 = arith.constant 0 : i32
      %dma_wait3A_575 = tpu.memref_slice %arg2[%dma_wait3A_573, %dma_wait3A_574] : memref<1000000x64xf32, #tpu.memory_space<hbm>> -> memref<1000000x64xf32, #tpu.memory_space<hbm>>
      tpu.wait_indirect_dma semaphore(%arg12 : memref<!tpu.dma_semaphore, #tpu.memory_space<semaphore_mem>>) src(%dma_wait3A_575 : memref<1000000x64xf32, #tpu.memory_space<hbm>>) dst(%dma_wait3A_569 : memref<104x64xf32, #tpu.memory_space<vmem>>)
      %dma_wait3A_576 = arith.constant 0 : i32
      %dma_wait3A_577 = arith.constant 104 : i32
      %dma_wait3A_578 = arith.constant 0 : i32
      %dma_wait3A_579 = tpu.memref_slice %arg8[%dma_wait3A_577, %dma_wait3A_578] : memref<200x64xf32, #tpu.memory_space<vmem>> -> memref<96x64xf32, #tpu.memory_space<vmem>>
      %dma_wait3A_580 = arith.constant 0 : i32
      %dma_wait3A_581 = tpu.memref_slice %arg7[%dma_wait3A_576, %dma_wait3A_580] : memref<128x200xi32, #tpu.memory_space<vmem>> -> memref<1x96xi32, #tpu.memory_space<vmem>>
      %dma_wait3A_582 = tpu.memref_squeeze %dma_wait3A_581 : memref<1x96xi32, #tpu.memory_space<vmem>> -> memref<96xi32, #tpu.memory_space<vmem>>
      %dma_wait3A_583 = arith.constant 0 : i32
      %dma_wait3A_584 = arith.constant 0 : i32
      %dma_wait3A_585 = tpu.memref_slice %arg2[%dma_wait3A_583, %dma_wait3A_584] : memref<1000000x64xf32, #tpu.memory_space<hbm>> -> memref<1000000x64xf32, #tpu.memory_space<hbm>>
      tpu.wait_indirect_dma semaphore(%arg12 : memref<!tpu.dma_semaphore, #tpu.memory_space<semaphore_mem>>) src(%dma_wait3A_585 : memref<1000000x64xf32, #tpu.memory_space<hbm>>) dst(%dma_wait3A_579 : memref<96x64xf32, #tpu.memory_space<vmem>>)
      %scan3A_586 = arith.constant 0 : i32
      %scan3A_587 = arith.constant 0 : i32
      %scan3A_588 = arith.constant 200 : i32
      %scan3A_589 = arith.addi %scan3A_587, %scan3A_588 : i32
      %scan3A_590 = arith.constant 1 : i32
      scf.for %scan3A_799 = %scan3A_587 to %scan3A_589 step %scan3A_590  : i32 {
        %get3A = arith.index_cast %scan3A_799 : i32 to index
        %get3A_800 = arith.constant 0 : index
        %get3A_801 = tpu.vector_load %arg8[%get3A, %get3A_800] {strides = array<i32>} : memref<200x64xf32, #tpu.memory_space<vmem>>, vector<1x16xf32>,
        %get3A_802 = vector.shape_cast %get3A_801 : vector<1x16xf32> to vector<16xf32>
        %mul3A_803 = arith.constant 8.000000e+00 : f32
        %mul3A_804 = vector.broadcast %mul3A_803 : f32 to vector<16xf32>
        %mul3A_805 = arith.mulf %get3A_802, %mul3A_804 : vector<16xf32>
        %get3A_806 = arith.index_cast %scan3A_799 : i32 to index
        %get3A_807 = arith.constant 0 : index
        %get3A_808 = tpu.vector_load %arg6[%get3A_806, %get3A_807] {strides = array<i32>} : memref<200x64xf32, #tpu.memory_space<vmem>>, vector<1x16xf32>,
        %get3A_809 = vector.shape_cast %get3A_808 : vector<1x16xf32> to vector<16xf32>
        %add3A_810 = arith.addf %mul3A_805, %get3A_809 : vector<16xf32>
        %swap3A = arith.index_cast %scan3A_799 : i32 to index
        %swap3A_811 = arith.constant 0 : index
        %swap3A_812 = tpu.vector_load %arg8[%swap3A, %swap3A_811] {strides = array<i32>} : memref<200x64xf32, #tpu.memory_space<vmem>>, vector<1x16xf32>,
        %swap3A_813 = vector.shape_cast %swap3A_812 : vector<1x16xf32> to vector<16xf32>
        %swap3A_814 = vector.shape_cast %add3A_810 : vector<16xf32> to vector<1x16xf32>
        tpu.vector_store %arg8[%swap3A, %swap3A_811], %swap3A_814 {strides = array<i32>} : memref<200x64xf32, #tpu.memory_space<vmem>>, vector<1x16xf32>,
        %get3A_815 = arith.index_cast %scan3A_799 : i32 to index
        %get3A_816 = arith.constant 16 : index
        %get3A_817 = tpu.vector_load %arg8[%get3A_815, %get3A_816] {strides = array<i32>} : memref<200x64xf32, #tpu.memory_space<vmem>>, vector<1x16xf32>,
        %get3A_818 = vector.shape_cast %get3A_817 : vector<1x16xf32> to vector<16xf32>
        %mul3A_819 = arith.constant 8.000000e+00 : f32
        %mul3A_820 = vector.broadcast %mul3A_819 : f32 to vector<16xf32>
        %mul3A_821 = arith.mulf %get3A_818, %mul3A_820 : vector<16xf32>
        %get3A_822 = arith.index_cast %scan3A_799 : i32 to index
        %get3A_823 = arith.constant 16 : index
        %get3A_824 = tpu.vector_load %arg6[%get3A_822, %get3A_823] {strides = array<i32>} : memref<200x64xf32, #tpu.memory_space<vmem>>, vector<1x16xf32>,
        %get3A_825 = vector.shape_cast %get3A_824 : vector<1x16xf32> to vector<16xf32>
        %add3A_826 = arith.addf %mul3A_821, %get3A_825 : vector<16xf32>
        %swap3A_827 = arith.index_cast %scan3A_799 : i32 to index
        %swap3A_828 = arith.constant 16 : index
        %swap3A_829 = tpu.vector_load %arg8[%swap3A_827, %swap3A_828] {strides = array<i32>} : memref<200x64xf32, #tpu.memory_space<vmem>>, vector<1x16xf32>,
        %swap3A_830 = vector.shape_cast %swap3A_829 : vector<1x16xf32> to vector<16xf32>
        %swap3A_831 = vector.shape_cast %add3A_826 : vector<16xf32> to vector<1x16xf32>
        tpu.vector_store %arg8[%swap3A_827, %swap3A_828], %swap3A_831 {strides = array<i32>} : memref<200x64xf32, #tpu.memory_space<vmem>>, vector<1x16xf32>,
        %get3A_832 = arith.index_cast %scan3A_799 : i32 to index
        %get3A_833 = arith.constant 32 : index
        %get3A_834 = tpu.vector_load %arg8[%get3A_832, %get3A_833] {strides = array<i32>} : memref<200x64xf32, #tpu.memory_space<vmem>>, vector<1x16xf32>,
        %get3A_835 = vector.shape_cast %get3A_834 : vector<1x16xf32> to vector<16xf32>
        %mul3A_836 = arith.constant 8.000000e+00 : f32
        %mul3A_837 = vector.broadcast %mul3A_836 : f32 to vector<16xf32>
        %mul3A_838 = arith.mulf %get3A_835, %mul3A_837 : vector<16xf32>
        %get3A_839 = arith.index_cast %scan3A_799 : i32 to index
        %get3A_840 = arith.constant 32 : index
        %get3A_841 = tpu.vector_load %arg6[%get3A_839, %get3A_840] {strides = array<i32>} : memref<200x64xf32, #tpu.memory_space<vmem>>, vector<1x16xf32>,
        %get3A_842 = vector.shape_cast %get3A_841 : vector<1x16xf32> to vector<16xf32>
        %add3A_843 = arith.addf %mul3A_838, %get3A_842 : vector<16xf32>
        %swap3A_844 = arith.index_cast %scan3A_799 : i32 to index
        %swap3A_845 = arith.constant 32 : index
        %swap3A_846 = tpu.vector_load %arg8[%swap3A_844, %swap3A_845] {strides = array<i32>} : memref<200x64xf32, #tpu.memory_space<vmem>>, vector<1x16xf32>,
        %swap3A_847 = vector.shape_cast %swap3A_846 : vector<1x16xf32> to vector<16xf32>
        %swap3A_848 = vector.shape_cast %add3A_843 : vector<16xf32> to vector<1x16xf32>
        tpu.vector_store %arg8[%swap3A_844, %swap3A_845], %swap3A_848 {strides = array<i32>} : memref<200x64xf32, #tpu.memory_space<vmem>>, vector<1x16xf32>,
        %get3A_849 = arith.index_cast %scan3A_799 : i32 to index
        %get3A_850 = arith.constant 48 : index
        %get3A_851 = tpu.vector_load %arg8[%get3A_849, %get3A_850] {strides = array<i32>} : memref<200x64xf32, #tpu.memory_space<vmem>>, vector<1x16xf32>,
        %get3A_852 = vector.shape_cast %get3A_851 : vector<1x16xf32> to vector<16xf32>
        %mul3A_853 = arith.constant 8.000000e+00 : f32
        %mul3A_854 = vector.broadcast %mul3A_853 : f32 to vector<16xf32>
        %mul3A_855 = arith.mulf %get3A_852, %mul3A_854 : vector<16xf32>
        %get3A_856 = arith.index_cast %scan3A_799 : i32 to index
        %get3A_857 = arith.constant 48 : index
        %get3A_858 = tpu.vector_load %arg6[%get3A_856, %get3A_857] {strides = array<i32>} : memref<200x64xf32, #tpu.memory_space<vmem>>, vector<1x16xf32>,
        %get3A_859 = vector.shape_cast %get3A_858 : vector<1x16xf32> to vector<16xf32>
        %add3A_860 = arith.addf %mul3A_855, %get3A_859 : vector<16xf32>
        %swap3A_861 = arith.index_cast %scan3A_799 : i32 to index
        %swap3A_862 = arith.constant 48 : index
        %swap3A_863 = tpu.vector_load %arg8[%swap3A_861, %swap3A_862] {strides = array<i32>} : memref<200x64xf32, #tpu.memory_space<vmem>>, vector<1x16xf32>,
        %swap3A_864 = vector.shape_cast %swap3A_863 : vector<1x16xf32> to vector<16xf32>
        %swap3A_865 = vector.shape_cast %add3A_860 : vector<16xf32> to vector<1x16xf32>
        tpu.vector_store %arg8[%swap3A_861, %swap3A_862], %swap3A_865 {strides = array<i32>} : memref<200x64xf32, #tpu.memory_space<vmem>>, vector<1x16xf32>,
      }
      %scan3A_591 = arith.constant 200 : i32
      %add3A_592 = arith.addi %mul3A_2, %add3A_536 : i32
      %dma_start3A_593 = arith.constant 0 : i32
      %dma_start3A_594 = arith.constant 0 : i32
      %dma_start3A_595 = tpu.memref_slice %arg5[%add3A_592, %dma_start3A_593, %dma_start3A_594] : memref<4096x200x64xf32, #tpu.memory_space<hbm>> -> memref<1x200x64xf32, #tpu.memory_space<hbm>>
      %dma_start3A_596 = tpu.memref_squeeze %dma_start3A_595 : memref<1x200x64xf32, #tpu.memory_space<hbm>> -> memref<200x64xf32, #tpu.memory_space<hbm>>
      %dma_start3A_597 = arith.constant 0 : i32
      %dma_start3A_598 = arith.constant 0 : i32
      %dma_start3A_599 = tpu.memref_slice %arg5[%add3A_592, %dma_start3A_597, %dma_start3A_598] : memref<4096x200x64xf32, #tpu.memory_space<hbm>> -> memref<1x200x64xf32, #tpu.memory_space<hbm>>
      %dma_start3A_600 = tpu.memref_squeeze %dma_start3A_599 : memref<1x200x64xf32, #tpu.memory_space<hbm>> -> memref<200x64xf32, #tpu.memory_space<hbm>>
      tpu.enqueue_dma source(%arg8 : memref<200x64xf32, #tpu.memory_space<vmem>>) target(%dma_start3A_600 : memref<200x64xf32, #tpu.memory_space<hbm>>) target_semaphore(%arg16 : memref<!tpu.dma_semaphore, #tpu.memory_space<semaphore_mem>>)
      %add3A_601 = arith.constant 1 : i32
      %add3A_602 = arith.addi %mul3A_534, %add3A_601 : i32
      %dma_wait3A_603 = arith.constant 0 : i32
      %dma_wait3A_604 = arith.constant 0 : i32
      %dma_wait3A_605 = arith.constant 0 : i32
      %dma_wait3A_606 = tpu.memref_slice %arg5[%dma_wait3A_603, %dma_wait3A_604, %dma_wait3A_605] : memref<4096x200x64xf32, #tpu.memory_space<hbm>> -> memref<1x200x64xf32, #tpu.memory_space<hbm>>
      %dma_wait3A_607 = tpu.memref_squeeze %dma_wait3A_606 : memref<1x200x64xf32, #tpu.memory_space<hbm>> -> memref<200x64xf32, #tpu.memory_space<hbm>>
      %dma_wait3A_608 = arith.constant 0 : i32
      %dma_wait3A_609 = arith.constant 0 : i32
      %dma_wait3A_610 = tpu.memref_slice %arg5[%dma_wait3A_603, %dma_wait3A_608, %dma_wait3A_609] : memref<4096x200x64xf32, #tpu.memory_space<hbm>> -> memref<1x200x64xf32, #tpu.memory_space<hbm>>
      %dma_wait3A_611 = tpu.memref_squeeze %dma_wait3A_610 : memref<1x200x64xf32, #tpu.memory_space<hbm>> -> memref<200x64xf32, #tpu.memory_space<hbm>>
      tpu.wait_dma2 semaphore(%arg19 : memref<!tpu.dma_semaphore, #tpu.memory_space<semaphore_mem>>) src(%arg11 : memref<200x64xf32, #tpu.memory_space<vmem>>) dst(%dma_wait3A_611 : memref<200x64xf32, #tpu.memory_space<hbm>>)
      %add3A_612 = arith.constant 2 : i32
      %add3A_613 = arith.addi %add3A_602, %add3A_612 : i32
      %dma_start3A_614 = arith.constant 0 : i32
      %dma_start3A_615 = arith.constant 0 : i32
      %dma_start3A_616 = tpu.memref_slice %arg11[%dma_start3A_614, %dma_start3A_615] : memref<200x64xf32, #tpu.memory_space<vmem>> -> memref<104x64xf32, #tpu.memory_space<vmem>>
      %dma_start3A_617 = arith.constant 0 : i32
      %dma_start3A_618 = tpu.memref_slice %arg7[%add3A_613, %dma_start3A_617] : memref<128x200xi32, #tpu.memory_space<vmem>> -> memref<1x104xi32, #tpu.memory_space<vmem>>
      %dma_start3A_619 = tpu.memref_squeeze %dma_start3A_618 : memref<1x104xi32, #tpu.memory_space<vmem>> -> memref<104xi32, #tpu.memory_space<vmem>>
      %dma_start3A_620 = arith.constant 0 : i32
      %dma_start3A_621 = arith.constant 0 : i32
      %dma_start3A_622 = tpu.memref_slice %arg2[%dma_start3A_620, %dma_start3A_621] : memref<1000000x64xf32, #tpu.memory_space<hbm>> -> memref<1000000x64xf32, #tpu.memory_space<hbm>>
      tpu.enqueue_indirect_dma source(%dma_start3A_622 : memref<1000000x64xf32, #tpu.memory_space<hbm>>) target(%dma_start3A_616 : memref<104x64xf32, #tpu.memory_space<vmem>>) offsets(%dma_start3A_619 : memref<104xi32, #tpu.memory_space<vmem>>) semaphore(%arg15 : memref<!tpu.dma_semaphore, #tpu.memory_space<semaphore_mem>>)
      %dma_start3A_623 = arith.constant 104 : i32
      %dma_start3A_624 = arith.constant 0 : i32
      %dma_start3A_625 = tpu.memref_slice %arg11[%dma_start3A_623, %dma_start3A_624] : memref<200x64xf32, #tpu.memory_space<vmem>> -> memref<96x64xf32, #tpu.memory_space<vmem>>
      %dma_start3A_626 = arith.constant 104 : i32
      %dma_start3A_627 = tpu.memref_slice %arg7[%add3A_613, %dma_start3A_626] : memref<128x200xi32, #tpu.memory_space<vmem>> -> memref<1x96xi32, #tpu.memory_space<vmem>>
      %dma_start3A_628 = tpu.memref_squeeze %dma_start3A_627 : memref<1x96xi32, #tpu.memory_space<vmem>> -> memref<96xi32, #tpu.memory_space<vmem>>
      %dma_start3A_629 = arith.constant 0 : i32
      %dma_start3A_630 = arith.constant 0 : i32
      %dma_start3A_631 = tpu.memref_slice %arg2[%dma_start3A_629, %dma_start3A_630] : memref<1000000x64xf32, #tpu.memory_space<hbm>> -> memref<1000000x64xf32, #tpu.memory_space<hbm>>
      tpu.enqueue_indirect_dma source(%dma_start3A_631 : memref<1000000x64xf32, #tpu.memory_space<hbm>>) target(%dma_start3A_625 : memref<96x64xf32, #tpu.memory_space<vmem>>) offsets(%dma_start3A_628 : memref<96xi32, #tpu.memory_space<vmem>>) semaphore(%arg15 : memref<!tpu.dma_semaphore, #tpu.memory_space<semaphore_mem>>)
      %dma_wait3A_632 = arith.constant 0 : i32
      %dma_wait3A_633 = arith.constant 0 : i32
      %dma_wait3A_634 = arith.constant 0 : i32
      %dma_wait3A_635 = tpu.memref_slice %arg9[%dma_wait3A_633, %dma_wait3A_634] : memref<200x64xf32, #tpu.memory_space<vmem>> -> memref<104x64xf32, #tpu.memory_space<vmem>>
      %dma_wait3A_636 = arith.constant 0 : i32
      %dma_wait3A_637 = tpu.memref_slice %arg7[%dma_wait3A_632, %dma_wait3A_636] : memref<128x200xi32, #tpu.memory_space<vmem>> -> memref<1x104xi32, #tpu.memory_space<vmem>>
      %dma_wait3A_638 = tpu.memref_squeeze %dma_wait3A_637 : memref<1x104xi32, #tpu.memory_space<vmem>> -> memref<104xi32, #tpu.memory_space<vmem>>
      %dma_wait3A_639 = arith.constant 0 : i32
      %dma_wait3A_640 = arith.constant 0 : i32
      %dma_wait3A_641 = tpu.memref_slice %arg2[%dma_wait3A_639, %dma_wait3A_640] : memref<1000000x64xf32, #tpu.memory_space<hbm>> -> memref<1000000x64xf32, #tpu.memory_space<hbm>>
      tpu.wait_indirect_dma semaphore(%arg13 : memref<!tpu.dma_semaphore, #tpu.memory_space<semaphore_mem>>) src(%dma_wait3A_641 : memref<1000000x64xf32, #tpu.memory_space<hbm>>) dst(%dma_wait3A_635 : memref<104x64xf32, #tpu.memory_space<vmem>>)
      %dma_wait3A_642 = arith.constant 0 : i32
      %dma_wait3A_643 = arith.constant 104 : i32
      %dma_wait3A_644 = arith.constant 0 : i32
      %dma_wait3A_645 = tpu.memref_slice %arg9[%dma_wait3A_643, %dma_wait3A_644] : memref<200x64xf32, #tpu.memory_space<vmem>> -> memref<96x64xf32, #tpu.memory_space<vmem>>
      %dma_wait3A_646 = arith.constant 0 : i32
      %dma_wait3A_647 = tpu.memref_slice %arg7[%dma_wait3A_642, %dma_wait3A_646] : memref<128x200xi32, #tpu.memory_space<vmem>> -> memref<1x96xi32, #tpu.memory_space<vmem>>
      %dma_wait3A_648 = tpu.memref_squeeze %dma_wait3A_647 : memref<1x96xi32, #tpu.memory_space<vmem>> -> memref<96xi32, #tpu.memory_space<vmem>>
      %dma_wait3A_649 = arith.constant 0 : i32
      %dma_wait3A_650 = arith.constant 0 : i32
      %dma_wait3A_651 = tpu.memref_slice %arg2[%dma_wait3A_649, %dma_wait3A_650] : memref<1000000x64xf32, #tpu.memory_space<hbm>> -> memref<1000000x64xf32, #tpu.memory_space<hbm>>
      tpu.wait_indirect_dma semaphore(%arg13 : memref<!tpu.dma_semaphore, #tpu.memory_space<semaphore_mem>>) src(%dma_wait3A_651 : memref<1000000x64xf32, #tpu.memory_space<hbm>>) dst(%dma_wait3A_645 : memref<96x64xf32, #tpu.memory_space<vmem>>)
      %scan3A_652 = arith.constant 0 : i32
      %scan3A_653 = arith.constant 0 : i32
      %scan3A_654 = arith.constant 200 : i32
      %scan3A_655 = arith.addi %scan3A_653, %scan3A_654 : i32
      %scan3A_656 = arith.constant 1 : i32
      scf.for %scan3A_799 = %scan3A_653 to %scan3A_655 step %scan3A_656  : i32 {
        %get3A = arith.index_cast %scan3A_799 : i32 to index
        %get3A_800 = arith.constant 0 : index
        %get3A_801 = tpu.vector_load %arg9[%get3A, %get3A_800] {strides = array<i32>} : memref<200x64xf32, #tpu.memory_space<vmem>>, vector<1x16xf32>,
        %get3A_802 = vector.shape_cast %get3A_801 : vector<1x16xf32> to vector<16xf32>
        %mul3A_803 = arith.constant 8.000000e+00 : f32
        %mul3A_804 = vector.broadcast %mul3A_803 : f32 to vector<16xf32>
        %mul3A_805 = arith.mulf %get3A_802, %mul3A_804 : vector<16xf32>
        %get3A_806 = arith.index_cast %scan3A_799 : i32 to index
        %get3A_807 = arith.constant 0 : index
        %get3A_808 = tpu.vector_load %arg6[%get3A_806, %get3A_807] {strides = array<i32>} : memref<200x64xf32, #tpu.memory_space<vmem>>, vector<1x16xf32>,
        %get3A_809 = vector.shape_cast %get3A_808 : vector<1x16xf32> to vector<16xf32>
        %add3A_810 = arith.addf %mul3A_805, %get3A_809 : vector<16xf32>
        %swap3A = arith.index_cast %scan3A_799 : i32 to index
        %swap3A_811 = arith.constant 0 : index
        %swap3A_812 = tpu.vector_load %arg9[%swap3A, %swap3A_811] {strides = array<i32>} : memref<200x64xf32, #tpu.memory_space<vmem>>, vector<1x16xf32>,
        %swap3A_813 = vector.shape_cast %swap3A_812 : vector<1x16xf32> to vector<16xf32>
        %swap3A_814 = vector.shape_cast %add3A_810 : vector<16xf32> to vector<1x16xf32>
        tpu.vector_store %arg9[%swap3A, %swap3A_811], %swap3A_814 {strides = array<i32>} : memref<200x64xf32, #tpu.memory_space<vmem>>, vector<1x16xf32>,
        %get3A_815 = arith.index_cast %scan3A_799 : i32 to index
        %get3A_816 = arith.constant 16 : index
        %get3A_817 = tpu.vector_load %arg9[%get3A_815, %get3A_816] {strides = array<i32>} : memref<200x64xf32, #tpu.memory_space<vmem>>, vector<1x16xf32>,
        %get3A_818 = vector.shape_cast %get3A_817 : vector<1x16xf32> to vector<16xf32>
        %mul3A_819 = arith.constant 8.000000e+00 : f32
        %mul3A_820 = vector.broadcast %mul3A_819 : f32 to vector<16xf32>
        %mul3A_821 = arith.mulf %get3A_818, %mul3A_820 : vector<16xf32>
        %get3A_822 = arith.index_cast %scan3A_799 : i32 to index
        %get3A_823 = arith.constant 16 : index
        %get3A_824 = tpu.vector_load %arg6[%get3A_822, %get3A_823] {strides = array<i32>} : memref<200x64xf32, #tpu.memory_space<vmem>>, vector<1x16xf32>,
        %get3A_825 = vector.shape_cast %get3A_824 : vector<1x16xf32> to vector<16xf32>
        %add3A_826 = arith.addf %mul3A_821, %get3A_825 : vector<16xf32>
        %swap3A_827 = arith.index_cast %scan3A_799 : i32 to index
        %swap3A_828 = arith.constant 16 : index
        %swap3A_829 = tpu.vector_load %arg9[%swap3A_827, %swap3A_828] {strides = array<i32>} : memref<200x64xf32, #tpu.memory_space<vmem>>, vector<1x16xf32>,
        %swap3A_830 = vector.shape_cast %swap3A_829 : vector<1x16xf32> to vector<16xf32>
        %swap3A_831 = vector.shape_cast %add3A_826 : vector<16xf32> to vector<1x16xf32>
        tpu.vector_store %arg9[%swap3A_827, %swap3A_828], %swap3A_831 {strides = array<i32>} : memref<200x64xf32, #tpu.memory_space<vmem>>, vector<1x16xf32>,
        %get3A_832 = arith.index_cast %scan3A_799 : i32 to index
        %get3A_833 = arith.constant 32 : index
        %get3A_834 = tpu.vector_load %arg9[%get3A_832, %get3A_833] {strides = array<i32>} : memref<200x64xf32, #tpu.memory_space<vmem>>, vector<1x16xf32>,
        %get3A_835 = vector.shape_cast %get3A_834 : vector<1x16xf32> to vector<16xf32>
        %mul3A_836 = arith.constant 8.000000e+00 : f32
        %mul3A_837 = vector.broadcast %mul3A_836 : f32 to vector<16xf32>
        %mul3A_838 = arith.mulf %get3A_835, %mul3A_837 : vector<16xf32>
        %get3A_839 = arith.index_cast %scan3A_799 : i32 to index
        %get3A_840 = arith.constant 32 : index
        %get3A_841 = tpu.vector_load %arg6[%get3A_839, %get3A_840] {strides = array<i32>} : memref<200x64xf32, #tpu.memory_space<vmem>>, vector<1x16xf32>,
        %get3A_842 = vector.shape_cast %get3A_841 : vector<1x16xf32> to vector<16xf32>
        %add3A_843 = arith.addf %mul3A_838, %get3A_842 : vector<16xf32>
        %swap3A_844 = arith.index_cast %scan3A_799 : i32 to index
        %swap3A_845 = arith.constant 32 : index
        %swap3A_846 = tpu.vector_load %arg9[%swap3A_844, %swap3A_845] {strides = array<i32>} : memref<200x64xf32, #tpu.memory_space<vmem>>, vector<1x16xf32>,
        %swap3A_847 = vector.shape_cast %swap3A_846 : vector<1x16xf32> to vector<16xf32>
        %swap3A_848 = vector.shape_cast %add3A_843 : vector<16xf32> to vector<1x16xf32>
        tpu.vector_store %arg9[%swap3A_844, %swap3A_845], %swap3A_848 {strides = array<i32>} : memref<200x64xf32, #tpu.memory_space<vmem>>, vector<1x16xf32>,
        %get3A_849 = arith.index_cast %scan3A_799 : i32 to index
        %get3A_850 = arith.constant 48 : index
        %get3A_851 = tpu.vector_load %arg9[%get3A_849, %get3A_850] {strides = array<i32>} : memref<200x64xf32, #tpu.memory_space<vmem>>, vector<1x16xf32>,
        %get3A_852 = vector.shape_cast %get3A_851 : vector<1x16xf32> to vector<16xf32>
        %mul3A_853 = arith.constant 8.000000e+00 : f32
        %mul3A_854 = vector.broadcast %mul3A_853 : f32 to vector<16xf32>
        %mul3A_855 = arith.mulf %get3A_852, %mul3A_854 : vector<16xf32>
        %get3A_856 = arith.index_cast %scan3A_799 : i32 to index
        %get3A_857 = arith.constant 48 : index
        %get3A_858 = tpu.vector_load %arg6[%get3A_856, %get3A_857] {strides = array<i32>} : memref<200x64xf32, #tpu.memory_space<vmem>>, vector<1x16xf32>,
        %get3A_859 = vector.shape_cast %get3A_858 : vector<1x16xf32> to vector<16xf32>
        %add3A_860 = arith.addf %mul3A_855, %get3A_859 : vector<16xf32>
        %swap3A_861 = arith.index_cast %scan3A_799 : i32 to index
        %swap3A_862 = arith.constant 48 : index
        %swap3A_863 = tpu.vector_load %arg9[%swap3A_861, %swap3A_862] {strides = array<i32>} : memref<200x64xf32, #tpu.memory_space<vmem>>, vector<1x16xf32>,
        %swap3A_864 = vector.shape_cast %swap3A_863 : vector<1x16xf32> to vector<16xf32>
        %swap3A_865 = vector.shape_cast %add3A_860 : vector<16xf32> to vector<1x16xf32>
        tpu.vector_store %arg9[%swap3A_861, %swap3A_862], %swap3A_865 {strides = array<i32>} : memref<200x64xf32, #tpu.memory_space<vmem>>, vector<1x16xf32>,
      }
      %scan3A_657 = arith.constant 200 : i32
      %add3A_658 = arith.addi %mul3A_2, %add3A_602 : i32
      %dma_start3A_659 = arith.constant 0 : i32
      %dma_start3A_660 = arith.constant 0 : i32
      %dma_start3A_661 = tpu.memref_slice %arg5[%add3A_658, %dma_start3A_659, %dma_start3A_660] : memref<4096x200x64xf32, #tpu.memory_space<hbm>> -> memref<1x200x64xf32, #tpu.memory_space<hbm>>
      %dma_start3A_662 = tpu.memref_squeeze %dma_start3A_661 : memref<1x200x64xf32, #tpu.memory_space<hbm>> -> memref<200x64xf32, #tpu.memory_space<hbm>>
      %dma_start3A_663 = arith.constant 0 : i32
      %dma_start3A_664 = arith.constant 0 : i32
      %dma_start3A_665 = tpu.memref_slice %arg5[%add3A_658, %dma_start3A_663, %dma_start3A_664] : memref<4096x200x64xf32, #tpu.memory_space<hbm>> -> memref<1x200x64xf32, #tpu.memory_space<hbm>>
      %dma_start3A_666 = tpu.memref_squeeze %dma_start3A_665 : memref<1x200x64xf32, #tpu.memory_space<hbm>> -> memref<200x64xf32, #tpu.memory_space<hbm>>
      tpu.enqueue_dma source(%arg9 : memref<200x64xf32, #tpu.memory_space<vmem>>) target(%dma_start3A_666 : memref<200x64xf32, #tpu.memory_space<hbm>>) target_semaphore(%arg17 : memref<!tpu.dma_semaphore, #tpu.memory_space<semaphore_mem>>)
      %add3A_667 = arith.constant 2 : i32
      %add3A_668 = arith.addi %mul3A_534, %add3A_667 : i32
      %dma_wait3A_669 = arith.constant 0 : i32
      %dma_wait3A_670 = arith.constant 0 : i32
      %dma_wait3A_671 = arith.constant 0 : i32
      %dma_wait3A_672 = tpu.memref_slice %arg5[%dma_wait3A_669, %dma_wait3A_670, %dma_wait3A_671] : memref<4096x200x64xf32, #tpu.memory_space<hbm>> -> memref<1x200x64xf32, #tpu.memory_space<hbm>>
      %dma_wait3A_673 = tpu.memref_squeeze %dma_wait3A_672 : memref<1x200x64xf32, #tpu.memory_space<hbm>> -> memref<200x64xf32, #tpu.memory_space<hbm>>
      %dma_wait3A_674 = arith.constant 0 : i32
      %dma_wait3A_675 = arith.constant 0 : i32
      %dma_wait3A_676 = tpu.memref_slice %arg5[%dma_wait3A_669, %dma_wait3A_674, %dma_wait3A_675] : memref<4096x200x64xf32, #tpu.memory_space<hbm>> -> memref<1x200x64xf32, #tpu.memory_space<hbm>>
      %dma_wait3A_677 = tpu.memref_squeeze %dma_wait3A_676 : memref<1x200x64xf32, #tpu.memory_space<hbm>> -> memref<200x64xf32, #tpu.memory_space<hbm>>
      tpu.wait_dma2 semaphore(%arg16 : memref<!tpu.dma_semaphore, #tpu.memory_space<semaphore_mem>>) src(%arg8 : memref<200x64xf32, #tpu.memory_space<vmem>>) dst(%dma_wait3A_677 : memref<200x64xf32, #tpu.memory_space<hbm>>)
      %add3A_678 = arith.constant 2 : i32
      %add3A_679 = arith.addi %add3A_668, %add3A_678 : i32
      %dma_start3A_680 = arith.constant 0 : i32
      %dma_start3A_681 = arith.constant 0 : i32
      %dma_start3A_682 = tpu.memref_slice %arg8[%dma_start3A_680, %dma_start3A_681] : memref<200x64xf32, #tpu.memory_space<vmem>> -> memref<104x64xf32, #tpu.memory_space<vmem>>
      %dma_start3A_683 = arith.constant 0 : i32
      %dma_start3A_684 = tpu.memref_slice %arg7[%add3A_679, %dma_start3A_683] : memref<128x200xi32, #tpu.memory_space<vmem>> -> memref<1x104xi32, #tpu.memory_space<vmem>>
      %dma_start3A_685 = tpu.memref_squeeze %dma_start3A_684 : memref<1x104xi32, #tpu.memory_space<vmem>> -> memref<104xi32, #tpu.memory_space<vmem>>
      %dma_start3A_686 = arith.constant 0 : i32
      %dma_start3A_687 = arith.constant 0 : i32
      %dma_start3A_688 = tpu.memref_slice %arg2[%dma_start3A_686, %dma_start3A_687] : memref<1000000x64xf32, #tpu.memory_space<hbm>> -> memref<1000000x64xf32, #tpu.memory_space<hbm>>
      tpu.enqueue_indirect_dma source(%dma_start3A_688 : memref<1000000x64xf32, #tpu.memory_space<hbm>>) target(%dma_start3A_682 : memref<104x64xf32, #tpu.memory_space<vmem>>) offsets(%dma_start3A_685 : memref<104xi32, #tpu.memory_space<vmem>>) semaphore(%arg12 : memref<!tpu.dma_semaphore, #tpu.memory_space<semaphore_mem>>)
      %dma_start3A_689 = arith.constant 104 : i32
      %dma_start3A_690 = arith.constant 0 : i32
      %dma_start3A_691 = tpu.memref_slice %arg8[%dma_start3A_689, %dma_start3A_690] : memref<200x64xf32, #tpu.memory_space<vmem>> -> memref<96x64xf32, #tpu.memory_space<vmem>>
      %dma_start3A_692 = arith.constant 104 : i32
      %dma_start3A_693 = tpu.memref_slice %arg7[%add3A_679, %dma_start3A_692] : memref<128x200xi32, #tpu.memory_space<vmem>> -> memref<1x96xi32, #tpu.memory_space<vmem>>
      %dma_start3A_694 = tpu.memref_squeeze %dma_start3A_693 : memref<1x96xi32, #tpu.memory_space<vmem>> -> memref<96xi32, #tpu.memory_space<vmem>>
      %dma_start3A_695 = arith.constant 0 : i32
      %dma_start3A_696 = arith.constant 0 : i32
      %dma_start3A_697 = tpu.memref_slice %arg2[%dma_start3A_695, %dma_start3A_696] : memref<1000000x64xf32, #tpu.memory_space<hbm>> -> memref<1000000x64xf32, #tpu.memory_space<hbm>>
      tpu.enqueue_indirect_dma source(%dma_start3A_697 : memref<1000000x64xf32, #tpu.memory_space<hbm>>) target(%dma_start3A_691 : memref<96x64xf32, #tpu.memory_space<vmem>>) offsets(%dma_start3A_694 : memref<96xi32, #tpu.memory_space<vmem>>) semaphore(%arg12 : memref<!tpu.dma_semaphore, #tpu.memory_space<semaphore_mem>>)
      %dma_wait3A_698 = arith.constant 0 : i32
      %dma_wait3A_699 = arith.constant 0 : i32
      %dma_wait3A_700 = arith.constant 0 : i32
      %dma_wait3A_701 = tpu.memref_slice %arg10[%dma_wait3A_699, %dma_wait3A_700] : memref<200x64xf32, #tpu.memory_space<vmem>> -> memref<104x64xf32, #tpu.memory_space<vmem>>
      %dma_wait3A_702 = arith.constant 0 : i32
      %dma_wait3A_703 = tpu.memref_slice %arg7[%dma_wait3A_698, %dma_wait3A_702] : memref<128x200xi32, #tpu.memory_space<vmem>> -> memref<1x104xi32, #tpu.memory_space<vmem>>
      %dma_wait3A_704 = tpu.memref_squeeze %dma_wait3A_703 : memref<1x104xi32, #tpu.memory_space<vmem>> -> memref<104xi32, #tpu.memory_space<vmem>>
      %dma_wait3A_705 = arith.constant 0 : i32
      %dma_wait3A_706 = arith.constant 0 : i32
      %dma_wait3A_707 = tpu.memref_slice %arg2[%dma_wait3A_705, %dma_wait3A_706] : memref<1000000x64xf32, #tpu.memory_space<hbm>> -> memref<1000000x64xf32, #tpu.memory_space<hbm>>
      tpu.wait_indirect_dma semaphore(%arg14 : memref<!tpu.dma_semaphore, #tpu.memory_space<semaphore_mem>>) src(%dma_wait3A_707 : memref<1000000x64xf32, #tpu.memory_space<hbm>>) dst(%dma_wait3A_701 : memref<104x64xf32, #tpu.memory_space<vmem>>)
      %dma_wait3A_708 = arith.constant 0 : i32
      %dma_wait3A_709 = arith.constant 104 : i32
      %dma_wait3A_710 = arith.constant 0 : i32
      %dma_wait3A_711 = tpu.memref_slice %arg10[%dma_wait3A_709, %dma_wait3A_710] : memref<200x64xf32, #tpu.memory_space<vmem>> -> memref<96x64xf32, #tpu.memory_space<vmem>>
      %dma_wait3A_712 = arith.constant 0 : i32
      %dma_wait3A_713 = tpu.memref_slice %arg7[%dma_wait3A_708, %dma_wait3A_712] : memref<128x200xi32, #tpu.memory_space<vmem>> -> memref<1x96xi32, #tpu.memory_space<vmem>>
      %dma_wait3A_714 = tpu.memref_squeeze %dma_wait3A_713 : memref<1x96xi32, #tpu.memory_space<vmem>> -> memref<96xi32, #tpu.memory_space<vmem>>
      %dma_wait3A_715 = arith.constant 0 : i32
      %dma_wait3A_716 = arith.constant 0 : i32
      %dma_wait3A_717 = tpu.memref_slice %arg2[%dma_wait3A_715, %dma_wait3A_716] : memref<1000000x64xf32, #tpu.memory_space<hbm>> -> memref<1000000x64xf32, #tpu.memory_space<hbm>>
      tpu.wait_indirect_dma semaphore(%arg14 : memref<!tpu.dma_semaphore, #tpu.memory_space<semaphore_mem>>) src(%dma_wait3A_717 : memref<1000000x64xf32, #tpu.memory_space<hbm>>) dst(%dma_wait3A_711 : memref<96x64xf32, #tpu.memory_space<vmem>>)
      %scan3A_718 = arith.constant 0 : i32
      %scan3A_719 = arith.constant 0 : i32
      %scan3A_720 = arith.constant 200 : i32
      %scan3A_721 = arith.addi %scan3A_719, %scan3A_720 : i32
      %scan3A_722 = arith.constant 1 : i32
      scf.for %scan3A_799 = %scan3A_719 to %scan3A_721 step %scan3A_722  : i32 {
        %get3A = arith.index_cast %scan3A_799 : i32 to index
        %get3A_800 = arith.constant 0 : index
        %get3A_801 = tpu.vector_load %arg10[%get3A, %get3A_800] {strides = array<i32>} : memref<200x64xf32, #tpu.memory_space<vmem>>, vector<1x16xf32>,
        %get3A_802 = vector.shape_cast %get3A_801 : vector<1x16xf32> to vector<16xf32>
        %mul3A_803 = arith.constant 8.000000e+00 : f32
        %mul3A_804 = vector.broadcast %mul3A_803 : f32 to vector<16xf32>
        %mul3A_805 = arith.mulf %get3A_802, %mul3A_804 : vector<16xf32>
        %get3A_806 = arith.index_cast %scan3A_799 : i32 to index
        %get3A_807 = arith.constant 0 : index
        %get3A_808 = tpu.vector_load %arg6[%get3A_806, %get3A_807] {strides = array<i32>} : memref<200x64xf32, #tpu.memory_space<vmem>>, vector<1x16xf32>,
        %get3A_809 = vector.shape_cast %get3A_808 : vector<1x16xf32> to vector<16xf32>
        %add3A_810 = arith.addf %mul3A_805, %get3A_809 : vector<16xf32>
        %swap3A = arith.index_cast %scan3A_799 : i32 to index
        %swap3A_811 = arith.constant 0 : index
        %swap3A_812 = tpu.vector_load %arg10[%swap3A, %swap3A_811] {strides = array<i32>} : memref<200x64xf32, #tpu.memory_space<vmem>>, vector<1x16xf32>,
        %swap3A_813 = vector.shape_cast %swap3A_812 : vector<1x16xf32> to vector<16xf32>
        %swap3A_814 = vector.shape_cast %add3A_810 : vector<16xf32> to vector<1x16xf32>
        tpu.vector_store %arg10[%swap3A, %swap3A_811], %swap3A_814 {strides = array<i32>} : memref<200x64xf32, #tpu.memory_space<vmem>>, vector<1x16xf32>,
        %get3A_815 = arith.index_cast %scan3A_799 : i32 to index
        %get3A_816 = arith.constant 16 : index
        %get3A_817 = tpu.vector_load %arg10[%get3A_815, %get3A_816] {strides = array<i32>} : memref<200x64xf32, #tpu.memory_space<vmem>>, vector<1x16xf32>,
        %get3A_818 = vector.shape_cast %get3A_817 : vector<1x16xf32> to vector<16xf32>
        %mul3A_819 = arith.constant 8.000000e+00 : f32
        %mul3A_820 = vector.broadcast %mul3A_819 : f32 to vector<16xf32>
        %mul3A_821 = arith.mulf %get3A_818, %mul3A_820 : vector<16xf32>
        %get3A_822 = arith.index_cast %scan3A_799 : i32 to index
        %get3A_823 = arith.constant 16 : index
        %get3A_824 = tpu.vector_load %arg6[%get3A_822, %get3A_823] {strides = array<i32>} : memref<200x64xf32, #tpu.memory_space<vmem>>, vector<1x16xf32>,
        %get3A_825 = vector.shape_cast %get3A_824 : vector<1x16xf32> to vector<16xf32>
        %add3A_826 = arith.addf %mul3A_821, %get3A_825 : vector<16xf32>
        %swap3A_827 = arith.index_cast %scan3A_799 : i32 to index
        %swap3A_828 = arith.constant 16 : index
        %swap3A_829 = tpu.vector_load %arg10[%swap3A_827, %swap3A_828] {strides = array<i32>} : memref<200x64xf32, #tpu.memory_space<vmem>>, vector<1x16xf32>,
        %swap3A_830 = vector.shape_cast %swap3A_829 : vector<1x16xf32> to vector<16xf32>
        %swap3A_831 = vector.shape_cast %add3A_826 : vector<16xf32> to vector<1x16xf32>
        tpu.vector_store %arg10[%swap3A_827, %swap3A_828], %swap3A_831 {strides = array<i32>} : memref<200x64xf32, #tpu.memory_space<vmem>>, vector<1x16xf32>,
        %get3A_832 = arith.index_cast %scan3A_799 : i32 to index
        %get3A_833 = arith.constant 32 : index
        %get3A_834 = tpu.vector_load %arg10[%get3A_832, %get3A_833] {strides = array<i32>} : memref<200x64xf32, #tpu.memory_space<vmem>>, vector<1x16xf32>,
        %get3A_835 = vector.shape_cast %get3A_834 : vector<1x16xf32> to vector<16xf32>
        %mul3A_836 = arith.constant 8.000000e+00 : f32
        %mul3A_837 = vector.broadcast %mul3A_836 : f32 to vector<16xf32>
        %mul3A_838 = arith.mulf %get3A_835, %mul3A_837 : vector<16xf32>
        %get3A_839 = arith.index_cast %scan3A_799 : i32 to index
        %get3A_840 = arith.constant 32 : index
        %get3A_841 = tpu.vector_load %arg6[%get3A_839, %get3A_840] {strides = array<i32>} : memref<200x64xf32, #tpu.memory_space<vmem>>, vector<1x16xf32>,
        %get3A_842 = vector.shape_cast %get3A_841 : vector<1x16xf32> to vector<16xf32>
        %add3A_843 = arith.addf %mul3A_838, %get3A_842 : vector<16xf32>
        %swap3A_844 = arith.index_cast %scan3A_799 : i32 to index
        %swap3A_845 = arith.constant 32 : index
        %swap3A_846 = tpu.vector_load %arg10[%swap3A_844, %swap3A_845] {strides = array<i32>} : memref<200x64xf32, #tpu.memory_space<vmem>>, vector<1x16xf32>,
        %swap3A_847 = vector.shape_cast %swap3A_846 : vector<1x16xf32> to vector<16xf32>
        %swap3A_848 = vector.shape_cast %add3A_843 : vector<16xf32> to vector<1x16xf32>
        tpu.vector_store %arg10[%swap3A_844, %swap3A_845], %swap3A_848 {strides = array<i32>} : memref<200x64xf32, #tpu.memory_space<vmem>>, vector<1x16xf32>,
        %get3A_849 = arith.index_cast %scan3A_799 : i32 to index
        %get3A_850 = arith.constant 48 : index
        %get3A_851 = tpu.vector_load %arg10[%get3A_849, %get3A_850] {strides = array<i32>} : memref<200x64xf32, #tpu.memory_space<vmem>>, vector<1x16xf32>,
        %get3A_852 = vector.shape_cast %get3A_851 : vector<1x16xf32> to vector<16xf32>
        %mul3A_853 = arith.constant 8.000000e+00 : f32
        %mul3A_854 = vector.broadcast %mul3A_853 : f32 to vector<16xf32>
        %mul3A_855 = arith.mulf %get3A_852, %mul3A_854 : vector<16xf32>
        %get3A_856 = arith.index_cast %scan3A_799 : i32 to index
        %get3A_857 = arith.constant 48 : index
        %get3A_858 = tpu.vector_load %arg6[%get3A_856, %get3A_857] {strides = array<i32>} : memref<200x64xf32, #tpu.memory_space<vmem>>, vector<1x16xf32>,
        %get3A_859 = vector.shape_cast %get3A_858 : vector<1x16xf32> to vector<16xf32>
        %add3A_860 = arith.addf %mul3A_855, %get3A_859 : vector<16xf32>
        %swap3A_861 = arith.index_cast %scan3A_799 : i32 to index
        %swap3A_862 = arith.constant 48 : index
        %swap3A_863 = tpu.vector_load %arg10[%swap3A_861, %swap3A_862] {strides = array<i32>} : memref<200x64xf32, #tpu.memory_space<vmem>>, vector<1x16xf32>,
        %swap3A_864 = vector.shape_cast %swap3A_863 : vector<1x16xf32> to vector<16xf32>
        %swap3A_865 = vector.shape_cast %add3A_860 : vector<16xf32> to vector<1x16xf32>
        tpu.vector_store %arg10[%swap3A_861, %swap3A_862], %swap3A_865 {strides = array<i32>} : memref<200x64xf32, #tpu.memory_space<vmem>>, vector<1x16xf32>,
      }
      %scan3A_723 = arith.constant 200 : i32
      %add3A_724 = arith.addi %mul3A_2, %add3A_668 : i32
      %dma_start3A_725 = arith.constant 0 : i32
      %dma_start3A_726 = arith.constant 0 : i32
      %dma_start3A_727 = tpu.memref_slice %arg5[%add3A_724, %dma_start3A_725, %dma_start3A_726] : memref<4096x200x64xf32, #tpu.memory_space<hbm>> -> memref<1x200x64xf32, #tpu.memory_space<hbm>>
      %dma_start3A_728 = tpu.memref_squeeze %dma_start3A_727 : memref<1x200x64xf32, #tpu.memory_space<hbm>> -> memref<200x64xf32, #tpu.memory_space<hbm>>
      %dma_start3A_729 = arith.constant 0 : i32
      %dma_start3A_730 = arith.constant 0 : i32
      %dma_start3A_731 = tpu.memref_slice %arg5[%add3A_724, %dma_start3A_729, %dma_start3A_730] : memref<4096x200x64xf32, #tpu.memory_space<hbm>> -> memref<1x200x64xf32, #tpu.memory_space<hbm>>
      %dma_start3A_732 = tpu.memref_squeeze %dma_start3A_731 : memref<1x200x64xf32, #tpu.memory_space<hbm>> -> memref<200x64xf32, #tpu.memory_space<hbm>>
      tpu.enqueue_dma source(%arg10 : memref<200x64xf32, #tpu.memory_space<vmem>>) target(%dma_start3A_732 : memref<200x64xf32, #tpu.memory_space<hbm>>) target_semaphore(%arg18 : memref<!tpu.dma_semaphore, #tpu.memory_space<semaphore_mem>>)
      %add3A_733 = arith.constant 3 : i32
      %add3A_734 = arith.addi %mul3A_534, %add3A_733 : i32
      %dma_wait3A_735 = arith.constant 0 : i32
      %dma_wait3A_736 = arith.constant 0 : i32
      %dma_wait3A_737 = arith.constant 0 : i32
      %dma_wait3A_738 = tpu.memref_slice %arg5[%dma_wait3A_735, %dma_wait3A_736, %dma_wait3A_737] : memref<4096x200x64xf32, #tpu.memory_space<hbm>> -> memref<1x200x64xf32, #tpu.memory_space<hbm>>
      %dma_wait3A_739 = tpu.memref_squeeze %dma_wait3A_738 : memref<1x200x64xf32, #tpu.memory_space<hbm>> -> memref<200x64xf32, #tpu.memory_space<hbm>>
      %dma_wait3A_740 = arith.constant 0 : i32
      %dma_wait3A_741 = arith.constant 0 : i32
      %dma_wait3A_742 = tpu.memref_slice %arg5[%dma_wait3A_735, %dma_wait3A_740, %dma_wait3A_741] : memref<4096x200x64xf32, #tpu.memory_space<hbm>> -> memref<1x200x64xf32, #tpu.memory_space<hbm>>
      %dma_wait3A_743 = tpu.memref_squeeze %dma_wait3A_742 : memref<1x200x64xf32, #tpu.memory_space<hbm>> -> memref<200x64xf32, #tpu.memory_space<hbm>>
      tpu.wait_dma2 semaphore(%arg17 : memref<!tpu.dma_semaphore, #tpu.memory_space<semaphore_mem>>) src(%arg9 : memref<200x64xf32, #tpu.memory_space<vmem>>) dst(%dma_wait3A_743 : memref<200x64xf32, #tpu.memory_space<hbm>>)
      %add3A_744 = arith.constant 2 : i32
      %add3A_745 = arith.addi %add3A_734, %add3A_744 : i32
      %dma_start3A_746 = arith.constant 0 : i32
      %dma_start3A_747 = arith.constant 0 : i32
      %dma_start3A_748 = tpu.memref_slice %arg9[%dma_start3A_746, %dma_start3A_747] : memref<200x64xf32, #tpu.memory_space<vmem>> -> memref<104x64xf32, #tpu.memory_space<vmem>>
      %dma_start3A_749 = arith.constant 0 : i32
      %dma_start3A_750 = tpu.memref_slice %arg7[%add3A_745, %dma_start3A_749] : memref<128x200xi32, #tpu.memory_space<vmem>> -> memref<1x104xi32, #tpu.memory_space<vmem>>
      %dma_start3A_751 = tpu.memref_squeeze %dma_start3A_750 : memref<1x104xi32, #tpu.memory_space<vmem>> -> memref<104xi32, #tpu.memory_space<vmem>>
      %dma_start3A_752 = arith.constant 0 : i32
      %dma_start3A_753 = arith.constant 0 : i32
      %dma_start3A_754 = tpu.memref_slice %arg2[%dma_start3A_752, %dma_start3A_753] : memref<1000000x64xf32, #tpu.memory_space<hbm>> -> memref<1000000x64xf32, #tpu.memory_space<hbm>>
      tpu.enqueue_indirect_dma source(%dma_start3A_754 : memref<1000000x64xf32, #tpu.memory_space<hbm>>) target(%dma_start3A_748 : memref<104x64xf32, #tpu.memory_space<vmem>>) offsets(%dma_start3A_751 : memref<104xi32, #tpu.memory_space<vmem>>) semaphore(%arg13 : memref<!tpu.dma_semaphore, #tpu.memory_space<semaphore_mem>>)
      %dma_start3A_755 = arith.constant 104 : i32
      %dma_start3A_756 = arith.constant 0 : i32
      %dma_start3A_757 = tpu.memref_slice %arg9[%dma_start3A_755, %dma_start3A_756] : memref<200x64xf32, #tpu.memory_space<vmem>> -> memref<96x64xf32, #tpu.memory_space<vmem>>
      %dma_start3A_758 = arith.constant 104 : i32
      %dma_start3A_759 = tpu.memref_slice %arg7[%add3A_745, %dma_start3A_758] : memref<128x200xi32, #tpu.memory_space<vmem>> -> memref<1x96xi32, #tpu.memory_space<vmem>>
      %dma_start3A_760 = tpu.memref_squeeze %dma_start3A_759 : memref<1x96xi32, #tpu.memory_space<vmem>> -> memref<96xi32, #tpu.memory_space<vmem>>
      %dma_start3A_761 = arith.constant 0 : i32
      %dma_start3A_762 = arith.constant 0 : i32
      %dma_start3A_763 = tpu.memref_slice %arg2[%dma_start3A_761, %dma_start3A_762] : memref<1000000x64xf32, #tpu.memory_space<hbm>> -> memref<1000000x64xf32, #tpu.memory_space<hbm>>
      tpu.enqueue_indirect_dma source(%dma_start3A_763 : memref<1000000x64xf32, #tpu.memory_space<hbm>>) target(%dma_start3A_757 : memref<96x64xf32, #tpu.memory_space<vmem>>) offsets(%dma_start3A_760 : memref<96xi32, #tpu.memory_space<vmem>>) semaphore(%arg13 : memref<!tpu.dma_semaphore, #tpu.memory_space<semaphore_mem>>)
      %dma_wait3A_764 = arith.constant 0 : i32
      %dma_wait3A_765 = arith.constant 0 : i32
      %dma_wait3A_766 = arith.constant 0 : i32
      %dma_wait3A_767 = tpu.memref_slice %arg11[%dma_wait3A_765, %dma_wait3A_766] : memref<200x64xf32, #tpu.memory_space<vmem>> -> memref<104x64xf32, #tpu.memory_space<vmem>>
      %dma_wait3A_768 = arith.constant 0 : i32
      %dma_wait3A_769 = tpu.memref_slice %arg7[%dma_wait3A_764, %dma_wait3A_768] : memref<128x200xi32, #tpu.memory_space<vmem>> -> memref<1x104xi32, #tpu.memory_space<vmem>>
      %dma_wait3A_770 = tpu.memref_squeeze %dma_wait3A_769 : memref<1x104xi32, #tpu.memory_space<vmem>> -> memref<104xi32, #tpu.memory_space<vmem>>
      %dma_wait3A_771 = arith.constant 0 : i32
      %dma_wait3A_772 = arith.constant 0 : i32
      %dma_wait3A_773 = tpu.memref_slice %arg2[%dma_wait3A_771, %dma_wait3A_772] : memref<1000000x64xf32, #tpu.memory_space<hbm>> -> memref<1000000x64xf32, #tpu.memory_space<hbm>>
      tpu.wait_indirect_dma semaphore(%arg15 : memref<!tpu.dma_semaphore, #tpu.memory_space<semaphore_mem>>) src(%dma_wait3A_773 : memref<1000000x64xf32, #tpu.memory_space<hbm>>) dst(%dma_wait3A_767 : memref<104x64xf32, #tpu.memory_space<vmem>>)
      %dma_wait3A_774 = arith.constant 0 : i32
      %dma_wait3A_775 = arith.constant 104 : i32
      %dma_wait3A_776 = arith.constant 0 : i32
      %dma_wait3A_777 = tpu.memref_slice %arg11[%dma_wait3A_775, %dma_wait3A_776] : memref<200x64xf32, #tpu.memory_space<vmem>> -> memref<96x64xf32, #tpu.memory_space<vmem>>
      %dma_wait3A_778 = arith.constant 0 : i32
      %dma_wait3A_779 = tpu.memref_slice %arg7[%dma_wait3A_774, %dma_wait3A_778] : memref<128x200xi32, #tpu.memory_space<vmem>> -> memref<1x96xi32, #tpu.memory_space<vmem>>
      %dma_wait3A_780 = tpu.memref_squeeze %dma_wait3A_779 : memref<1x96xi32, #tpu.memory_space<vmem>> -> memref<96xi32, #tpu.memory_space<vmem>>
      %dma_wait3A_781 = arith.constant 0 : i32
      %dma_wait3A_782 = arith.constant 0 : i32
      %dma_wait3A_783 = tpu.memref_slice %arg2[%dma_wait3A_781, %dma_wait3A_782] : memref<1000000x64xf32, #tpu.memory_space<hbm>> -> memref<1000000x64xf32, #tpu.memory_space<hbm>>
      tpu.wait_indirect_dma semaphore(%arg15 : memref<!tpu.dma_semaphore, #tpu.memory_space<semaphore_mem>>) src(%dma_wait3A_783 : memref<1000000x64xf32, #tpu.memory_space<hbm>>) dst(%dma_wait3A_777 : memref<96x64xf32, #tpu.memory_space<vmem>>)
      %scan3A_784 = arith.constant 0 : i32
      %scan3A_785 = arith.constant 0 : i32
      %scan3A_786 = arith.constant 200 : i32
      %scan3A_787 = arith.addi %scan3A_785, %scan3A_786 : i32
      %scan3A_788 = arith.constant 1 : i32
      scf.for %scan3A_799 = %scan3A_785 to %scan3A_787 step %scan3A_788  : i32 {
        %get3A = arith.index_cast %scan3A_799 : i32 to index
        %get3A_800 = arith.constant 0 : index
        %get3A_801 = tpu.vector_load %arg11[%get3A, %get3A_800] {strides = array<i32>} : memref<200x64xf32, #tpu.memory_space<vmem>>, vector<1x16xf32>,
        %get3A_802 = vector.shape_cast %get3A_801 : vector<1x16xf32> to vector<16xf32>
        %mul3A_803 = arith.constant 8.000000e+00 : f32
        %mul3A_804 = vector.broadcast %mul3A_803 : f32 to vector<16xf32>
        %mul3A_805 = arith.mulf %get3A_802, %mul3A_804 : vector<16xf32>
        %get3A_806 = arith.index_cast %scan3A_799 : i32 to index
        %get3A_807 = arith.constant 0 : index
        %get3A_808 = tpu.vector_load %arg6[%get3A_806, %get3A_807] {strides = array<i32>} : memref<200x64xf32, #tpu.memory_space<vmem>>, vector<1x16xf32>,
        %get3A_809 = vector.shape_cast %get3A_808 : vector<1x16xf32> to vector<16xf32>
        %add3A_810 = arith.addf %mul3A_805, %get3A_809 : vector<16xf32>
        %swap3A = arith.index_cast %scan3A_799 : i32 to index
        %swap3A_811 = arith.constant 0 : index
        %swap3A_812 = tpu.vector_load %arg11[%swap3A, %swap3A_811] {strides = array<i32>} : memref<200x64xf32, #tpu.memory_space<vmem>>, vector<1x16xf32>,
        %swap3A_813 = vector.shape_cast %swap3A_812 : vector<1x16xf32> to vector<16xf32>
        %swap3A_814 = vector.shape_cast %add3A_810 : vector<16xf32> to vector<1x16xf32>
        tpu.vector_store %arg11[%swap3A, %swap3A_811], %swap3A_814 {strides = array<i32>} : memref<200x64xf32, #tpu.memory_space<vmem>>, vector<1x16xf32>,
        %get3A_815 = arith.index_cast %scan3A_799 : i32 to index
        %get3A_816 = arith.constant 16 : index
        %get3A_817 = tpu.vector_load %arg11[%get3A_815, %get3A_816] {strides = array<i32>} : memref<200x64xf32, #tpu.memory_space<vmem>>, vector<1x16xf32>,
        %get3A_818 = vector.shape_cast %get3A_817 : vector<1x16xf32> to vector<16xf32>
        %mul3A_819 = arith.constant 8.000000e+00 : f32
        %mul3A_820 = vector.broadcast %mul3A_819 : f32 to vector<16xf32>
        %mul3A_821 = arith.mulf %get3A_818, %mul3A_820 : vector<16xf32>
        %get3A_822 = arith.index_cast %scan3A_799 : i32 to index
        %get3A_823 = arith.constant 16 : index
        %get3A_824 = tpu.vector_load %arg6[%get3A_822, %get3A_823] {strides = array<i32>} : memref<200x64xf32, #tpu.memory_space<vmem>>, vector<1x16xf32>,
        %get3A_825 = vector.shape_cast %get3A_824 : vector<1x16xf32> to vector<16xf32>
        %add3A_826 = arith.addf %mul3A_821, %get3A_825 : vector<16xf32>
        %swap3A_827 = arith.index_cast %scan3A_799 : i32 to index
        %swap3A_828 = arith.constant 16 : index
        %swap3A_829 = tpu.vector_load %arg11[%swap3A_827, %swap3A_828] {strides = array<i32>} : memref<200x64xf32, #tpu.memory_space<vmem>>, vector<1x16xf32>,
        %swap3A_830 = vector.shape_cast %swap3A_829 : vector<1x16xf32> to vector<16xf32>
        %swap3A_831 = vector.shape_cast %add3A_826 : vector<16xf32> to vector<1x16xf32>
        tpu.vector_store %arg11[%swap3A_827, %swap3A_828], %swap3A_831 {strides = array<i32>} : memref<200x64xf32, #tpu.memory_space<vmem>>, vector<1x16xf32>,
        %get3A_832 = arith.index_cast %scan3A_799 : i32 to index
        %get3A_833 = arith.constant 32 : index
        %get3A_834 = tpu.vector_load %arg11[%get3A_832, %get3A_833] {strides = array<i32>} : memref<200x64xf32, #tpu.memory_space<vmem>>, vector<1x16xf32>,
        %get3A_835 = vector.shape_cast %get3A_834 : vector<1x16xf32> to vector<16xf32>
        %mul3A_836 = arith.constant 8.000000e+00 : f32
        %mul3A_837 = vector.broadcast %mul3A_836 : f32 to vector<16xf32>
        %mul3A_838 = arith.mulf %get3A_835, %mul3A_837 : vector<16xf32>
        %get3A_839 = arith.index_cast %scan3A_799 : i32 to index
        %get3A_840 = arith.constant 32 : index
        %get3A_841 = tpu.vector_load %arg6[%get3A_839, %get3A_840] {strides = array<i32>} : memref<200x64xf32, #tpu.memory_space<vmem>>, vector<1x16xf32>,
        %get3A_842 = vector.shape_cast %get3A_841 : vector<1x16xf32> to vector<16xf32>
        %add3A_843 = arith.addf %mul3A_838, %get3A_842 : vector<16xf32>
        %swap3A_844 = arith.index_cast %scan3A_799 : i32 to index
        %swap3A_845 = arith.constant 32 : index
        %swap3A_846 = tpu.vector_load %arg11[%swap3A_844, %swap3A_845] {strides = array<i32>} : memref<200x64xf32, #tpu.memory_space<vmem>>, vector<1x16xf32>,
        %swap3A_847 = vector.shape_cast %swap3A_846 : vector<1x16xf32> to vector<16xf32>
        %swap3A_848 = vector.shape_cast %add3A_843 : vector<16xf32> to vector<1x16xf32>
        tpu.vector_store %arg11[%swap3A_844, %swap3A_845], %swap3A_848 {strides = array<i32>} : memref<200x64xf32, #tpu.memory_space<vmem>>, vector<1x16xf32>,
        %get3A_849 = arith.index_cast %scan3A_799 : i32 to index
        %get3A_850 = arith.constant 48 : index
        %get3A_851 = tpu.vector_load %arg11[%get3A_849, %get3A_850] {strides = array<i32>} : memref<200x64xf32, #tpu.memory_space<vmem>>, vector<1x16xf32>,
        %get3A_852 = vector.shape_cast %get3A_851 : vector<1x16xf32> to vector<16xf32>
        %mul3A_853 = arith.constant 8.000000e+00 : f32
        %mul3A_854 = vector.broadcast %mul3A_853 : f32 to vector<16xf32>
        %mul3A_855 = arith.mulf %get3A_852, %mul3A_854 : vector<16xf32>
        %get3A_856 = arith.index_cast %scan3A_799 : i32 to index
        %get3A_857 = arith.constant 48 : index
        %get3A_858 = tpu.vector_load %arg6[%get3A_856, %get3A_857] {strides = array<i32>} : memref<200x64xf32, #tpu.memory_space<vmem>>, vector<1x16xf32>,
        %get3A_859 = vector.shape_cast %get3A_858 : vector<1x16xf32> to vector<16xf32>
        %add3A_860 = arith.addf %mul3A_855, %get3A_859 : vector<16xf32>
        %swap3A_861 = arith.index_cast %scan3A_799 : i32 to index
        %swap3A_862 = arith.constant 48 : index
        %swap3A_863 = tpu.vector_load %arg11[%swap3A_861, %swap3A_862] {strides = array<i32>} : memref<200x64xf32, #tpu.memory_space<vmem>>, vector<1x16xf32>,
        %swap3A_864 = vector.shape_cast %swap3A_863 : vector<1x16xf32> to vector<16xf32>
        %swap3A_865 = vector.shape_cast %add3A_860 : vector<16xf32> to vector<1x16xf32>
        tpu.vector_store %arg11[%swap3A_861, %swap3A_862], %swap3A_865 {strides = array<i32>} : memref<200x64xf32, #tpu.memory_space<vmem>>, vector<1x16xf32>,
      }
      %scan3A_789 = arith.constant 200 : i32
      %add3A_790 = arith.addi %mul3A_2, %add3A_734 : i32
      %dma_start3A_791 = arith.constant 0 : i32
      %dma_start3A_792 = arith.constant 0 : i32
      %dma_start3A_793 = tpu.memref_slice %arg5[%add3A_790, %dma_start3A_791, %dma_start3A_792] : memref<4096x200x64xf32, #tpu.memory_space<hbm>> -> memref<1x200x64xf32, #tpu.memory_space<hbm>>
      %dma_start3A_794 = tpu.memref_squeeze %dma_start3A_793 : memref<1x200x64xf32, #tpu.memory_space<hbm>> -> memref<200x64xf32, #tpu.memory_space<hbm>>
      %dma_start3A_795 = arith.constant 0 : i32
      %dma_start3A_796 = arith.constant 0 : i32
      %dma_start3A_797 = tpu.memref_slice %arg5[%add3A_790, %dma_start3A_795, %dma_start3A_796] : memref<4096x200x64xf32, #tpu.memory_space<hbm>> -> memref<1x200x64xf32, #tpu.memory_space<hbm>>
      %dma_start3A_798 = tpu.memref_squeeze %dma_start3A_797 : memref<1x200x64xf32, #tpu.memory_space<hbm>> -> memref<200x64xf32, #tpu.memory_space<hbm>>
      tpu.enqueue_dma source(%arg11 : memref<200x64xf32, #tpu.memory_space<vmem>>) target(%dma_start3A_798 : memref<200x64xf32, #tpu.memory_space<hbm>>) target_semaphore(%arg19 : memref<!tpu.dma_semaphore, #tpu.memory_space<semaphore_mem>>)
    }
    %scan3A_293 = arith.constant 30 : i32
    %dma_wait3A_294 = arith.constant 0 : i32
    %dma_wait3A_295 = arith.constant 0 : i32
    %dma_wait3A_296 = arith.constant 0 : i32
    %dma_wait3A_297 = tpu.memref_slice %arg5[%dma_wait3A_294, %dma_wait3A_295, %dma_wait3A_296] : memref<4096x200x64xf32, #tpu.memory_space<hbm>> -> memref<1x200x64xf32, #tpu.memory_space<hbm>>
    %dma_wait3A_298 = tpu.memref_squeeze %dma_wait3A_297 : memref<1x200x64xf32, #tpu.memory_space<hbm>> -> memref<200x64xf32, #tpu.memory_space<hbm>>
    %dma_wait3A_299 = arith.constant 0 : i32
    %dma_wait3A_300 = arith.constant 0 : i32
    %dma_wait3A_301 = tpu.memref_slice %arg5[%dma_wait3A_294, %dma_wait3A_299, %dma_wait3A_300] : memref<4096x200x64xf32, #tpu.memory_space<hbm>> -> memref<1x200x64xf32, #tpu.memory_space<hbm>>
    %dma_wait3A_302 = tpu.memref_squeeze %dma_wait3A_301 : memref<1x200x64xf32, #tpu.memory_space<hbm>> -> memref<200x64xf32, #tpu.memory_space<hbm>>
    tpu.wait_dma2 semaphore(%arg18 : memref<!tpu.dma_semaphore, #tpu.memory_space<semaphore_mem>>) src(%arg10 : memref<200x64xf32, #tpu.memory_space<vmem>>) dst(%dma_wait3A_302 : memref<200x64xf32, #tpu.memory_space<hbm>>)
    %dma_start3A_303 = arith.constant 126 : i32
    %dma_start3A_304 = arith.constant 0 : i32
    %dma_start3A_305 = arith.constant 0 : i32
    %dma_start3A_306 = tpu.memref_slice %arg10[%dma_start3A_304, %dma_start3A_305] : memref<200x64xf32, #tpu.memory_space<vmem>> -> memref<104x64xf32, #tpu.memory_space<vmem>>
    %dma_start3A_307 = arith.constant 0 : i32
    %dma_start3A_308 = tpu.memref_slice %arg7[%dma_start3A_303, %dma_start3A_307] : memref<128x200xi32, #tpu.memory_space<vmem>> -> memref<1x104xi32, #tpu.memory_space<vmem>>
    %dma_start3A_309 = tpu.memref_squeeze %dma_start3A_308 : memref<1x104xi32, #tpu.memory_space<vmem>> -> memref<104xi32, #tpu.memory_space<vmem>>
    %dma_start3A_310 = arith.constant 0 : i32
    %dma_start3A_311 = arith.constant 0 : i32
    %dma_start3A_312 = tpu.memref_slice %arg2[%dma_start3A_310, %dma_start3A_311] : memref<1000000x64xf32, #tpu.memory_space<hbm>> -> memref<1000000x64xf32, #tpu.memory_space<hbm>>
    tpu.enqueue_indirect_dma source(%dma_start3A_312 : memref<1000000x64xf32, #tpu.memory_space<hbm>>) target(%dma_start3A_306 : memref<104x64xf32, #tpu.memory_space<vmem>>) offsets(%dma_start3A_309 : memref<104xi32, #tpu.memory_space<vmem>>) semaphore(%arg14 : memref<!tpu.dma_semaphore, #tpu.memory_space<semaphore_mem>>)
    %dma_start3A_313 = arith.constant 126 : i32
    %dma_start3A_314 = arith.constant 104 : i32
    %dma_start3A_315 = arith.constant 0 : i32
    %dma_start3A_316 = tpu.memref_slice %arg10[%dma_start3A_314, %dma_start3A_315] : memref<200x64xf32, #tpu.memory_space<vmem>> -> memref<96x64xf32, #tpu.memory_space<vmem>>
    %dma_start3A_317 = arith.constant 104 : i32
    %dma_start3A_318 = tpu.memref_slice %arg7[%dma_start3A_313, %dma_start3A_317] : memref<128x200xi32, #tpu.memory_space<vmem>> -> memref<1x96xi32, #tpu.memory_space<vmem>>
    %dma_start3A_319 = tpu.memref_squeeze %dma_start3A_318 : memref<1x96xi32, #tpu.memory_space<vmem>> -> memref<96xi32, #tpu.memory_space<vmem>>
    %dma_start3A_320 = arith.constant 0 : i32
    %dma_start3A_321 = arith.constant 0 : i32
    %dma_start3A_322 = tpu.memref_slice %arg2[%dma_start3A_320, %dma_start3A_321] : memref<1000000x64xf32, #tpu.memory_space<hbm>> -> memref<1000000x64xf32, #tpu.memory_space<hbm>>
    tpu.enqueue_indirect_dma source(%dma_start3A_322 : memref<1000000x64xf32, #tpu.memory_space<hbm>>) target(%dma_start3A_316 : memref<96x64xf32, #tpu.memory_space<vmem>>) offsets(%dma_start3A_319 : memref<96xi32, #tpu.memory_space<vmem>>) semaphore(%arg14 : memref<!tpu.dma_semaphore, #tpu.memory_space<semaphore_mem>>)
    %dma_wait3A_323 = arith.constant 0 : i32
    %dma_wait3A_324 = arith.constant 0 : i32
    %dma_wait3A_325 = arith.constant 0 : i32
    %dma_wait3A_326 = tpu.memref_slice %arg8[%dma_wait3A_324, %dma_wait3A_325] : memref<200x64xf32, #tpu.memory_space<vmem>> -> memref<104x64xf32, #tpu.memory_space<vmem>>
    %dma_wait3A_327 = arith.constant 0 : i32
    %dma_wait3A_328 = tpu.memref_slice %arg7[%dma_wait3A_323, %dma_wait3A_327] : memref<128x200xi32, #tpu.memory_space<vmem>> -> memref<1x104xi32, #tpu.memory_space<vmem>>
    %dma_wait3A_329 = tpu.memref_squeeze %dma_wait3A_328 : memref<1x104xi32, #tpu.memory_space<vmem>> -> memref<104xi32, #tpu.memory_space<vmem>>
    %dma_wait3A_330 = arith.constant 0 : i32
    %dma_wait3A_331 = arith.constant 0 : i32
    %dma_wait3A_332 = tpu.memref_slice %arg2[%dma_wait3A_330, %dma_wait3A_331] : memref<1000000x64xf32, #tpu.memory_space<hbm>> -> memref<1000000x64xf32, #tpu.memory_space<hbm>>
    tpu.wait_indirect_dma semaphore(%arg12 : memref<!tpu.dma_semaphore, #tpu.memory_space<semaphore_mem>>) src(%dma_wait3A_332 : memref<1000000x64xf32, #tpu.memory_space<hbm>>) dst(%dma_wait3A_326 : memref<104x64xf32, #tpu.memory_space<vmem>>)
    %dma_wait3A_333 = arith.constant 0 : i32
    %dma_wait3A_334 = arith.constant 104 : i32
    %dma_wait3A_335 = arith.constant 0 : i32
    %dma_wait3A_336 = tpu.memref_slice %arg8[%dma_wait3A_334, %dma_wait3A_335] : memref<200x64xf32, #tpu.memory_space<vmem>> -> memref<96x64xf32, #tpu.memory_space<vmem>>
    %dma_wait3A_337 = arith.constant 0 : i32
    %dma_wait3A_338 = tpu.memref_slice %arg7[%dma_wait3A_333, %dma_wait3A_337] : memref<128x200xi32, #tpu.memory_space<vmem>> -> memref<1x96xi32, #tpu.memory_space<vmem>>
    %dma_wait3A_339 = tpu.memref_squeeze %dma_wait3A_338 : memref<1x96xi32, #tpu.memory_space<vmem>> -> memref<96xi32, #tpu.memory_space<vmem>>
    %dma_wait3A_340 = arith.constant 0 : i32
    %dma_wait3A_341 = arith.constant 0 : i32
    %dma_wait3A_342 = tpu.memref_slice %arg2[%dma_wait3A_340, %dma_wait3A_341] : memref<1000000x64xf32, #tpu.memory_space<hbm>> -> memref<1000000x64xf32, #tpu.memory_space<hbm>>
    tpu.wait_indirect_dma semaphore(%arg12 : memref<!tpu.dma_semaphore, #tpu.memory_space<semaphore_mem>>) src(%dma_wait3A_342 : memref<1000000x64xf32, #tpu.memory_space<hbm>>) dst(%dma_wait3A_336 : memref<96x64xf32, #tpu.memory_space<vmem>>)
    %scan3A_343 = arith.constant 0 : i32
    %scan3A_344 = arith.constant 0 : i32
    %scan3A_345 = arith.constant 200 : i32
    %scan3A_346 = arith.addi %scan3A_344, %scan3A_345 : i32
    %scan3A_347 = arith.constant 1 : i32
    scf.for %scan3A_532 = %scan3A_344 to %scan3A_346 step %scan3A_347  : i32 {
      %get3A = arith.index_cast %scan3A_532 : i32 to index
      %get3A_533 = arith.constant 0 : index
      %get3A_534 = tpu.vector_load %arg8[%get3A, %get3A_533] {strides = array<i32>} : memref<200x64xf32, #tpu.memory_space<vmem>>, vector<1x16xf32>,
      %get3A_535 = vector.shape_cast %get3A_534 : vector<1x16xf32> to vector<16xf32>
      %mul3A_536 = arith.constant 8.000000e+00 : f32
      %mul3A_537 = vector.broadcast %mul3A_536 : f32 to vector<16xf32>
      %mul3A_538 = arith.mulf %get3A_535, %mul3A_537 : vector<16xf32>
      %get3A_539 = arith.index_cast %scan3A_532 : i32 to index
      %get3A_540 = arith.constant 0 : index
      %get3A_541 = tpu.vector_load %arg6[%get3A_539, %get3A_540] {strides = array<i32>} : memref<200x64xf32, #tpu.memory_space<vmem>>, vector<1x16xf32>,
      %get3A_542 = vector.shape_cast %get3A_541 : vector<1x16xf32> to vector<16xf32>
      %add3A_543 = arith.addf %mul3A_538, %get3A_542 : vector<16xf32>
      %swap3A = arith.index_cast %scan3A_532 : i32 to index
      %swap3A_544 = arith.constant 0 : index
      %swap3A_545 = tpu.vector_load %arg8[%swap3A, %swap3A_544] {strides = array<i32>} : memref<200x64xf32, #tpu.memory_space<vmem>>, vector<1x16xf32>,
      %swap3A_546 = vector.shape_cast %swap3A_545 : vector<1x16xf32> to vector<16xf32>
      %swap3A_547 = vector.shape_cast %add3A_543 : vector<16xf32> to vector<1x16xf32>
      tpu.vector_store %arg8[%swap3A, %swap3A_544], %swap3A_547 {strides = array<i32>} : memref<200x64xf32, #tpu.memory_space<vmem>>, vector<1x16xf32>,
      %get3A_548 = arith.index_cast %scan3A_532 : i32 to index
      %get3A_549 = arith.constant 16 : index
      %get3A_550 = tpu.vector_load %arg8[%get3A_548, %get3A_549] {strides = array<i32>} : memref<200x64xf32, #tpu.memory_space<vmem>>, vector<1x16xf32>,
      %get3A_551 = vector.shape_cast %get3A_550 : vector<1x16xf32> to vector<16xf32>
      %mul3A_552 = arith.constant 8.000000e+00 : f32
      %mul3A_553 = vector.broadcast %mul3A_552 : f32 to vector<16xf32>
      %mul3A_554 = arith.mulf %get3A_551, %mul3A_553 : vector<16xf32>
      %get3A_555 = arith.index_cast %scan3A_532 : i32 to index
      %get3A_556 = arith.constant 16 : index
      %get3A_557 = tpu.vector_load %arg6[%get3A_555, %get3A_556] {strides = array<i32>} : memref<200x64xf32, #tpu.memory_space<vmem>>, vector<1x16xf32>,
      %get3A_558 = vector.shape_cast %get3A_557 : vector<1x16xf32> to vector<16xf32>
      %add3A_559 = arith.addf %mul3A_554, %get3A_558 : vector<16xf32>
      %swap3A_560 = arith.index_cast %scan3A_532 : i32 to index
      %swap3A_561 = arith.constant 16 : index
      %swap3A_562 = tpu.vector_load %arg8[%swap3A_560, %swap3A_561] {strides = array<i32>} : memref<200x64xf32, #tpu.memory_space<vmem>>, vector<1x16xf32>,
      %swap3A_563 = vector.shape_cast %swap3A_562 : vector<1x16xf32> to vector<16xf32>
      %swap3A_564 = vector.shape_cast %add3A_559 : vector<16xf32> to vector<1x16xf32>
      tpu.vector_store %arg8[%swap3A_560, %swap3A_561], %swap3A_564 {strides = array<i32>} : memref<200x64xf32, #tpu.memory_space<vmem>>, vector<1x16xf32>,
      %get3A_565 = arith.index_cast %scan3A_532 : i32 to index
      %get3A_566 = arith.constant 32 : index
      %get3A_567 = tpu.vector_load %arg8[%get3A_565, %get3A_566] {strides = array<i32>} : memref<200x64xf32, #tpu.memory_space<vmem>>, vector<1x16xf32>,
      %get3A_568 = vector.shape_cast %get3A_567 : vector<1x16xf32> to vector<16xf32>
      %mul3A_569 = arith.constant 8.000000e+00 : f32
      %mul3A_570 = vector.broadcast %mul3A_569 : f32 to vector<16xf32>
      %mul3A_571 = arith.mulf %get3A_568, %mul3A_570 : vector<16xf32>
      %get3A_572 = arith.index_cast %scan3A_532 : i32 to index
      %get3A_573 = arith.constant 32 : index
      %get3A_574 = tpu.vector_load %arg6[%get3A_572, %get3A_573] {strides = array<i32>} : memref<200x64xf32, #tpu.memory_space<vmem>>, vector<1x16xf32>,
      %get3A_575 = vector.shape_cast %get3A_574 : vector<1x16xf32> to vector<16xf32>
      %add3A_576 = arith.addf %mul3A_571, %get3A_575 : vector<16xf32>
      %swap3A_577 = arith.index_cast %scan3A_532 : i32 to index
      %swap3A_578 = arith.constant 32 : index
      %swap3A_579 = tpu.vector_load %arg8[%swap3A_577, %swap3A_578] {strides = array<i32>} : memref<200x64xf32, #tpu.memory_space<vmem>>, vector<1x16xf32>,
      %swap3A_580 = vector.shape_cast %swap3A_579 : vector<1x16xf32> to vector<16xf32>
      %swap3A_581 = vector.shape_cast %add3A_576 : vector<16xf32> to vector<1x16xf32>
      tpu.vector_store %arg8[%swap3A_577, %swap3A_578], %swap3A_581 {strides = array<i32>} : memref<200x64xf32, #tpu.memory_space<vmem>>, vector<1x16xf32>,
      %get3A_582 = arith.index_cast %scan3A_532 : i32 to index
      %get3A_583 = arith.constant 48 : index
      %get3A_584 = tpu.vector_load %arg8[%get3A_582, %get3A_583] {strides = array<i32>} : memref<200x64xf32, #tpu.memory_space<vmem>>, vector<1x16xf32>,
      %get3A_585 = vector.shape_cast %get3A_584 : vector<1x16xf32> to vector<16xf32>
      %mul3A_586 = arith.constant 8.000000e+00 : f32
      %mul3A_587 = vector.broadcast %mul3A_586 : f32 to vector<16xf32>
      %mul3A_588 = arith.mulf %get3A_585, %mul3A_587 : vector<16xf32>
      %get3A_589 = arith.index_cast %scan3A_532 : i32 to index
      %get3A_590 = arith.constant 48 : index
      %get3A_591 = tpu.vector_load %arg6[%get3A_589, %get3A_590] {strides = array<i32>} : memref<200x64xf32, #tpu.memory_space<vmem>>, vector<1x16xf32>,
      %get3A_592 = vector.shape_cast %get3A_591 : vector<1x16xf32> to vector<16xf32>
      %add3A_593 = arith.addf %mul3A_588, %get3A_592 : vector<16xf32>
      %swap3A_594 = arith.index_cast %scan3A_532 : i32 to index
      %swap3A_595 = arith.constant 48 : index
      %swap3A_596 = tpu.vector_load %arg8[%swap3A_594, %swap3A_595] {strides = array<i32>} : memref<200x64xf32, #tpu.memory_space<vmem>>, vector<1x16xf32>,
      %swap3A_597 = vector.shape_cast %swap3A_596 : vector<1x16xf32> to vector<16xf32>
      %swap3A_598 = vector.shape_cast %add3A_593 : vector<16xf32> to vector<1x16xf32>
      tpu.vector_store %arg8[%swap3A_594, %swap3A_595], %swap3A_598 {strides = array<i32>} : memref<200x64xf32, #tpu.memory_space<vmem>>, vector<1x16xf32>,
    }
    %scan3A_348 = arith.constant 200 : i32
    %add3A_349 = arith.constant 124 : i32
    %add3A_350 = arith.addi %mul3A_2, %add3A_349 : i32
    %dma_start3A_351 = arith.constant 0 : i32
    %dma_start3A_352 = arith.constant 0 : i32
    %dma_start3A_353 = tpu.memref_slice %arg5[%add3A_350, %dma_start3A_351, %dma_start3A_352] : memref<4096x200x64xf32, #tpu.memory_space<hbm>> -> memref<1x200x64xf32, #tpu.memory_space<hbm>>
    %dma_start3A_354 = tpu.memref_squeeze %dma_start3A_353 : memref<1x200x64xf32, #tpu.memory_space<hbm>> -> memref<200x64xf32, #tpu.memory_space<hbm>>
    %dma_start3A_355 = arith.constant 0 : i32
    %dma_start3A_356 = arith.constant 0 : i32
    %dma_start3A_357 = tpu.memref_slice %arg5[%add3A_350, %dma_start3A_355, %dma_start3A_356] : memref<4096x200x64xf32, #tpu.memory_space<hbm>> -> memref<1x200x64xf32, #tpu.memory_space<hbm>>
    %dma_start3A_358 = tpu.memref_squeeze %dma_start3A_357 : memref<1x200x64xf32, #tpu.memory_space<hbm>> -> memref<200x64xf32, #tpu.memory_space<hbm>>
    tpu.enqueue_dma source(%arg8 : memref<200x64xf32, #tpu.memory_space<vmem>>) target(%dma_start3A_358 : memref<200x64xf32, #tpu.memory_space<hbm>>) target_semaphore(%arg16 : memref<!tpu.dma_semaphore, #tpu.memory_space<semaphore_mem>>)
    %dma_wait3A_359 = arith.constant 0 : i32
    %dma_wait3A_360 = arith.constant 0 : i32
    %dma_wait3A_361 = arith.constant 0 : i32
    %dma_wait3A_362 = tpu.memref_slice %arg5[%dma_wait3A_359, %dma_wait3A_360, %dma_wait3A_361] : memref<4096x200x64xf32, #tpu.memory_space<hbm>> -> memref<1x200x64xf32, #tpu.memory_space<hbm>>
    %dma_wait3A_363 = tpu.memref_squeeze %dma_wait3A_362 : memref<1x200x64xf32, #tpu.memory_space<hbm>> -> memref<200x64xf32, #tpu.memory_space<hbm>>
    %dma_wait3A_364 = arith.constant 0 : i32
    %dma_wait3A_365 = arith.constant 0 : i32
    %dma_wait3A_366 = tpu.memref_slice %arg5[%dma_wait3A_359, %dma_wait3A_364, %dma_wait3A_365] : memref<4096x200x64xf32, #tpu.memory_space<hbm>> -> memref<1x200x64xf32, #tpu.memory_space<hbm>>
    %dma_wait3A_367 = tpu.memref_squeeze %dma_wait3A_366 : memref<1x200x64xf32, #tpu.memory_space<hbm>> -> memref<200x64xf32, #tpu.memory_space<hbm>>
    tpu.wait_dma2 semaphore(%arg19 : memref<!tpu.dma_semaphore, #tpu.memory_space<semaphore_mem>>) src(%arg11 : memref<200x64xf32, #tpu.memory_space<vmem>>) dst(%dma_wait3A_367 : memref<200x64xf32, #tpu.memory_space<hbm>>)
    %dma_start3A_368 = arith.constant 127 : i32
    %dma_start3A_369 = arith.constant 0 : i32
    %dma_start3A_370 = arith.constant 0 : i32
    %dma_start3A_371 = tpu.memref_slice %arg11[%dma_start3A_369, %dma_start3A_370] : memref<200x64xf32, #tpu.memory_space<vmem>> -> memref<104x64xf32, #tpu.memory_space<vmem>>
    %dma_start3A_372 = arith.constant 0 : i32
    %dma_start3A_373 = tpu.memref_slice %arg7[%dma_start3A_368, %dma_start3A_372] : memref<128x200xi32, #tpu.memory_space<vmem>> -> memref<1x104xi32, #tpu.memory_space<vmem>>
    %dma_start3A_374 = tpu.memref_squeeze %dma_start3A_373 : memref<1x104xi32, #tpu.memory_space<vmem>> -> memref<104xi32, #tpu.memory_space<vmem>>
    %dma_start3A_375 = arith.constant 0 : i32
    %dma_start3A_376 = arith.constant 0 : i32
    %dma_start3A_377 = tpu.memref_slice %arg2[%dma_start3A_375, %dma_start3A_376] : memref<1000000x64xf32, #tpu.memory_space<hbm>> -> memref<1000000x64xf32, #tpu.memory_space<hbm>>
    tpu.enqueue_indirect_dma source(%dma_start3A_377 : memref<1000000x64xf32, #tpu.memory_space<hbm>>) target(%dma_start3A_371 : memref<104x64xf32, #tpu.memory_space<vmem>>) offsets(%dma_start3A_374 : memref<104xi32, #tpu.memory_space<vmem>>) semaphore(%arg15 : memref<!tpu.dma_semaphore, #tpu.memory_space<semaphore_mem>>)
    %dma_start3A_378 = arith.constant 127 : i32
    %dma_start3A_379 = arith.constant 104 : i32
    %dma_start3A_380 = arith.constant 0 : i32
    %dma_start3A_381 = tpu.memref_slice %arg11[%dma_start3A_379, %dma_start3A_380] : memref<200x64xf32, #tpu.memory_space<vmem>> -> memref<96x64xf32, #tpu.memory_space<vmem>>
    %dma_start3A_382 = arith.constant 104 : i32
    %dma_start3A_383 = tpu.memref_slice %arg7[%dma_start3A_378, %dma_start3A_382] : memref<128x200xi32, #tpu.memory_space<vmem>> -> memref<1x96xi32, #tpu.memory_space<vmem>>
    %dma_start3A_384 = tpu.memref_squeeze %dma_start3A_383 : memref<1x96xi32, #tpu.memory_space<vmem>> -> memref<96xi32, #tpu.memory_space<vmem>>
    %dma_start3A_385 = arith.constant 0 : i32
    %dma_start3A_386 = arith.constant 0 : i32
    %dma_start3A_387 = tpu.memref_slice %arg2[%dma_start3A_385, %dma_start3A_386] : memref<1000000x64xf32, #tpu.memory_space<hbm>> -> memref<1000000x64xf32, #tpu.memory_space<hbm>>
    tpu.enqueue_indirect_dma source(%dma_start3A_387 : memref<1000000x64xf32, #tpu.memory_space<hbm>>) target(%dma_start3A_381 : memref<96x64xf32, #tpu.memory_space<vmem>>) offsets(%dma_start3A_384 : memref<96xi32, #tpu.memory_space<vmem>>) semaphore(%arg15 : memref<!tpu.dma_semaphore, #tpu.memory_space<semaphore_mem>>)
    %dma_wait3A_388 = arith.constant 0 : i32
    %dma_wait3A_389 = arith.constant 0 : i32
    %dma_wait3A_390 = arith.constant 0 : i32
    %dma_wait3A_391 = tpu.memref_slice %arg9[%dma_wait3A_389, %dma_wait3A_390] : memref<200x64xf32, #tpu.memory_space<vmem>> -> memref<104x64xf32, #tpu.memory_space<vmem>>
    %dma_wait3A_392 = arith.constant 0 : i32
    %dma_wait3A_393 = tpu.memref_slice %arg7[%dma_wait3A_388, %dma_wait3A_392] : memref<128x200xi32, #tpu.memory_space<vmem>> -> memref<1x104xi32, #tpu.memory_space<vmem>>
    %dma_wait3A_394 = tpu.memref_squeeze %dma_wait3A_393 : memref<1x104xi32, #tpu.memory_space<vmem>> -> memref<104xi32, #tpu.memory_space<vmem>>
    %dma_wait3A_395 = arith.constant 0 : i32
    %dma_wait3A_396 = arith.constant 0 : i32
    %dma_wait3A_397 = tpu.memref_slice %arg2[%dma_wait3A_395, %dma_wait3A_396] : memref<1000000x64xf32, #tpu.memory_space<hbm>> -> memref<1000000x64xf32, #tpu.memory_space<hbm>>
    tpu.wait_indirect_dma semaphore(%arg13 : memref<!tpu.dma_semaphore, #tpu.memory_space<semaphore_mem>>) src(%dma_wait3A_397 : memref<1000000x64xf32, #tpu.memory_space<hbm>>) dst(%dma_wait3A_391 : memref<104x64xf32, #tpu.memory_space<vmem>>)
    %dma_wait3A_398 = arith.constant 0 : i32
    %dma_wait3A_399 = arith.constant 104 : i32
    %dma_wait3A_400 = arith.constant 0 : i32
    %dma_wait3A_401 = tpu.memref_slice %arg9[%dma_wait3A_399, %dma_wait3A_400] : memref<200x64xf32, #tpu.memory_space<vmem>> -> memref<96x64xf32, #tpu.memory_space<vmem>>
    %dma_wait3A_402 = arith.constant 0 : i32
    %dma_wait3A_403 = tpu.memref_slice %arg7[%dma_wait3A_398, %dma_wait3A_402] : memref<128x200xi32, #tpu.memory_space<vmem>> -> memref<1x96xi32, #tpu.memory_space<vmem>>
    %dma_wait3A_404 = tpu.memref_squeeze %dma_wait3A_403 : memref<1x96xi32, #tpu.memory_space<vmem>> -> memref<96xi32, #tpu.memory_space<vmem>>
    %dma_wait3A_405 = arith.constant 0 : i32
    %dma_wait3A_406 = arith.constant 0 : i32
    %dma_wait3A_407 = tpu.memref_slice %arg2[%dma_wait3A_405, %dma_wait3A_406] : memref<1000000x64xf32, #tpu.memory_space<hbm>> -> memref<1000000x64xf32, #tpu.memory_space<hbm>>
    tpu.wait_indirect_dma semaphore(%arg13 : memref<!tpu.dma_semaphore, #tpu.memory_space<semaphore_mem>>) src(%dma_wait3A_407 : memref<1000000x64xf32, #tpu.memory_space<hbm>>) dst(%dma_wait3A_401 : memref<96x64xf32, #tpu.memory_space<vmem>>)
    %scan3A_408 = arith.constant 0 : i32
    %scan3A_409 = arith.constant 0 : i32
    %scan3A_410 = arith.constant 200 : i32
    %scan3A_411 = arith.addi %scan3A_409, %scan3A_410 : i32
    %scan3A_412 = arith.constant 1 : i32
    scf.for %scan3A_532 = %scan3A_409 to %scan3A_411 step %scan3A_412  : i32 {
      %get3A = arith.index_cast %scan3A_532 : i32 to index
      %get3A_533 = arith.constant 0 : index
      %get3A_534 = tpu.vector_load %arg9[%get3A, %get3A_533] {strides = array<i32>} : memref<200x64xf32, #tpu.memory_space<vmem>>, vector<1x16xf32>,
      %get3A_535 = vector.shape_cast %get3A_534 : vector<1x16xf32> to vector<16xf32>
      %mul3A_536 = arith.constant 8.000000e+00 : f32
      %mul3A_537 = vector.broadcast %mul3A_536 : f32 to vector<16xf32>
      %mul3A_538 = arith.mulf %get3A_535, %mul3A_537 : vector<16xf32>
      %get3A_539 = arith.index_cast %scan3A_532 : i32 to index
      %get3A_540 = arith.constant 0 : index
      %get3A_541 = tpu.vector_load %arg6[%get3A_539, %get3A_540] {strides = array<i32>} : memref<200x64xf32, #tpu.memory_space<vmem>>, vector<1x16xf32>,
      %get3A_542 = vector.shape_cast %get3A_541 : vector<1x16xf32> to vector<16xf32>
      %add3A_543 = arith.addf %mul3A_538, %get3A_542 : vector<16xf32>
      %swap3A = arith.index_cast %scan3A_532 : i32 to index
      %swap3A_544 = arith.constant 0 : index
      %swap3A_545 = tpu.vector_load %arg9[%swap3A, %swap3A_544] {strides = array<i32>} : memref<200x64xf32, #tpu.memory_space<vmem>>, vector<1x16xf32>,
      %swap3A_546 = vector.shape_cast %swap3A_545 : vector<1x16xf32> to vector<16xf32>
      %swap3A_547 = vector.shape_cast %add3A_543 : vector<16xf32> to vector<1x16xf32>
      tpu.vector_store %arg9[%swap3A, %swap3A_544], %swap3A_547 {strides = array<i32>} : memref<200x64xf32, #tpu.memory_space<vmem>>, vector<1x16xf32>,
      %get3A_548 = arith.index_cast %scan3A_532 : i32 to index
      %get3A_549 = arith.constant 16 : index
      %get3A_550 = tpu.vector_load %arg9[%get3A_548, %get3A_549] {strides = array<i32>} : memref<200x64xf32, #tpu.memory_space<vmem>>, vector<1x16xf32>,
      %get3A_551 = vector.shape_cast %get3A_550 : vector<1x16xf32> to vector<16xf32>
      %mul3A_552 = arith.constant 8.000000e+00 : f32
      %mul3A_553 = vector.broadcast %mul3A_552 : f32 to vector<16xf32>
      %mul3A_554 = arith.mulf %get3A_551, %mul3A_553 : vector<16xf32>
      %get3A_555 = arith.index_cast %scan3A_532 : i32 to index
      %get3A_556 = arith.constant 16 : index
      %get3A_557 = tpu.vector_load %arg6[%get3A_555, %get3A_556] {strides = array<i32>} : memref<200x64xf32, #tpu.memory_space<vmem>>, vector<1x16xf32>,
      %get3A_558 = vector.shape_cast %get3A_557 : vector<1x16xf32> to vector<16xf32>
      %add3A_559 = arith.addf %mul3A_554, %get3A_558 : vector<16xf32>
      %swap3A_560 = arith.index_cast %scan3A_532 : i32 to index
      %swap3A_561 = arith.constant 16 : index
      %swap3A_562 = tpu.vector_load %arg9[%swap3A_560, %swap3A_561] {strides = array<i32>} : memref<200x64xf32, #tpu.memory_space<vmem>>, vector<1x16xf32>,
      %swap3A_563 = vector.shape_cast %swap3A_562 : vector<1x16xf32> to vector<16xf32>
      %swap3A_564 = vector.shape_cast %add3A_559 : vector<16xf32> to vector<1x16xf32>
      tpu.vector_store %arg9[%swap3A_560, %swap3A_561], %swap3A_564 {strides = array<i32>} : memref<200x64xf32, #tpu.memory_space<vmem>>, vector<1x16xf32>,
      %get3A_565 = arith.index_cast %scan3A_532 : i32 to index
      %get3A_566 = arith.constant 32 : index
      %get3A_567 = tpu.vector_load %arg9[%get3A_565, %get3A_566] {strides = array<i32>} : memref<200x64xf32, #tpu.memory_space<vmem>>, vector<1x16xf32>,
      %get3A_568 = vector.shape_cast %get3A_567 : vector<1x16xf32> to vector<16xf32>
      %mul3A_569 = arith.constant 8.000000e+00 : f32
      %mul3A_570 = vector.broadcast %mul3A_569 : f32 to vector<16xf32>
      %mul3A_571 = arith.mulf %get3A_568, %mul3A_570 : vector<16xf32>
      %get3A_572 = arith.index_cast %scan3A_532 : i32 to index
      %get3A_573 = arith.constant 32 : index
      %get3A_574 = tpu.vector_load %arg6[%get3A_572, %get3A_573] {strides = array<i32>} : memref<200x64xf32, #tpu.memory_space<vmem>>, vector<1x16xf32>,
      %get3A_575 = vector.shape_cast %get3A_574 : vector<1x16xf32> to vector<16xf32>
      %add3A_576 = arith.addf %mul3A_571, %get3A_575 : vector<16xf32>
      %swap3A_577 = arith.index_cast %scan3A_532 : i32 to index
      %swap3A_578 = arith.constant 32 : index
      %swap3A_579 = tpu.vector_load %arg9[%swap3A_577, %swap3A_578] {strides = array<i32>} : memref<200x64xf32, #tpu.memory_space<vmem>>, vector<1x16xf32>,
      %swap3A_580 = vector.shape_cast %swap3A_579 : vector<1x16xf32> to vector<16xf32>
      %swap3A_581 = vector.shape_cast %add3A_576 : vector<16xf32> to vector<1x16xf32>
      tpu.vector_store %arg9[%swap3A_577, %swap3A_578], %swap3A_581 {strides = array<i32>} : memref<200x64xf32, #tpu.memory_space<vmem>>, vector<1x16xf32>,
      %get3A_582 = arith.index_cast %scan3A_532 : i32 to index
      %get3A_583 = arith.constant 48 : index
      %get3A_584 = tpu.vector_load %arg9[%get3A_582, %get3A_583] {strides = array<i32>} : memref<200x64xf32, #tpu.memory_space<vmem>>, vector<1x16xf32>,
      %get3A_585 = vector.shape_cast %get3A_584 : vector<1x16xf32> to vector<16xf32>
      %mul3A_586 = arith.constant 8.000000e+00 : f32
      %mul3A_587 = vector.broadcast %mul3A_586 : f32 to vector<16xf32>
      %mul3A_588 = arith.mulf %get3A_585, %mul3A_587 : vector<16xf32>
      %get3A_589 = arith.index_cast %scan3A_532 : i32 to index
      %get3A_590 = arith.constant 48 : index
      %get3A_591 = tpu.vector_load %arg6[%get3A_589, %get3A_590] {strides = array<i32>} : memref<200x64xf32, #tpu.memory_space<vmem>>, vector<1x16xf32>,
      %get3A_592 = vector.shape_cast %get3A_591 : vector<1x16xf32> to vector<16xf32>
      %add3A_593 = arith.addf %mul3A_588, %get3A_592 : vector<16xf32>
      %swap3A_594 = arith.index_cast %scan3A_532 : i32 to index
      %swap3A_595 = arith.constant 48 : index
      %swap3A_596 = tpu.vector_load %arg9[%swap3A_594, %swap3A_595] {strides = array<i32>} : memref<200x64xf32, #tpu.memory_space<vmem>>, vector<1x16xf32>,
      %swap3A_597 = vector.shape_cast %swap3A_596 : vector<1x16xf32> to vector<16xf32>
      %swap3A_598 = vector.shape_cast %add3A_593 : vector<16xf32> to vector<1x16xf32>
      tpu.vector_store %arg9[%swap3A_594, %swap3A_595], %swap3A_598 {strides = array<i32>} : memref<200x64xf32, #tpu.memory_space<vmem>>, vector<1x16xf32>,
    }
    %scan3A_413 = arith.constant 200 : i32
    %add3A_414 = arith.constant 125 : i32
    %add3A_415 = arith.addi %mul3A_2, %add3A_414 : i32
    %dma_start3A_416 = arith.constant 0 : i32
    %dma_start3A_417 = arith.constant 0 : i32
    %dma_start3A_418 = tpu.memref_slice %arg5[%add3A_415, %dma_start3A_416, %dma_start3A_417] : memref<4096x200x64xf32, #tpu.memory_space<hbm>> -> memref<1x200x64xf32, #tpu.memory_space<hbm>>
    %dma_start3A_419 = tpu.memref_squeeze %dma_start3A_418 : memref<1x200x64xf32, #tpu.memory_space<hbm>> -> memref<200x64xf32, #tpu.memory_space<hbm>>
    %dma_start3A_420 = arith.constant 0 : i32
    %dma_start3A_421 = arith.constant 0 : i32
    %dma_start3A_422 = tpu.memref_slice %arg5[%add3A_415, %dma_start3A_420, %dma_start3A_421] : memref<4096x200x64xf32, #tpu.memory_space<hbm>> -> memref<1x200x64xf32, #tpu.memory_space<hbm>>
    %dma_start3A_423 = tpu.memref_squeeze %dma_start3A_422 : memref<1x200x64xf32, #tpu.memory_space<hbm>> -> memref<200x64xf32, #tpu.memory_space<hbm>>
    tpu.enqueue_dma source(%arg9 : memref<200x64xf32, #tpu.memory_space<vmem>>) target(%dma_start3A_423 : memref<200x64xf32, #tpu.memory_space<hbm>>) target_semaphore(%arg17 : memref<!tpu.dma_semaphore, #tpu.memory_space<semaphore_mem>>)
    %dma_wait3A_424 = arith.constant 0 : i32
    %dma_wait3A_425 = arith.constant 0 : i32
    %dma_wait3A_426 = arith.constant 0 : i32
    %dma_wait3A_427 = tpu.memref_slice %arg10[%dma_wait3A_425, %dma_wait3A_426] : memref<200x64xf32, #tpu.memory_space<vmem>> -> memref<104x64xf32, #tpu.memory_space<vmem>>
    %dma_wait3A_428 = arith.constant 0 : i32
    %dma_wait3A_429 = tpu.memref_slice %arg7[%dma_wait3A_424, %dma_wait3A_428] : memref<128x200xi32, #tpu.memory_space<vmem>> -> memref<1x104xi32, #tpu.memory_space<vmem>>
    %dma_wait3A_430 = tpu.memref_squeeze %dma_wait3A_429 : memref<1x104xi32, #tpu.memory_space<vmem>> -> memref<104xi32, #tpu.memory_space<vmem>>
    %dma_wait3A_431 = arith.constant 0 : i32
    %dma_wait3A_432 = arith.constant 0 : i32
    %dma_wait3A_433 = tpu.memref_slice %arg2[%dma_wait3A_431, %dma_wait3A_432] : memref<1000000x64xf32, #tpu.memory_space<hbm>> -> memref<1000000x64xf32, #tpu.memory_space<hbm>>
    tpu.wait_indirect_dma semaphore(%arg14 : memref<!tpu.dma_semaphore, #tpu.memory_space<semaphore_mem>>) src(%dma_wait3A_433 : memref<1000000x64xf32, #tpu.memory_space<hbm>>) dst(%dma_wait3A_427 : memref<104x64xf32, #tpu.memory_space<vmem>>)
    %dma_wait3A_434 = arith.constant 0 : i32
    %dma_wait3A_435 = arith.constant 104 : i32
    %dma_wait3A_436 = arith.constant 0 : i32
    %dma_wait3A_437 = tpu.memref_slice %arg10[%dma_wait3A_435, %dma_wait3A_436] : memref<200x64xf32, #tpu.memory_space<vmem>> -> memref<96x64xf32, #tpu.memory_space<vmem>>
    %dma_wait3A_438 = arith.constant 0 : i32
    %dma_wait3A_439 = tpu.memref_slice %arg7[%dma_wait3A_434, %dma_wait3A_438] : memref<128x200xi32, #tpu.memory_space<vmem>> -> memref<1x96xi32, #tpu.memory_space<vmem>>
    %dma_wait3A_440 = tpu.memref_squeeze %dma_wait3A_439 : memref<1x96xi32, #tpu.memory_space<vmem>> -> memref<96xi32, #tpu.memory_space<vmem>>
    %dma_wait3A_441 = arith.constant 0 : i32
    %dma_wait3A_442 = arith.constant 0 : i32
    %dma_wait3A_443 = tpu.memref_slice %arg2[%dma_wait3A_441, %dma_wait3A_442] : memref<1000000x64xf32, #tpu.memory_space<hbm>> -> memref<1000000x64xf32, #tpu.memory_space<hbm>>
    tpu.wait_indirect_dma semaphore(%arg14 : memref<!tpu.dma_semaphore, #tpu.memory_space<semaphore_mem>>) src(%dma_wait3A_443 : memref<1000000x64xf32, #tpu.memory_space<hbm>>) dst(%dma_wait3A_437 : memref<96x64xf32, #tpu.memory_space<vmem>>)
    %scan3A_444 = arith.constant 0 : i32
    %scan3A_445 = arith.constant 0 : i32
    %scan3A_446 = arith.constant 200 : i32
    %scan3A_447 = arith.addi %scan3A_445, %scan3A_446 : i32
    %scan3A_448 = arith.constant 1 : i32
    scf.for %scan3A_532 = %scan3A_445 to %scan3A_447 step %scan3A_448  : i32 {
      %get3A = arith.index_cast %scan3A_532 : i32 to index
      %get3A_533 = arith.constant 0 : index
      %get3A_534 = tpu.vector_load %arg10[%get3A, %get3A_533] {strides = array<i32>} : memref<200x64xf32, #tpu.memory_space<vmem>>, vector<1x16xf32>,
      %get3A_535 = vector.shape_cast %get3A_534 : vector<1x16xf32> to vector<16xf32>
      %mul3A_536 = arith.constant 8.000000e+00 : f32
      %mul3A_537 = vector.broadcast %mul3A_536 : f32 to vector<16xf32>
      %mul3A_538 = arith.mulf %get3A_535, %mul3A_537 : vector<16xf32>
      %get3A_539 = arith.index_cast %scan3A_532 : i32 to index
      %get3A_540 = arith.constant 0 : index
      %get3A_541 = tpu.vector_load %arg6[%get3A_539, %get3A_540] {strides = array<i32>} : memref<200x64xf32, #tpu.memory_space<vmem>>, vector<1x16xf32>,
      %get3A_542 = vector.shape_cast %get3A_541 : vector<1x16xf32> to vector<16xf32>
      %add3A_543 = arith.addf %mul3A_538, %get3A_542 : vector<16xf32>
      %swap3A = arith.index_cast %scan3A_532 : i32 to index
      %swap3A_544 = arith.constant 0 : index
      %swap3A_545 = tpu.vector_load %arg10[%swap3A, %swap3A_544] {strides = array<i32>} : memref<200x64xf32, #tpu.memory_space<vmem>>, vector<1x16xf32>,
      %swap3A_546 = vector.shape_cast %swap3A_545 : vector<1x16xf32> to vector<16xf32>
      %swap3A_547 = vector.shape_cast %add3A_543 : vector<16xf32> to vector<1x16xf32>
      tpu.vector_store %arg10[%swap3A, %swap3A_544], %swap3A_547 {strides = array<i32>} : memref<200x64xf32, #tpu.memory_space<vmem>>, vector<1x16xf32>,
      %get3A_548 = arith.index_cast %scan3A_532 : i32 to index
      %get3A_549 = arith.constant 16 : index
      %get3A_550 = tpu.vector_load %arg10[%get3A_548, %get3A_549] {strides = array<i32>} : memref<200x64xf32, #tpu.memory_space<vmem>>, vector<1x16xf32>,
      %get3A_551 = vector.shape_cast %get3A_550 : vector<1x16xf32> to vector<16xf32>
      %mul3A_552 = arith.constant 8.000000e+00 : f32
      %mul3A_553 = vector.broadcast %mul3A_552 : f32 to vector<16xf32>
      %mul3A_554 = arith.mulf %get3A_551, %mul3A_553 : vector<16xf32>
      %get3A_555 = arith.index_cast %scan3A_532 : i32 to index
      %get3A_556 = arith.constant 16 : index
      %get3A_557 = tpu.vector_load %arg6[%get3A_555, %get3A_556] {strides = array<i32>} : memref<200x64xf32, #tpu.memory_space<vmem>>, vector<1x16xf32>,
      %get3A_558 = vector.shape_cast %get3A_557 : vector<1x16xf32> to vector<16xf32>
      %add3A_559 = arith.addf %mul3A_554, %get3A_558 : vector<16xf32>
      %swap3A_560 = arith.index_cast %scan3A_532 : i32 to index
      %swap3A_561 = arith.constant 16 : index
      %swap3A_562 = tpu.vector_load %arg10[%swap3A_560, %swap3A_561] {strides = array<i32>} : memref<200x64xf32, #tpu.memory_space<vmem>>, vector<1x16xf32>,
      %swap3A_563 = vector.shape_cast %swap3A_562 : vector<1x16xf32> to vector<16xf32>
      %swap3A_564 = vector.shape_cast %add3A_559 : vector<16xf32> to vector<1x16xf32>
      tpu.vector_store %arg10[%swap3A_560, %swap3A_561], %swap3A_564 {strides = array<i32>} : memref<200x64xf32, #tpu.memory_space<vmem>>, vector<1x16xf32>,
      %get3A_565 = arith.index_cast %scan3A_532 : i32 to index
      %get3A_566 = arith.constant 32 : index
      %get3A_567 = tpu.vector_load %arg10[%get3A_565, %get3A_566] {strides = array<i32>} : memref<200x64xf32, #tpu.memory_space<vmem>>, vector<1x16xf32>,
      %get3A_568 = vector.shape_cast %get3A_567 : vector<1x16xf32> to vector<16xf32>
      %mul3A_569 = arith.constant 8.000000e+00 : f32
      %mul3A_570 = vector.broadcast %mul3A_569 : f32 to vector<16xf32>
      %mul3A_571 = arith.mulf %get3A_568, %mul3A_570 : vector<16xf32>
      %get3A_572 = arith.index_cast %scan3A_532 : i32 to index
      %get3A_573 = arith.constant 32 : index
      %get3A_574 = tpu.vector_load %arg6[%get3A_572, %get3A_573] {strides = array<i32>} : memref<200x64xf32, #tpu.memory_space<vmem>>, vector<1x16xf32>,
      %get3A_575 = vector.shape_cast %get3A_574 : vector<1x16xf32> to vector<16xf32>
      %add3A_576 = arith.addf %mul3A_571, %get3A_575 : vector<16xf32>
      %swap3A_577 = arith.index_cast %scan3A_532 : i32 to index
      %swap3A_578 = arith.constant 32 : index
      %swap3A_579 = tpu.vector_load %arg10[%swap3A_577, %swap3A_578] {strides = array<i32>} : memref<200x64xf32, #tpu.memory_space<vmem>>, vector<1x16xf32>,
      %swap3A_580 = vector.shape_cast %swap3A_579 : vector<1x16xf32> to vector<16xf32>
      %swap3A_581 = vector.shape_cast %add3A_576 : vector<16xf32> to vector<1x16xf32>
      tpu.vector_store %arg10[%swap3A_577, %swap3A_578], %swap3A_581 {strides = array<i32>} : memref<200x64xf32, #tpu.memory_space<vmem>>, vector<1x16xf32>,
      %get3A_582 = arith.index_cast %scan3A_532 : i32 to index
      %get3A_583 = arith.constant 48 : index
      %get3A_584 = tpu.vector_load %arg10[%get3A_582, %get3A_583] {strides = array<i32>} : memref<200x64xf32, #tpu.memory_space<vmem>>, vector<1x16xf32>,
      %get3A_585 = vector.shape_cast %get3A_584 : vector<1x16xf32> to vector<16xf32>
      %mul3A_586 = arith.constant 8.000000e+00 : f32
      %mul3A_587 = vector.broadcast %mul3A_586 : f32 to vector<16xf32>
      %mul3A_588 = arith.mulf %get3A_585, %mul3A_587 : vector<16xf32>
      %get3A_589 = arith.index_cast %scan3A_532 : i32 to index
      %get3A_590 = arith.constant 48 : index
      %get3A_591 = tpu.vector_load %arg6[%get3A_589, %get3A_590] {strides = array<i32>} : memref<200x64xf32, #tpu.memory_space<vmem>>, vector<1x16xf32>,
      %get3A_592 = vector.shape_cast %get3A_591 : vector<1x16xf32> to vector<16xf32>
      %add3A_593 = arith.addf %mul3A_588, %get3A_592 : vector<16xf32>
      %swap3A_594 = arith.index_cast %scan3A_532 : i32 to index
      %swap3A_595 = arith.constant 48 : index
      %swap3A_596 = tpu.vector_load %arg10[%swap3A_594, %swap3A_595] {strides = array<i32>} : memref<200x64xf32, #tpu.memory_space<vmem>>, vector<1x16xf32>,
      %swap3A_597 = vector.shape_cast %swap3A_596 : vector<1x16xf32> to vector<16xf32>
      %swap3A_598 = vector.shape_cast %add3A_593 : vector<16xf32> to vector<1x16xf32>
      tpu.vector_store %arg10[%swap3A_594, %swap3A_595], %swap3A_598 {strides = array<i32>} : memref<200x64xf32, #tpu.memory_space<vmem>>, vector<1x16xf32>,
    }
    %scan3A_449 = arith.constant 200 : i32
    %add3A_450 = arith.constant 126 : i32
    %add3A_451 = arith.addi %mul3A_2, %add3A_450 : i32
    %dma_start3A_452 = arith.constant 0 : i32
    %dma_start3A_453 = arith.constant 0 : i32
    %dma_start3A_454 = tpu.memref_slice %arg5[%add3A_451, %dma_start3A_452, %dma_start3A_453] : memref<4096x200x64xf32, #tpu.memory_space<hbm>> -> memref<1x200x64xf32, #tpu.memory_space<hbm>>
    %dma_start3A_455 = tpu.memref_squeeze %dma_start3A_454 : memref<1x200x64xf32, #tpu.memory_space<hbm>> -> memref<200x64xf32, #tpu.memory_space<hbm>>
    %dma_start3A_456 = arith.constant 0 : i32
    %dma_start3A_457 = arith.constant 0 : i32
    %dma_start3A_458 = tpu.memref_slice %arg5[%add3A_451, %dma_start3A_456, %dma_start3A_457] : memref<4096x200x64xf32, #tpu.memory_space<hbm>> -> memref<1x200x64xf32, #tpu.memory_space<hbm>>
    %dma_start3A_459 = tpu.memref_squeeze %dma_start3A_458 : memref<1x200x64xf32, #tpu.memory_space<hbm>> -> memref<200x64xf32, #tpu.memory_space<hbm>>
    tpu.enqueue_dma source(%arg10 : memref<200x64xf32, #tpu.memory_space<vmem>>) target(%dma_start3A_459 : memref<200x64xf32, #tpu.memory_space<hbm>>) target_semaphore(%arg18 : memref<!tpu.dma_semaphore, #tpu.memory_space<semaphore_mem>>)
    %dma_wait3A_460 = arith.constant 0 : i32
    %dma_wait3A_461 = arith.constant 0 : i32
    %dma_wait3A_462 = arith.constant 0 : i32
    %dma_wait3A_463 = tpu.memref_slice %arg11[%dma_wait3A_461, %dma_wait3A_462] : memref<200x64xf32, #tpu.memory_space<vmem>> -> memref<104x64xf32, #tpu.memory_space<vmem>>
    %dma_wait3A_464 = arith.constant 0 : i32
    %dma_wait3A_465 = tpu.memref_slice %arg7[%dma_wait3A_460, %dma_wait3A_464] : memref<128x200xi32, #tpu.memory_space<vmem>> -> memref<1x104xi32, #tpu.memory_space<vmem>>
    %dma_wait3A_466 = tpu.memref_squeeze %dma_wait3A_465 : memref<1x104xi32, #tpu.memory_space<vmem>> -> memref<104xi32, #tpu.memory_space<vmem>>
    %dma_wait3A_467 = arith.constant 0 : i32
    %dma_wait3A_468 = arith.constant 0 : i32
    %dma_wait3A_469 = tpu.memref_slice %arg2[%dma_wait3A_467, %dma_wait3A_468] : memref<1000000x64xf32, #tpu.memory_space<hbm>> -> memref<1000000x64xf32, #tpu.memory_space<hbm>>
    tpu.wait_indirect_dma semaphore(%arg15 : memref<!tpu.dma_semaphore, #tpu.memory_space<semaphore_mem>>) src(%dma_wait3A_469 : memref<1000000x64xf32, #tpu.memory_space<hbm>>) dst(%dma_wait3A_463 : memref<104x64xf32, #tpu.memory_space<vmem>>)
    %dma_wait3A_470 = arith.constant 0 : i32
    %dma_wait3A_471 = arith.constant 104 : i32
    %dma_wait3A_472 = arith.constant 0 : i32
    %dma_wait3A_473 = tpu.memref_slice %arg11[%dma_wait3A_471, %dma_wait3A_472] : memref<200x64xf32, #tpu.memory_space<vmem>> -> memref<96x64xf32, #tpu.memory_space<vmem>>
    %dma_wait3A_474 = arith.constant 0 : i32
    %dma_wait3A_475 = tpu.memref_slice %arg7[%dma_wait3A_470, %dma_wait3A_474] : memref<128x200xi32, #tpu.memory_space<vmem>> -> memref<1x96xi32, #tpu.memory_space<vmem>>
    %dma_wait3A_476 = tpu.memref_squeeze %dma_wait3A_475 : memref<1x96xi32, #tpu.memory_space<vmem>> -> memref<96xi32, #tpu.memory_space<vmem>>
    %dma_wait3A_477 = arith.constant 0 : i32
    %dma_wait3A_478 = arith.constant 0 : i32
    %dma_wait3A_479 = tpu.memref_slice %arg2[%dma_wait3A_477, %dma_wait3A_478] : memref<1000000x64xf32, #tpu.memory_space<hbm>> -> memref<1000000x64xf32, #tpu.memory_space<hbm>>
    tpu.wait_indirect_dma semaphore(%arg15 : memref<!tpu.dma_semaphore, #tpu.memory_space<semaphore_mem>>) src(%dma_wait3A_479 : memref<1000000x64xf32, #tpu.memory_space<hbm>>) dst(%dma_wait3A_473 : memref<96x64xf32, #tpu.memory_space<vmem>>)
    %scan3A_480 = arith.constant 0 : i32
    %scan3A_481 = arith.constant 0 : i32
    %scan3A_482 = arith.constant 200 : i32
    %scan3A_483 = arith.addi %scan3A_481, %scan3A_482 : i32
    %scan3A_484 = arith.constant 1 : i32
    scf.for %scan3A_532 = %scan3A_481 to %scan3A_483 step %scan3A_484  : i32 {
      %get3A = arith.index_cast %scan3A_532 : i32 to index
      %get3A_533 = arith.constant 0 : index
      %get3A_534 = tpu.vector_load %arg11[%get3A, %get3A_533] {strides = array<i32>} : memref<200x64xf32, #tpu.memory_space<vmem>>, vector<1x16xf32>,
      %get3A_535 = vector.shape_cast %get3A_534 : vector<1x16xf32> to vector<16xf32>
      %mul3A_536 = arith.constant 8.000000e+00 : f32
      %mul3A_537 = vector.broadcast %mul3A_536 : f32 to vector<16xf32>
      %mul3A_538 = arith.mulf %get3A_535, %mul3A_537 : vector<16xf32>
      %get3A_539 = arith.index_cast %scan3A_532 : i32 to index
      %get3A_540 = arith.constant 0 : index
      %get3A_541 = tpu.vector_load %arg6[%get3A_539, %get3A_540] {strides = array<i32>} : memref<200x64xf32, #tpu.memory_space<vmem>>, vector<1x16xf32>,
      %get3A_542 = vector.shape_cast %get3A_541 : vector<1x16xf32> to vector<16xf32>
      %add3A_543 = arith.addf %mul3A_538, %get3A_542 : vector<16xf32>
      %swap3A = arith.index_cast %scan3A_532 : i32 to index
      %swap3A_544 = arith.constant 0 : index
      %swap3A_545 = tpu.vector_load %arg11[%swap3A, %swap3A_544] {strides = array<i32>} : memref<200x64xf32, #tpu.memory_space<vmem>>, vector<1x16xf32>,
      %swap3A_546 = vector.shape_cast %swap3A_545 : vector<1x16xf32> to vector<16xf32>
      %swap3A_547 = vector.shape_cast %add3A_543 : vector<16xf32> to vector<1x16xf32>
      tpu.vector_store %arg11[%swap3A, %swap3A_544], %swap3A_547 {strides = array<i32>} : memref<200x64xf32, #tpu.memory_space<vmem>>, vector<1x16xf32>,
      %get3A_548 = arith.index_cast %scan3A_532 : i32 to index
      %get3A_549 = arith.constant 16 : index
      %get3A_550 = tpu.vector_load %arg11[%get3A_548, %get3A_549] {strides = array<i32>} : memref<200x64xf32, #tpu.memory_space<vmem>>, vector<1x16xf32>,
      %get3A_551 = vector.shape_cast %get3A_550 : vector<1x16xf32> to vector<16xf32>
      %mul3A_552 = arith.constant 8.000000e+00 : f32
      %mul3A_553 = vector.broadcast %mul3A_552 : f32 to vector<16xf32>
      %mul3A_554 = arith.mulf %get3A_551, %mul3A_553 : vector<16xf32>
      %get3A_555 = arith.index_cast %scan3A_532 : i32 to index
      %get3A_556 = arith.constant 16 : index
      %get3A_557 = tpu.vector_load %arg6[%get3A_555, %get3A_556] {strides = array<i32>} : memref<200x64xf32, #tpu.memory_space<vmem>>, vector<1x16xf32>,
      %get3A_558 = vector.shape_cast %get3A_557 : vector<1x16xf32> to vector<16xf32>
      %add3A_559 = arith.addf %mul3A_554, %get3A_558 : vector<16xf32>
      %swap3A_560 = arith.index_cast %scan3A_532 : i32 to index
      %swap3A_561 = arith.constant 16 : index
      %swap3A_562 = tpu.vector_load %arg11[%swap3A_560, %swap3A_561] {strides = array<i32>} : memref<200x64xf32, #tpu.memory_space<vmem>>, vector<1x16xf32>,
      %swap3A_563 = vector.shape_cast %swap3A_562 : vector<1x16xf32> to vector<16xf32>
      %swap3A_564 = vector.shape_cast %add3A_559 : vector<16xf32> to vector<1x16xf32>
      tpu.vector_store %arg11[%swap3A_560, %swap3A_561], %swap3A_564 {strides = array<i32>} : memref<200x64xf32, #tpu.memory_space<vmem>>, vector<1x16xf32>,
      %get3A_565 = arith.index_cast %scan3A_532 : i32 to index
      %get3A_566 = arith.constant 32 : index
      %get3A_567 = tpu.vector_load %arg11[%get3A_565, %get3A_566] {strides = array<i32>} : memref<200x64xf32, #tpu.memory_space<vmem>>, vector<1x16xf32>,
      %get3A_568 = vector.shape_cast %get3A_567 : vector<1x16xf32> to vector<16xf32>
      %mul3A_569 = arith.constant 8.000000e+00 : f32
      %mul3A_570 = vector.broadcast %mul3A_569 : f32 to vector<16xf32>
      %mul3A_571 = arith.mulf %get3A_568, %mul3A_570 : vector<16xf32>
      %get3A_572 = arith.index_cast %scan3A_532 : i32 to index
      %get3A_573 = arith.constant 32 : index
      %get3A_574 = tpu.vector_load %arg6[%get3A_572, %get3A_573] {strides = array<i32>} : memref<200x64xf32, #tpu.memory_space<vmem>>, vector<1x16xf32>,
      %get3A_575 = vector.shape_cast %get3A_574 : vector<1x16xf32> to vector<16xf32>
      %add3A_576 = arith.addf %mul3A_571, %get3A_575 : vector<16xf32>
      %swap3A_577 = arith.index_cast %scan3A_532 : i32 to index
      %swap3A_578 = arith.constant 32 : index
      %swap3A_579 = tpu.vector_load %arg11[%swap3A_577, %swap3A_578] {strides = array<i32>} : memref<200x64xf32, #tpu.memory_space<vmem>>, vector<1x16xf32>,
      %swap3A_580 = vector.shape_cast %swap3A_579 : vector<1x16xf32> to vector<16xf32>
      %swap3A_581 = vector.shape_cast %add3A_576 : vector<16xf32> to vector<1x16xf32>
      tpu.vector_store %arg11[%swap3A_577, %swap3A_578], %swap3A_581 {strides = array<i32>} : memref<200x64xf32, #tpu.memory_space<vmem>>, vector<1x16xf32>,
      %get3A_582 = arith.index_cast %scan3A_532 : i32 to index
      %get3A_583 = arith.constant 48 : index
      %get3A_584 = tpu.vector_load %arg11[%get3A_582, %get3A_583] {strides = array<i32>} : memref<200x64xf32, #tpu.memory_space<vmem>>, vector<1x16xf32>,
      %get3A_585 = vector.shape_cast %get3A_584 : vector<1x16xf32> to vector<16xf32>
      %mul3A_586 = arith.constant 8.000000e+00 : f32
      %mul3A_587 = vector.broadcast %mul3A_586 : f32 to vector<16xf32>
      %mul3A_588 = arith.mulf %get3A_585, %mul3A_587 : vector<16xf32>
      %get3A_589 = arith.index_cast %scan3A_532 : i32 to index
      %get3A_590 = arith.constant 48 : index
      %get3A_591 = tpu.vector_load %arg6[%get3A_589, %get3A_590] {strides = array<i32>} : memref<200x64xf32, #tpu.memory_space<vmem>>, vector<1x16xf32>,
      %get3A_592 = vector.shape_cast %get3A_591 : vector<1x16xf32> to vector<16xf32>
      %add3A_593 = arith.addf %mul3A_588, %get3A_592 : vector<16xf32>
      %swap3A_594 = arith.index_cast %scan3A_532 : i32 to index
      %swap3A_595 = arith.constant 48 : index
      %swap3A_596 = tpu.vector_load %arg11[%swap3A_594, %swap3A_595] {strides = array<i32>} : memref<200x64xf32, #tpu.memory_space<vmem>>, vector<1x16xf32>,
      %swap3A_597 = vector.shape_cast %swap3A_596 : vector<1x16xf32> to vector<16xf32>
      %swap3A_598 = vector.shape_cast %add3A_593 : vector<16xf32> to vector<1x16xf32>
      tpu.vector_store %arg11[%swap3A_594, %swap3A_595], %swap3A_598 {strides = array<i32>} : memref<200x64xf32, #tpu.memory_space<vmem>>, vector<1x16xf32>,
    }
    %scan3A_485 = arith.constant 200 : i32
    %add3A_486 = arith.constant 127 : i32
    %add3A_487 = arith.addi %mul3A_2, %add3A_486 : i32
    %dma_start3A_488 = arith.constant 0 : i32
    %dma_start3A_489 = arith.constant 0 : i32
    %dma_start3A_490 = tpu.memref_slice %arg5[%add3A_487, %dma_start3A_488, %dma_start3A_489] : memref<4096x200x64xf32, #tpu.memory_space<hbm>> -> memref<1x200x64xf32, #tpu.memory_space<hbm>>
    %dma_start3A_491 = tpu.memref_squeeze %dma_start3A_490 : memref<1x200x64xf32, #tpu.memory_space<hbm>> -> memref<200x64xf32, #tpu.memory_space<hbm>>
    %dma_start3A_492 = arith.constant 0 : i32
    %dma_start3A_493 = arith.constant 0 : i32
    %dma_start3A_494 = tpu.memref_slice %arg5[%add3A_487, %dma_start3A_492, %dma_start3A_493] : memref<4096x200x64xf32, #tpu.memory_space<hbm>> -> memref<1x200x64xf32, #tpu.memory_space<hbm>>
    %dma_start3A_495 = tpu.memref_squeeze %dma_start3A_494 : memref<1x200x64xf32, #tpu.memory_space<hbm>> -> memref<200x64xf32, #tpu.memory_space<hbm>>
    tpu.enqueue_dma source(%arg11 : memref<200x64xf32, #tpu.memory_space<vmem>>) target(%dma_start3A_495 : memref<200x64xf32, #tpu.memory_space<hbm>>) target_semaphore(%arg19 : memref<!tpu.dma_semaphore, #tpu.memory_space<semaphore_mem>>)
    %dma_wait3A_496 = arith.constant 0 : i32
    %dma_wait3A_497 = arith.constant 0 : i32
    %dma_wait3A_498 = arith.constant 0 : i32
    %dma_wait3A_499 = tpu.memref_slice %arg5[%dma_wait3A_496, %dma_wait3A_497, %dma_wait3A_498] : memref<4096x200x64xf32, #tpu.memory_space<hbm>> -> memref<1x200x64xf32, #tpu.memory_space<hbm>>
    %dma_wait3A_500 = tpu.memref_squeeze %dma_wait3A_499 : memref<1x200x64xf32, #tpu.memory_space<hbm>> -> memref<200x64xf32, #tpu.memory_space<hbm>>
    %dma_wait3A_501 = arith.constant 0 : i32
    %dma_wait3A_502 = arith.constant 0 : i32
    %dma_wait3A_503 = tpu.memref_slice %arg5[%dma_wait3A_496, %dma_wait3A_501, %dma_wait3A_502] : memref<4096x200x64xf32, #tpu.memory_space<hbm>> -> memref<1x200x64xf32, #tpu.memory_space<hbm>>
    %dma_wait3A_504 = tpu.memref_squeeze %dma_wait3A_503 : memref<1x200x64xf32, #tpu.memory_space<hbm>> -> memref<200x64xf32, #tpu.memory_space<hbm>>
    tpu.wait_dma2 semaphore(%arg16 : memref<!tpu.dma_semaphore, #tpu.memory_space<semaphore_mem>>) src(%arg8 : memref<200x64xf32, #tpu.memory_space<vmem>>) dst(%dma_wait3A_504 : memref<200x64xf32, #tpu.memory_space<hbm>>)
    %dma_wait3A_505 = arith.constant 0 : i32
    %dma_wait3A_506 = arith.constant 0 : i32
    %dma_wait3A_507 = arith.constant 0 : i32
    %dma_wait3A_508 = tpu.memref_slice %arg5[%dma_wait3A_505, %dma_wait3A_506, %dma_wait3A_507] : memref<4096x200x64xf32, #tpu.memory_space<hbm>> -> memref<1x200x64xf32, #tpu.memory_space<hbm>>
    %dma_wait3A_509 = tpu.memref_squeeze %dma_wait3A_508 : memref<1x200x64xf32, #tpu.memory_space<hbm>> -> memref<200x64xf32, #tpu.memory_space<hbm>>
    %dma_wait3A_510 = arith.constant 0 : i32
    %dma_wait3A_511 = arith.constant 0 : i32
    %dma_wait3A_512 = tpu.memref_slice %arg5[%dma_wait3A_505, %dma_wait3A_510, %dma_wait3A_511] : memref<4096x200x64xf32, #tpu.memory_space<hbm>> -> memref<1x200x64xf32, #tpu.memory_space<hbm>>
    %dma_wait3A_513 = tpu.memref_squeeze %dma_wait3A_512 : memref<1x200x64xf32, #tpu.memory_space<hbm>> -> memref<200x64xf32, #tpu.memory_space<hbm>>
    tpu.wait_dma2 semaphore(%arg17 : memref<!tpu.dma_semaphore, #tpu.memory_space<semaphore_mem>>) src(%arg9 : memref<200x64xf32, #tpu.memory_space<vmem>>) dst(%dma_wait3A_513 : memref<200x64xf32, #tpu.memory_space<hbm>>)
    %dma_wait3A_514 = arith.constant 0 : i32
    %dma_wait3A_515 = arith.constant 0 : i32
    %dma_wait3A_516 = arith.constant 0 : i32
    %dma_wait3A_517 = tpu.memref_slice %arg5[%dma_wait3A_514, %dma_wait3A_515, %dma_wait3A_516] : memref<4096x200x64xf32, #tpu.memory_space<hbm>> -> memref<1x200x64xf32, #tpu.memory_space<hbm>>
    %dma_wait3A_518 = tpu.memref_squeeze %dma_wait3A_517 : memref<1x200x64xf32, #tpu.memory_space<hbm>> -> memref<200x64xf32, #tpu.memory_space<hbm>>
    %dma_wait3A_519 = arith.constant 0 : i32
    %dma_wait3A_520 = arith.constant 0 : i32
    %dma_wait3A_521 = tpu.memref_slice %arg5[%dma_wait3A_514, %dma_wait3A_519, %dma_wait3A_520] : memref<4096x200x64xf32, #tpu.memory_space<hbm>> -> memref<1x200x64xf32, #tpu.memory_space<hbm>>
    %dma_wait3A_522 = tpu.memref_squeeze %dma_wait3A_521 : memref<1x200x64xf32, #tpu.memory_space<hbm>> -> memref<200x64xf32, #tpu.memory_space<hbm>>
    tpu.wait_dma2 semaphore(%arg18 : memref<!tpu.dma_semaphore, #tpu.memory_space<semaphore_mem>>) src(%arg10 : memref<200x64xf32, #tpu.memory_space<vmem>>) dst(%dma_wait3A_522 : memref<200x64xf32, #tpu.memory_space<hbm>>)
    %dma_wait3A_523 = arith.constant 0 : i32
    %dma_wait3A_524 = arith.constant 0 : i32
    %dma_wait3A_525 = arith.constant 0 : i32
    %dma_wait3A_526 = tpu.memref_slice %arg5[%dma_wait3A_523, %dma_wait3A_524, %dma_wait3A_525] : memref<4096x200x64xf32, #tpu.memory_space<hbm>> -> memref<1x200x64xf32, #tpu.memory_space<hbm>>
    %dma_wait3A_527 = tpu.memref_squeeze %dma_wait3A_526 : memref<1x200x64xf32, #tpu.memory_space<hbm>> -> memref<200x64xf32, #tpu.memory_space<hbm>>
    %dma_wait3A_528 = arith.constant 0 : i32
    %dma_wait3A_529 = arith.constant 0 : i32
    %dma_wait3A_530 = tpu.memref_slice %arg5[%dma_wait3A_523, %dma_wait3A_528, %dma_wait3A_529] : memref<4096x200x64xf32, #tpu.memory_space<hbm>> -> memref<1x200x64xf32, #tpu.memory_space<hbm>>
    %dma_wait3A_531 = tpu.memref_squeeze %dma_wait3A_530 : memref<1x200x64xf32, #tpu.memory_space<hbm>> -> memref<200x64xf32, #tpu.memory_space<hbm>>
    tpu.wait_dma2 semaphore(%arg19 : memref<!tpu.dma_semaphore, #tpu.memory_space<semaphore_mem>>) src(%arg11 : memref<200x64xf32, #tpu.memory_space<vmem>>) dst(%dma_wait3A_531 : memref<200x64xf32, #tpu.memory_space<hbm>>)
    return
  }
}

</mosaic_0001>

<sc_bundles>
// kernel: kernel.3.cloned.1.call-start
scs
__scs_entry_jumppad:
0x0: {  	(pc) =	sbr.rel $0x88, $3  }
0x1: {  	(tag) =	ssettag $0x0;
	lr =	simm.s32 $0x1  }
0x2: {  	[smem:$0x3F9E] =	sst lr;
	_ =	strace $0xD0000000  }
0x3: {  	_ = 	snop  }
0x4: {  	_ = 	snop  }
0x5: {  	_ = 	snop  }
0x6: {  	_ = 	snop  }
0x7: {  	_ = 	snop  }
__scs_overlays_trampoline_lowered:
0x8: {  	[smem:$0x3FAD] =	sst s0  }
0x9: {  	[smem:$0x3FAE] =	sst s1  }
0xa: {  	[smem:$0x3FAF] =	sst s2  }
0xb: {  	[smem:$0x3FB0] =	sst s3  }
0xc: {  	[smem:$0x3FB1] =	sst s4  }
0xd: {  	[smem:$0x3FB2] =	sst s5  }
0xe: {  	[smem:$0x3FB3] =	sst s6  }
0xf: {  	[smem:$0x3FB4] =	sst s7  }
0x10: {  	[smem:$0x3FB5] =	sst s8  }
0x11: {  	[smem:$0x3FB6] =	sst s9;
	s0 =	simm.s32 @!p0 $0x0  }
0x12: {  	s1 =	sld [smem:$0x3F9C];
	s0 =	simm.s32 @p0 $0x1  }
0x13: {  	[smem:$0x3FB7] =	sst s0;
	s0 =	simm.s32 @!p1 $0x0  }
0x14: {  	s2 =	sld [smem:$0x3F9B];
	s0 =	simm.s32 @p1 $0x1  }
0x15: {  	[smem:$0x3FB8] =	sst s0;
	s0 =	simm.s32 @!p2 $0x0  }
0x16: {  	s3 =	sld [smem:$0x3FDB];
	s0 =	simm.s32 @p2 $0x1  }
0x17: {  	s4 =	simm.s32 $0x1BF5;
	[smem:$0x3FBA] =	sst s0  }
0x18: {  	s0 =	sld [smem:$0x3F9D];
	_ =	swait.ge [sflag:s4], $0x0  }
0x19: {  	s7 =	sld [smem:$0x3F9E]  }
0x1a: {  	s8 =	sadd.s32 $0xFFFFE003, lr  }
0x1b: {  	s9 =	sadd.s32 $0xFFFFFEF7, lr;
	s5 =	simm.s32 $0xFFFFFFFF;
	p2 =	slt.u32 s8, $0xFFFFF086  }
0x1c: {  	p1 =	slt.u32 s9, $0xF7A;
	s5 =	simm.s32 @!p2 $0x0  }
0x1d: {  	s5 =	simm.s32 @p1 $0x1;
	p0 =	seq.s32 s7, s2  }
0x1e: {  	s7 =	smul.u32 @!p0 $0xF7A, s2;
	p2 =	seq.s32 @!p0 s5, $0x0  }
0x1f: {  	s9 =	smul.u32 $0xF7A, s1;
	s8 =	simm.s32 @!p0 $0x1BF5;
	p2 =	por !p2, p0  }
0x20: {  	[sflag:s8] =	ssyncset.s32 @!p0 $0xFFFFF086;
	s6 =	sadd.s32 @!p0 s3, s7;
	s7 =	simm.s32 @!p0 $0x108  }
0x21: {  	s3 =	sadd.s32 s3, s9;
	s6 =	sadd.s32 @!p0 $0x88, s6;
	s7 =	simm.s32 @p2 $0x1082  }
0x22: {  	[simem:s7], [sflag:s8] =	dma.local @!p0 [hbm:s6], $0xF7A  }
0x23: {  	s9 =	sor.u32 $0xD0000000, s2;
	s6 =	simm.s32 $0x108;
	_ =	swait.ge @!p0 [sflag:s8], $0x0  }
0x24: {  	s3 =	sadd.s32 $0x88, s3;
	s6 =	simm.s32 @!p1 $0x1082;
	[sflag:s4] =	ssyncset.s32 $0xFFFFF086  }
0x25: {  	[simem:s6], [sflag:s4] =	dma.local [hbm:s3], $0xF7A  }
0x26: {  	[smem:$0x3F9E] =	sst s1;
	(tag) =	ssettag s2;
	_ =	strace s9  }
0x27: {  	s1 =	sld [smem:$0x3FAE]  }
0x28: {  	s2 =	sld [smem:$0x3FAF]  }
0x29: {  	s4 =	sld [smem:$0x3FB1]  }
0x2a: {  	p0 =	seq.s32 s5, $0x0;
	s5 =	sld [smem:$0x3FB2]  }
0x2b: {  	s6 =	sld [smem:$0x3FB3]  }
0x2c: {  	s7 =	sld [smem:$0x3FB4]  }
0x2d: {  	s3 =	simm.s32 $0x108;
	s8 =	sld [smem:$0x3FB5]  }
0x2e: {  	s3 =	simm.s32 @!p0 $0x1082;
	s9 =	sld [smem:$0x3FB6]  }
0x2f: {  	lr =	sadd.s32 s0, s3;
	s0 =	sld [smem:$0x3FAD]  }
0x30: {  	s3 =	sld [smem:$0x3FB0]  }
0x31: {  	[smem:$0x3FB9] =	sst s10  }
0x32: {  	s10 =	sld [smem:$0x3FB7];
	_ =	sdelay $0x3  }
0x33: {  	p0 =	seq.s32 s10, $0x1;
	s10 =	sld [smem:$0x3FB9];
	_ =	sdelay $0x3  }
0x34: {  	[smem:$0x3FB9] =	sst s10  }
0x35: {  	s10 =	sld [smem:$0x3FB8];
	_ =	sdelay $0x3  }
0x36: {  	p1 =	seq.s32 s10, $0x1;
	s10 =	sld [smem:$0x3FB9];
	_ =	sdelay $0x3  }
0x37: {  	[smem:$0x3FB9] =	sst s10  }
0x38: {  	s10 =	sld [smem:$0x3FBA]  }
0x39: {  	_ = 	snop;
	(pc) =	sbr.ind lr, $3  }
0x3a: {  	_ = 	snop  }
0x3b: {  	_ = 	snop  }
0x3c: {  	p2 =	seq.s32 s10, $0x1;
	s10 =	sld [smem:$0x3FB9]  }
0x3d: {  	_ =	shalt  }
0x3e: {  	_ =	shalt  }
0x3f: {  	_ =	shalt  }
0x40: {  	_ =	shalt  }
0x41: {  	_ =	shalt  }
0x42: {  	_ =	shalt  }
0x43: {  	_ =	shalt  }
0x44: {  	_ =	shalt  }
0x45: {  	_ =	shalt  }
0x46: {  	_ =	shalt  }
0x47: {  	_ =	shalt  }
0x48: {  	_ =	shalt  }
0x49: {  	_ =	shalt  }
0x4a: {  	_ =	shalt  }
0x4b: {  	_ =	shalt  }
0x4c: {  	_ =	shalt  }
0x4d: {  	_ =	shalt  }
0x4e: {  	_ =	shalt  }
0x4f: {  	_ =	shalt  }
0x50: {  	_ =	shalt  }
0x51: {  	_ =	shalt  }
0x52: {  	_ =	shalt  }
0x53: {  	_ =	shalt  }
0x54: {  	_ =	shalt  }
0x55: {  	_ =	shalt  }
0x56: {  	_ =	shalt  }
0x57: {  	_ =	shalt  }
0x58: {  	_ =	shalt  }
0x59: {  	_ =	shalt  }
0x5a: {  	_ =	shalt  }
0x5b: {  	_ =	shalt  }
0x5c: {  	_ =	shalt  }
0x5d: {  	_ =	shalt  }
0x5e: {  	_ =	shalt  }
0x5f: {  	_ =	shalt  }
0x60: {  	_ =	shalt  }
0x61: {  	_ =	shalt  }
0x62: {  	_ =	shalt  }
0x63: {  	_ =	shalt  }
0x64: {  	_ =	shalt  }
0x65: {  	_ =	shalt  }
0x66: {  	_ =	shalt  }
0x67: {  	_ =	shalt  }
0x68: {  	_ =	shalt  }
0x69: {  	_ =	shalt  }
0x6a: {  	_ =	shalt  }
0x6b: {  	_ =	shalt  }
0x6c: {  	_ =	shalt  }
0x6d: {  	_ =	shalt  }
0x6e: {  	_ =	shalt  }
0x6f: {  	_ =	shalt  }
0x70: {  	_ =	shalt  }
0x71: {  	_ =	shalt  }
0x72: {  	_ =	shalt  }
0x73: {  	_ =	shalt  }
0x74: {  	_ =	shalt  }
0x75: {  	_ =	shalt  }
0x76: {  	_ =	shalt  }
0x77: {  	_ =	shalt  }
0x78: {  	_ =	shalt  }
0x79: {  	_ =	shalt  }
0x7a: {  	_ =	shalt  }
0x7b: {  	_ =	shalt  }
0x7c: {  	_ =	shalt  }
0x7d: {  	_ =	shalt  }
0x7e: {  	_ =	shalt  }
0x7f: {  	_ =	shalt  }
0x80: {  	_ =	shalt  }
0x81: {  	_ =	shalt  }
0x82: {  	_ =	shalt  }
0x83: {  	_ =	shalt  }
0x84: {  	_ =	shalt  }
0x85: {  	_ =	shalt  }
0x86: {  	_ =	shalt  }
0x87: {  	_ =	shalt  }
.Lfunc_end0:
.L_simem_size_0:
called_computation.1_lowered:
.L_overlay_start_0:
0x88: {  	s2 =	sld [smem:$0x3FD9]  }
0x89: {  	s3 =	sld [smem:$0x3FFE];
	_ =	sdelay $0x1  }
0x8a: {  	s1 =	srdreg.scid  }
0x8b: {  	s0 =	sand.u32 $0x1, s1  }
0x8c: {  	s17 =	sshll.u32 s0, $0xA;
	s2 =	sadd.s32 s3, s2  }
0x8d: {  	s2 =	sadd.s32 s2, s17  }
0x8e: {  	[smem:$0x3FC5] =	sst s2  }
0x8f: {  	_ = 	snop  }
0x90: {  	s2 =	sld [smem:$0x3FD0];
	(tm) =	ssettm $0x1  }
0x91: {  	s18 =	sld [smem:$0x3FFB];
	_ =	sdelay $0x3  }
0x92: {  	_ =	strace s18  }
0x93: {  	s3 =	sld [smem:$0x3FFC];
	_ =	sdelay $0x3  }
0x94: {  	_ =	strace s3  }
0x95: {  	s3 =	sld [smem:$0x3FFD];
	_ =	sdelay $0x3  }
0x96: {  	_ =	strace s3  }
0x97: {  	_ =	strace $0x8FFFFFFF  }
0x98: {  	s19 =	sld [smem:$0x3FDB];
	_ =	sdelay $0x1  }
0x99: {  	s4 =	simm.s32 $_scs_section_size  }
0x9a: {  	s5 =	simm.s32 $_size__tile_overlayer_lowered;
	s6 =	simm.s32 $_tile_overlayer_lowered  }
0x9b: {  	s22 =	simm.s32 $0x1BFF;
	s21 =	sshll.u32 s6, $0x1;
	s3 =	sadd.s32 s4, s19  }
0x9c: {  	s7 =	simm.s32 $0x0;
	s20 =	sshll.u32 s5, $0x1;
	s5 =	sadd.s32 s21, s3  }
0x9d: {  	[timem:s7], [sflag:s22] =	dma.local [hbm:s5], s20  }
0x9e: {  	_ =	swait.ge [sflag:s22], s20  }
0x9f: {  	s4 =	ssub.s32 $0x0, s20;
	[sflag:s22] =	ssyncset.done $0x0  }
0xa0: {  	[sflag:s22] =	ssyncadd.s32 s4;
	_ =	sdelay $0x1  }
0xa1: {  	s23 =	simm.s32 $0x1B8B  }
0xa2: {  	_ =	swait.ge [sflag:s23], $0x1  }
0xa3: {  	[sflag:s23] =	ssyncset.done $0x0  }
0xa4: {  	s25 =	simm.s32 $0x1B8E;
	s24 =	sld [smem:$0x3FFE];
	[sflag:s23] =	ssyncadd.s32 $0xFFFFFFFF  }
0xa5: {  	s26 =	simm.s32 $execute0_lowered;
	[smem:$0x3FD2] =	sst s25  }
0xa6: {  	s5 =	sshll.u32 s26, $0x1;
	_ =	strace $0x80000046;
	[dreg:$0x1] =	wrdreg $0xFFFFFFFF  }
0xa7: {  	s28 =	simm.s32 $_size_execute0_lowered;
	s3 =	sadd.s32 s3, s5;
	[dreg:$0x0] =	wrdreg $0x0  }
0xa8: {  	s5 =	sshll.u32 s28, $0x1;
	[dreg:$0x2] =	wrdreg s3  }
0xa9: {  	[dreg:$0x3] =	wrdreg s5  }
0xaa: {  	[dreg:$0x4] =	wrdreg $0xC0  }
0xab: {  	_ =	task [dreg:s7], $0x5FFFF  }
0xac: {  	[dreg:$0x1] =	wrdreg $0xFFFFFFFF  }
0xad: {  	[dreg:$0x0] =	wrdreg $0x60  }
0xae: {  	[dreg:$0x2] =	wrdreg s24  }
0xaf: {  	[dreg:$0x3] =	wrdreg s2  }
0xb0: {  	[dreg:$0x4] =	wrdreg $0x9  }
0xb1: {  	_ =	task.clear_ibuf [dreg:s7], $0x5FFFF;
	_ =	strace $0x90000046  }
0xb2: {  	s29 =	simm.s32 $0x9;
	_ =	strace $0x80000048  }
0xb3: {  	_ =	swait.ge [sflag:s29], $0x1  }
0xb4: {  	[sflag:s29] =	ssyncadd.s32 $0xFFFFFFFF  }
0xb5: {  	_ =	strace $0x90000048  }
0xb6: {  	_ =	sfence  }
0xb7: {  	s30 =	sld [smem:$0x0];
	_ =	sdelay $0x2  }
0xb8: {  	s31 =	sshll.u32 s1, $0xD;
	s1 =	sshrl.u32 s1, $0x2  }
0xb9: {  	s3 =	sand.u32 $0x4000, s31;
	s1 =	sadd.s32 s1, s30  }
0xba: {  	s0 =	sor.u32 s3, s0;
	s1 =	sshll.u32 s1, $0x11  }
0xbb: {  	s0 =	sor.u32 s1, s0  }
0xbc: {  	s0 =	sadd.s32 $0x8F2B, s0  }
0xbd: {  	[sflag:s0] =	ssyncadd.remote.s32 $0x1  }
0xbe: {  	_ =	sfence.sel $0xFFFF  }
0xbf: {  	[dreg:$0x0] =	wrdreg $0xFFFFFFFF;
	(pc) =	sbr.abs _section_cstart, $3  }
0xc0: {  	[dreg:$0x1] =	wrdreg $0xFFFFFFFF  }
0xc1: {  	_ =	task.clear_ibuf [dreg:s7], $0x2FFFF;
	_ =	strace $0x9FFFFFFF  }
0xc2: {  	(tm) =	ssettm $0x7FFFFFFF  }
0xc3: {  	_ =	shalt  }
tec
execute0_lowered:
.L_overlay_start_1:
0x0: {  	(tag) =	ssettag $0x1  }
0x1: {  	s0 =	srdreg.scid;
	s1 =	rddreg [dreg:$0x0]  }
0x2: {  	s3 =	stileid.u32;
	s2 =	rddreg [dreg:$0x1]  }
0x3: {  	s14 =	simm.s32 $0x3200;
	s18 =	simm.s32 $0x9;
	s19 =	simm.s32 $0x68  }
0x4: {  	s28 =	simm.s32 $0xE200;
	s30 =	simm.s32 $0xFA00;
	s29 =	simm.s32 $0x14600  }
0x5: {  	s31 =	simm.s32 $0x2;
	s17 =	simm.s32 $0x6;
	s0 =	sand.u32 $0x1, s0  }
0x6: {  	s10 =	simm.s32 $0x0;
	s4 =	sshll.u32 s3, $0x8;
	s5 =	sshll.u32 s0, $0x7  }
0x7: {  	s3 =	simm.s32 $0x0;
	s0 =	ssub.s32 $0x2, s0;
	s4 =	sor.u32 s5, s4  }
0x8: {  	[smem:$0x7FF] =	sst s3;
	s8 =	sshrl.u32 s0, $0x1;
	s6 =	smul.u32 $0x19, s4  }
0x9: {  	_ =	strace $0x80000047;
	s7 =	smul.u32 $0x640, s4;
	s0 =	ssub.s32 s0, s8  }
0xa: {  	s5 =	sadd.s32 $0xF43000, s1;
	s9 =	smul.u32 $0x3200, s4;
	s0 =	smax.u32 s0, $0x1  }
0xb: {  	s6 =	sadd.s32 s6, s1;
	s1 =	sadd.s32 $0x19C00, s1;
	[dreg:$0xd] =	wrdreg s0  }
0xc: {  	s21 =	sadd.s32 s2, s7;
	s22 =	sshrl.u32 s9, $0x3;
	[dreg:$0x3] =	wrdreg s1  }
0xd: {  	s0 =	simm.s32 $0x1;
	s20 =	sadd.s32 $0xC00, s6;
	[dreg:$0x5] =	wrdreg s21  }
0xe: {  	s9 =	simm.s32 $0x8;
	s7 =	sadd.s32 $0x640, s21;
	[dreg:$0x4] =	wrdreg s20  }
0xf: {  	s23 =	sadd.s32 $0xC80, s21;
	s1 =	sadd.s32 s2, s22;
	[dreg:$0x6] =	wrdreg s7  }
0x10: {  	s6 =	sadd.s32 $0x12C0, s21;
	s21 =	simm.s32 $0x60;
	[dreg:$0x7] =	wrdreg s23  }
0x11: {  	s22 =	simm.s32 $0x5;
	[dreg:$0x8] =	wrdreg s6;
	s24 =	sadd.s32 $0x30700, s1  }
0x12: {  	s25 =	sadd.s32 $0x30D40, s1;
	s26 =	sadd.s32 $0x31380, s1;
	[dreg:$0x9] =	wrdreg s24  }
0x13: {  	s1 =	sadd.s32 $0x319C0, s1;
	s20 =	simm.s32 $0x9600;
	[dreg:$0xa] =	wrdreg s25  }
0x14: {  	s23 =	simm.s32 $0xB000;
	s6 =	simm.s32 $0x4;
	[dreg:$0xb] =	wrdreg s26  }
0x15: {  	s7 =	simm.s32 $0x7;
	[dreg:$0xc] =	wrdreg s1;
	s25 =	simm.s32 $0xC800  }
0x16: {  	s1 =	simm.s32 $0x11400;
	s24 =	simm.s32 $0x12C00;
	s26 =	simm.s32 $0x3  }
.LBB2_1:
0x17: {  	s8 =	rddreg [dreg:$0x4]  }
0x18: {  	[tilespmem:s14], [sflag:$0x9] =	stream.linear.gather [hbm4b:s8+s3], $0x6400, $0x38;
	[tilespmem:$0x15E00] =	vst v63  }
0x19: {  	_ =	swait.ge [sflag:s18], $0x6400  }
0x1a: {  	[sflag:s18] =	ssyncset.done $0x0  }
0x1b: {  	s16 =	rddreg [dreg:$0x3];
	[sflag:s18] =	ssyncadd.s32 $0xFFFF9C00  }
0x1c: {  	[tilespmem:s3], [sflag:$0x9] =	stream.linear.gather [hbm4b:s16+s3], $0x3200, $0x38;
	[tilespmem:$0x15E00] =	vst v63  }
0x1d: {  	_ =	swait.ge [sflag:s18], $0x3200  }
0x1e: {  	[sflag:s18] =	ssyncset.done $0x0  }
0x1f: {  	s11 =	simm.s32 $0x0;
	[sflag:s18] =	ssyncadd.s32 $0xFFFFCE00  }
0x20: {  	v0 =	vld [tilespmem:s11+$0x0]  }
0x21: {  	v2 =	vld [tilespmem:s11+$0x10]  }
0x22: {  	s12 =	simm.s32 $0x100;
	v1 =	vld [tilespmem:s11+$0x20]  }
.LBB2_2:
0x23: {  	p0 =	sne.s32 s12, $0xC700;
	v3 =	vld [tilespmem:s11+$0x30];
	_ =	sdelay $0x1  }
0x24: {  	v0 =	vmul.f32 $8.000000000e+00, v0  }
.Ltmp0:
0x25: {  	v2 =	vmul.f32 $8.000000000e+00, v2;
	(pc) =	sbr.rel @p0 .LBB2_2-.Ltmp0, $4  }
0x26: {  	s13 =	sshra.s32 s12, $0x2;
	[tilespmem:s11+$0x0] =	vst v0;
	v1 =	vmul.f32 $8.000000000e+00, v1  }
0x27: {  	v0 =	vld [tilespmem:s13+$0x0];
	[tilespmem:s11+$0x10] =	vst v2;
	v3 =	vmul.f32 $8.000000000e+00, v3  }
0x28: {  	v2 =	vld [tilespmem:s13+$0x10];
	[tilespmem:s11+$0x20] =	vst v1  }
0x29: {  	s12 =	sadd.s32 $0x100, s12;
	v1 =	vld [tilespmem:s13+$0x20];
	[tilespmem:s11+$0x30] =	vst v3;
	s11 =	smov.u32 s13  }
0x2a: {  	v3 =	vld [tilespmem:s11+$0x30];
	_ =	sdelay $0x1  }
0x2b: {  	v0 =	vmul.f32 $8.000000000e+00, v0  }
0x2c: {  	v2 =	vmul.f32 $8.000000000e+00, v2  }
0x2d: {  	[tilespmem:s11+$0x0] =	vst v0;
	v0 =	vmul.f32 $8.000000000e+00, v1  }
0x2e: {  	[tilespmem:s11+$0x10] =	vst v2;
	v1 =	vmul.f32 $8.000000000e+00, v3  }
0x2f: {  	[tilespmem:s11+$0x20] =	vst v0  }
0x30: {  	[tilespmem:s11+$0x30] =	vst v1  }
0x31: {  	[tilespmem:s20], [sflag:$0x1] =	stream.indirect.gather [hbm4b:s5+s19], $0x40, s14, s19, $0xb8;
	[tilespmem:$0x15E00] =	vst v63  }
0x32: {  	s8 =	simm.s32 $0x3268  }
0x33: {  	[tilespmem:s23], [sflag:$0x1] =	stream.indirect.gather [hbm4b:s5+s21], $0x40, s8, s21, $0xb8;
	[tilespmem:$0x15E00] =	vst v63  }
0x34: {  	s13 =	simm.s32 $0x32C8  }
0x35: {  	[tilespmem:s25], [sflag:$0x2] =	stream.indirect.gather [hbm4b:s5+s19], $0x40, s13, s19, $0xb8;
	[tilespmem:$0x15E00] =	vst v63  }
0x36: {  	s14 =	simm.s32 $0x3330  }
0x37: {  	[tilespmem:s28], [sflag:$0x2] =	stream.indirect.gather [hbm4b:s5+s21], $0x40, s14, s21, $0xb8;
	[tilespmem:$0x15E00] =	vst v63  }
0x38: {  	s15 =	simm.s32 $0x3390  }
0x39: {  	[tilespmem:s30], [sflag:$0x3] =	stream.indirect.gather [hbm4b:s5+s19], $0x40, s15, s19, $0xb8;
	[tilespmem:$0x15E00] =	vst v63  }
0x3a: {  	s16 =	simm.s32 $0x33F8  }
0x3b: {  	[tilespmem:s1], [sflag:$0x3] =	stream.indirect.gather [hbm4b:s5+s21], $0x40, s16, s21, $0xb8;
	[tilespmem:$0x15E00] =	vst v63  }
0x3c: {  	_ =	swait.ge [sflag:s0], $0x1A00  }
0x3d: {  	[sflag:s0] =	ssyncset.done $0x0  }
0x3e: {  	[sflag:s0] =	ssyncadd.s32 $0xFFFFE600  }
0x3f: {  	_ =	swait.ge [sflag:s0], $0x1800  }
0x40: {  	[sflag:s0] =	ssyncset.done $0x0  }
0x41: {  	s11 =	simm.s32 $0x0;
	[sflag:s0] =	ssyncadd.s32 $0xFFFFE800  }
0x42: {  	v1 =	vld [tilespmem:s11+$0x0]  }
0x43: {  	v0 =	vld [tilespmem:s11+$0x10]  }
0x44: {  	v3 =	vld [tilespmem:s11+$0x9600]  }
0x45: {  	v4 =	vld [tilespmem:s11+$0x9610]  }
0x46: {  	s12 =	simm.s32 $0x100;
	v2 =	vld [tilespmem:s11+$0x9620]  }
.LBB2_4:
0x47: {  	p0 =	sne.s32 s12, $0xC700;
	v5 =	vld [tilespmem:s11+$0x9630]  }
0x48: {  	v6 =	vld [tilespmem:s11+$0x20]  }
0x49: {  	v3 =	vmul.f32 $8.000000000e+00, v3;
	v7 =	vld [tilespmem:s11+$0x30]  }
0x4a: {  	v4 =	vmul.f32 $8.000000000e+00, v4  }
0x4b: {  	s13 =	sshra.s32 s12, $0x2;
	v3 =	vadd.f32 v1, v3;
	v2 =	vmul.f32 $8.000000000e+00, v2  }
.Ltmp1:
0x4c: {  	v1 =	vld [tilespmem:s13+$0x0];
	v4 =	vadd.f32 v0, v4;
	v5 =	vmul.f32 $8.000000000e+00, v5;
	(pc) =	sbr.rel @p0 .LBB2_4-.Ltmp1, $4  }
0x4d: {  	v0 =	vld [tilespmem:s13+$0x10];
	[tilespmem:s11+$0x9600] =	vst v3;
	v2 =	vadd.f32 v6, v2  }
0x4e: {  	v3 =	vld [tilespmem:s13+$0x9600];
	[tilespmem:s11+$0x9610] =	vst v4;
	v5 =	vadd.f32 v7, v5  }
0x4f: {  	v4 =	vld [tilespmem:s13+$0x9610];
	[tilespmem:s11+$0x9620] =	vst v2  }
0x50: {  	s12 =	sadd.s32 $0x100, s12;
	v2 =	vld [tilespmem:s13+$0x9620];
	[tilespmem:s11+$0x9630] =	vst v5;
	s11 =	smov.u32 s13  }
0x51: {  	v5 =	vld [tilespmem:s11+$0x9630]  }
0x52: {  	v6 =	vld [tilespmem:s11+$0x20]  }
0x53: {  	v7 =	vld [tilespmem:s11+$0x30];
	v3 =	vmul.f32 $8.000000000e+00, v3  }
0x54: {  	v4 =	vmul.f32 $8.000000000e+00, v4  }
0x55: {  	v1 =	vadd.f32 v1, v3;
	v2 =	vmul.f32 $8.000000000e+00, v2  }
0x56: {  	v0 =	vadd.f32 v0, v4;
	v3 =	vmul.f32 $8.000000000e+00, v5  }
0x57: {  	[tilespmem:s11+$0x9600] =	vst v1;
	v1 =	vadd.f32 v6, v2  }
0x58: {  	[tilespmem:s11+$0x9610] =	vst v0;
	v0 =	vadd.f32 v7, v3  }
0x59: {  	[tilespmem:s11+$0x9620] =	vst v1  }
0x5a: {  	s14 =	simm.s32 $0x0;
	s8 =	rddreg [dreg:$0x5];
	[tilespmem:s11+$0x9630] =	vst v0  }
0x5b: {  	[hbm4b:s8+s14] =	stream.linear.scatter [tilespmem:s20], [sflag:$0x5], $0x3200, $0x38;
	[tilespmem:$0x15E00] =	vst v63  }
0x5c: {  	s15 =	simm.s32 $0x3458  }
0x5d: {  	[tilespmem:s24], [sflag:$0x4] =	stream.indirect.gather [hbm4b:s5+s19], $0x40, s15, s19, $0xb8;
	[tilespmem:$0x15E00] =	vst v63  }
0x5e: {  	s16 =	simm.s32 $0x34C0  }
0x5f: {  	[tilespmem:s29], [sflag:$0x4] =	stream.indirect.gather [hbm4b:s5+s21], $0x40, s16, s21, $0xb8;
	[tilespmem:$0x15E00] =	vst v63  }
0x60: {  	_ =	swait.ge [sflag:s31], $0x1A00  }
0x61: {  	[sflag:s31] =	ssyncset.done $0x0  }
0x62: {  	[sflag:s31] =	ssyncadd.s32 $0xFFFFE600  }
0x63: {  	_ =	swait.ge [sflag:s31], $0x1800  }
0x64: {  	[sflag:s31] =	ssyncset.done $0x0  }
0x65: {  	s11 =	simm.s32 $0x0;
	[sflag:s31] =	ssyncadd.s32 $0xFFFFE800  }
0x66: {  	v1 =	vld [tilespmem:s11+$0x0]  }
0x67: {  	v0 =	vld [tilespmem:s11+$0x10]  }
0x68: {  	v3 =	vld [tilespmem:s11+$0xC800]  }
0x69: {  	v4 =	vld [tilespmem:s11+$0xC810]  }
0x6a: {  	s12 =	simm.s32 $0x100;
	v2 =	vld [tilespmem:s11+$0xC820]  }
.LBB2_6:
0x6b: {  	p0 =	sne.s32 s12, $0xC700;
	v5 =	vld [tilespmem:s11+$0xC830]  }
0x6c: {  	v6 =	vld [tilespmem:s11+$0x20]  }
0x6d: {  	v3 =	vmul.f32 $8.000000000e+00, v3;
	v7 =	vld [tilespmem:s11+$0x30]  }
0x6e: {  	v4 =	vmul.f32 $8.000000000e+00, v4  }
0x6f: {  	s13 =	sshra.s32 s12, $0x2;
	v3 =	vadd.f32 v1, v3;
	v2 =	vmul.f32 $8.000000000e+00, v2  }
.Ltmp2:
0x70: {  	v1 =	vld [tilespmem:s13+$0x0];
	v4 =	vadd.f32 v0, v4;
	v5 =	vmul.f32 $8.000000000e+00, v5;
	(pc) =	sbr.rel @p0 .LBB2_6-.Ltmp2, $4  }
0x71: {  	v0 =	vld [tilespmem:s13+$0x10];
	[tilespmem:s11+$0xC800] =	vst v3;
	v2 =	vadd.f32 v6, v2  }
0x72: {  	v3 =	vld [tilespmem:s13+$0xC800];
	[tilespmem:s11+$0xC810] =	vst v4;
	v5 =	vadd.f32 v7, v5  }
0x73: {  	v4 =	vld [tilespmem:s13+$0xC810];
	[tilespmem:s11+$0xC820] =	vst v2  }
0x74: {  	s12 =	sadd.s32 $0x100, s12;
	v2 =	vld [tilespmem:s13+$0xC820];
	[tilespmem:s11+$0xC830] =	vst v5;
	s11 =	smov.u32 s13  }
0x75: {  	v5 =	vld [tilespmem:s11+$0xC830]  }
0x76: {  	v6 =	vld [tilespmem:s11+$0x20]  }
0x77: {  	v7 =	vld [tilespmem:s11+$0x30];
	v3 =	vmul.f32 $8.000000000e+00, v3  }
0x78: {  	v4 =	vmul.f32 $8.000000000e+00, v4  }
0x79: {  	v1 =	vadd.f32 v1, v3;
	v2 =	vmul.f32 $8.000000000e+00, v2  }
0x7a: {  	v0 =	vadd.f32 v0, v4;
	v3 =	vmul.f32 $8.000000000e+00, v5  }
0x7b: {  	[tilespmem:s11+$0xC800] =	vst v1;
	v1 =	vadd.f32 v6, v2  }
0x7c: {  	[tilespmem:s11+$0xC810] =	vst v0;
	v0 =	vadd.f32 v7, v3  }
0x7d: {  	[tilespmem:s11+$0xC820] =	vst v1  }
0x7e: {  	s14 =	simm.s32 $0x0;
	s8 =	rddreg [dreg:$0x6];
	[tilespmem:s11+$0xC830] =	vst v0  }
0x7f: {  	[hbm4b:s8+s14] =	stream.linear.scatter [tilespmem:s25], [sflag:$0x6], $0x3200, $0x38;
	[tilespmem:$0x15E00] =	vst v63  }
0x80: {  	_ =	swait.ge [sflag:s22], $0x3200  }
0x81: {  	[sflag:s22] =	ssyncset.done $0x0  }
0x82: {  	s15 =	simm.s32 $0x3520;
	[sflag:s22] =	ssyncadd.s32 $0xFFFFCE00  }
0x83: {  	[tilespmem:s20], [sflag:$0x1] =	stream.indirect.gather [hbm4b:s5+s19], $0x40, s15, s19, $0xb8;
	[tilespmem:$0x15E00] =	vst v63  }
0x84: {  	s16 =	simm.s32 $0x3588  }
0x85: {  	[tilespmem:s23], [sflag:$0x1] =	stream.indirect.gather [hbm4b:s5+s21], $0x40, s16, s21, $0xb8;
	[tilespmem:$0x15E00] =	vst v63  }
0x86: {  	_ =	swait.ge [sflag:s26], $0x1A00  }
0x87: {  	[sflag:s26] =	ssyncset.done $0x0  }
0x88: {  	[sflag:s26] =	ssyncadd.s32 $0xFFFFE600  }
0x89: {  	_ =	swait.ge [sflag:s26], $0x1800  }
0x8a: {  	[sflag:s26] =	ssyncset.done $0x0  }
0x8b: {  	s11 =	simm.s32 $0x0;
	[sflag:s26] =	ssyncadd.s32 $0xFFFFE800  }
0x8c: {  	v1 =	vld [tilespmem:s11+$0x0]  }
0x8d: {  	v0 =	vld [tilespmem:s11+$0x10]  }
0x8e: {  	v3 =	vld [tilespmem:s11+$0xFA00]  }
0x8f: {  	v4 =	vld [tilespmem:s11+$0xFA10]  }
0x90: {  	s12 =	simm.s32 $0x100;
	v2 =	vld [tilespmem:s11+$0xFA20]  }
.LBB2_8:
0x91: {  	p0 =	sne.s32 s12, $0xC700;
	v5 =	vld [tilespmem:s11+$0xFA30]  }
0x92: {  	v6 =	vld [tilespmem:s11+$0x20]  }
0x93: {  	v3 =	vmul.f32 $8.000000000e+00, v3;
	v7 =	vld [tilespmem:s11+$0x30]  }
0x94: {  	v4 =	vmul.f32 $8.000000000e+00, v4  }
0x95: {  	s13 =	sshra.s32 s12, $0x2;
	v3 =	vadd.f32 v1, v3;
	v2 =	vmul.f32 $8.000000000e+00, v2  }
.Ltmp3:
0x96: {  	v1 =	vld [tilespmem:s13+$0x0];
	v4 =	vadd.f32 v0, v4;
	v5 =	vmul.f32 $8.000000000e+00, v5;
	(pc) =	sbr.rel @p0 .LBB2_8-.Ltmp3, $4  }
0x97: {  	v0 =	vld [tilespmem:s13+$0x10];
	[tilespmem:s11+$0xFA00] =	vst v3;
	v2 =	vadd.f32 v6, v2  }
0x98: {  	v3 =	vld [tilespmem:s13+$0xFA00];
	[tilespmem:s11+$0xFA10] =	vst v4;
	v5 =	vadd.f32 v7, v5  }
0x99: {  	v4 =	vld [tilespmem:s13+$0xFA10];
	[tilespmem:s11+$0xFA20] =	vst v2  }
0x9a: {  	s12 =	sadd.s32 $0x100, s12;
	v2 =	vld [tilespmem:s13+$0xFA20];
	[tilespmem:s11+$0xFA30] =	vst v5;
	s11 =	smov.u32 s13  }
0x9b: {  	v5 =	vld [tilespmem:s11+$0xFA30]  }
0x9c: {  	v6 =	vld [tilespmem:s11+$0x20]  }
0x9d: {  	v7 =	vld [tilespmem:s11+$0x30];
	v3 =	vmul.f32 $8.000000000e+00, v3  }
0x9e: {  	v4 =	vmul.f32 $8.000000000e+00, v4  }
0x9f: {  	v1 =	vadd.f32 v1, v3;
	v2 =	vmul.f32 $8.000000000e+00, v2  }
0xa0: {  	v0 =	vadd.f32 v0, v4;
	v3 =	vmul.f32 $8.000000000e+00, v5  }
0xa1: {  	[tilespmem:s11+$0xFA00] =	vst v1;
	v1 =	vadd.f32 v6, v2  }
0xa2: {  	[tilespmem:s11+$0xFA10] =	vst v0;
	v0 =	vadd.f32 v7, v3  }
0xa3: {  	[tilespmem:s11+$0xFA20] =	vst v1  }
0xa4: {  	s14 =	simm.s32 $0x0;
	s8 =	rddreg [dreg:$0x7];
	[tilespmem:s11+$0xFA30] =	vst v0  }
0xa5: {  	[hbm4b:s8+s14] =	stream.linear.scatter [tilespmem:s30], [sflag:$0x7], $0x3200, $0x38;
	[tilespmem:$0x15E00] =	vst v63  }
0xa6: {  	_ =	swait.ge [sflag:s17], $0x3200  }
0xa7: {  	[sflag:s17] =	ssyncset.done $0x0  }
0xa8: {  	s15 =	simm.s32 $0x35E8;
	[sflag:s17] =	ssyncadd.s32 $0xFFFFCE00  }
0xa9: {  	[tilespmem:s25], [sflag:$0x2] =	stream.indirect.gather [hbm4b:s5+s19], $0x40, s15, s19, $0xb8;
	[tilespmem:$0x15E00] =	vst v63  }
0xaa: {  	s16 =	simm.s32 $0x3650  }
0xab: {  	[tilespmem:s28], [sflag:$0x2] =	stream.indirect.gather [hbm4b:s5+s21], $0x40, s16, s21, $0xb8;
	[tilespmem:$0x15E00] =	vst v63  }
0xac: {  	_ =	swait.ge [sflag:s6], $0x1A00  }
0xad: {  	[sflag:s6] =	ssyncset.done $0x0  }
0xae: {  	[sflag:s6] =	ssyncadd.s32 $0xFFFFE600  }
0xaf: {  	_ =	swait.ge [sflag:s6], $0x1800  }
0xb0: {  	[sflag:s6] =	ssyncset.done $0x0  }
0xb1: {  	s11 =	simm.s32 $0x0;
	[sflag:s6] =	ssyncadd.s32 $0xFFFFE800  }
0xb2: {  	v1 =	vld [tilespmem:s11+$0x0]  }
0xb3: {  	v0 =	vld [tilespmem:s11+$0x10]  }
0xb4: {  	v3 =	vld [tilespmem:s11+$0x12C00]  }
0xb5: {  	v4 =	vld [tilespmem:s11+$0x12C10]  }
0xb6: {  	s12 =	simm.s32 $0x100;
	v2 =	vld [tilespmem:s11+$0x12C20]  }
.LBB2_10:
0xb7: {  	p0 =	sne.s32 s12, $0xC700;
	v5 =	vld [tilespmem:s11+$0x12C30]  }
0xb8: {  	v6 =	vld [tilespmem:s11+$0x20]  }
0xb9: {  	v3 =	vmul.f32 $8.000000000e+00, v3;
	v7 =	vld [tilespmem:s11+$0x30]  }
0xba: {  	v4 =	vmul.f32 $8.000000000e+00, v4  }
0xbb: {  	s13 =	sshra.s32 s12, $0x2;
	v3 =	vadd.f32 v1, v3;
	v2 =	vmul.f32 $8.000000000e+00, v2  }
.Ltmp4:
0xbc: {  	v1 =	vld [tilespmem:s13+$0x0];
	v4 =	vadd.f32 v0, v4;
	v5 =	vmul.f32 $8.000000000e+00, v5;
	(pc) =	sbr.rel @p0 .LBB2_10-.Ltmp4, $4  }
0xbd: {  	v0 =	vld [tilespmem:s13+$0x10];
	[tilespmem:s11+$0x12C00] =	vst v3;
	v2 =	vadd.f32 v6, v2  }
0xbe: {  	v3 =	vld [tilespmem:s13+$0x12C00];
	[tilespmem:s11+$0x12C10] =	vst v4;
	v5 =	vadd.f32 v7, v5  }
0xbf: {  	v4 =	vld [tilespmem:s13+$0x12C10];
	[tilespmem:s11+$0x12C20] =	vst v2  }
0xc0: {  	s12 =	sadd.s32 $0x100, s12;
	v2 =	vld [tilespmem:s13+$0x12C20];
	[tilespmem:s11+$0x12C30] =	vst v5;
	s11 =	smov.u32 s13  }
0xc1: {  	v5 =	vld [tilespmem:s11+$0x12C30]  }
0xc2: {  	v6 =	vld [tilespmem:s11+$0x20]  }
0xc3: {  	v7 =	vld [tilespmem:s11+$0x30];
	v3 =	vmul.f32 $8.000000000e+00, v3  }
0xc4: {  	v4 =	vmul.f32 $8.000000000e+00, v4  }
0xc5: {  	v1 =	vadd.f32 v1, v3;
	v2 =	vmul.f32 $8.000000000e+00, v2  }
0xc6: {  	v0 =	vadd.f32 v0, v4;
	v61 =	vmul.f32 $8.000000000e+00, v5  }
0xc7: {  	[tilespmem:s11+$0x12C00] =	vst v1;
	v62 =	vadd.f32 v6, v2  }
0xc8: {  	[tilespmem:s11+$0x12C10] =	vst v0;
	v63 =	vadd.f32 v7, v61  }
0xc9: {  	[tilespmem:s11+$0x12C20] =	vst v62  }
0xca: {  	s8 =	rddreg [dreg:$0x8];
	[tilespmem:s11+$0x12C30] =	vst v63;
	s11 =	simm.s32 $0x1  }
0xcb: {  	[hbm4b:s8+s3] =	stream.linear.scatter [tilespmem:s24], [sflag:$0x8], $0x3200, $0x38;
	[tilespmem:$0x15E00] =	vst v63  }
.LBB2_12:
0xcc: {  	s14 =	sshll.u32 s11, $0x2  }
0xcd: {  	s12 =	sor.u32 $0x2, s14  }
0xce: {  	s13 =	smul.u32 $0x320, s12  }
0xcf: {  	_ =	swait.ge [sflag:s7], $0x3200  }
0xd0: {  	[sflag:s7] =	ssyncset.done $0x0;
	s13 =	sshra.s32 s13, $0x2  }
0xd1: {  	[sflag:s7] =	ssyncadd.s32 $0xFFFFCE00;
	s15 =	sadd.s32 $0x3200, s13  }
0xd2: {  	[tilespmem:s30], [sflag:$0x3] =	stream.indirect.gather [hbm4b:s5+s19], $0x40, s15, s19, $0xb8;
	[tilespmem:$0x15E00] =	vst v63  }
0xd3: {  	s13 =	sadd.s32 $0x3268, s13  }
0xd4: {  	[tilespmem:s1], [sflag:$0x3] =	stream.indirect.gather [hbm4b:s5+s21], $0x40, s13, s21, $0xb8;
	[tilespmem:$0x15E00] =	vst v63  }
0xd5: {  	_ =	swait.ge [sflag:s0], $0x1A00  }
0xd6: {  	[sflag:s0] =	ssyncset.done $0x0  }
0xd7: {  	[sflag:s0] =	ssyncadd.s32 $0xFFFFE600  }
0xd8: {  	_ =	swait.ge [sflag:s0], $0x1800  }
0xd9: {  	[sflag:s0] =	ssyncset.done $0x0  }
0xda: {  	s13 =	simm.s32 $0x0;
	[sflag:s0] =	ssyncadd.s32 $0xFFFFE800  }
0xdb: {  	v1 =	vld [tilespmem:s13+$0x0]  }
0xdc: {  	v0 =	vld [tilespmem:s13+$0x10]  }
0xdd: {  	v3 =	vld [tilespmem:s13+$0x9600]  }
0xde: {  	v4 =	vld [tilespmem:s13+$0x9610]  }
0xdf: {  	s15 =	simm.s32 $0x100;
	v2 =	vld [tilespmem:s13+$0x9620]  }
.LBB2_13:
0xe0: {  	p0 =	sne.s32 s15, $0xC700;
	v5 =	vld [tilespmem:s13+$0x9630]  }
0xe1: {  	v6 =	vld [tilespmem:s13+$0x20]  }
0xe2: {  	v3 =	vmul.f32 $8.000000000e+00, v3;
	v7 =	vld [tilespmem:s13+$0x30]  }
0xe3: {  	v4 =	vmul.f32 $8.000000000e+00, v4  }
0xe4: {  	s16 =	sshra.s32 s15, $0x2;
	v3 =	vadd.f32 v1, v3;
	v2 =	vmul.f32 $8.000000000e+00, v2  }
.Ltmp5:
0xe5: {  	v1 =	vld [tilespmem:s16+$0x0];
	v4 =	vadd.f32 v0, v4;
	v5 =	vmul.f32 $8.000000000e+00, v5;
	(pc) =	sbr.rel @p0 .LBB2_13-.Ltmp5, $4  }
0xe6: {  	v0 =	vld [tilespmem:s16+$0x10];
	[tilespmem:s13+$0x9600] =	vst v3;
	v2 =	vadd.f32 v6, v2  }
0xe7: {  	v3 =	vld [tilespmem:s16+$0x9600];
	[tilespmem:s13+$0x9610] =	vst v4;
	v5 =	vadd.f32 v7, v5  }
0xe8: {  	v4 =	vld [tilespmem:s16+$0x9610];
	[tilespmem:s13+$0x9620] =	vst v2  }
0xe9: {  	s15 =	sadd.s32 $0x100, s15;
	v2 =	vld [tilespmem:s16+$0x9620];
	[tilespmem:s13+$0x9630] =	vst v5;
	s13 =	smov.u32 s16  }
0xea: {  	v5 =	vld [tilespmem:s13+$0x9630]  }
0xeb: {  	v6 =	vld [tilespmem:s13+$0x20]  }
0xec: {  	v7 =	vld [tilespmem:s13+$0x30];
	v3 =	vmul.f32 $8.000000000e+00, v3  }
0xed: {  	v4 =	vmul.f32 $8.000000000e+00, v4  }
0xee: {  	v1 =	vadd.f32 v1, v3;
	v2 =	vmul.f32 $8.000000000e+00, v2  }
0xef: {  	v0 =	vadd.f32 v0, v4;
	v3 =	vmul.f32 $8.000000000e+00, v5  }
0xf0: {  	s15 =	sadd.s32 s4, s14;
	[tilespmem:s13+$0x9600] =	vst v1;
	v1 =	vadd.f32 v6, v2  }
0xf1: {  	s15 =	smul.u32 $0x640, s15;
	[tilespmem:s13+$0x9610] =	vst v0;
	v0 =	vadd.f32 v7, v3  }
0xf2: {  	[tilespmem:s13+$0x9620] =	vst v1  }
0xf3: {  	s8 =	simm.s32 $0x0;
	s16 =	sadd.s32 s2, s15;
	[tilespmem:s13+$0x9630] =	vst v0;
	s13 =	sor.u32 $0x3, s14  }
0xf4: {  	[hbm4b:s16+s8] =	stream.linear.scatter [tilespmem:s20], [sflag:$0x5], $0x3200, $0x38;
	[tilespmem:$0x15E00] =	vst v63  }
0xf5: {  	s16 =	smul.u32 $0x320, s13  }
0xf6: {  	_ =	swait.ge [sflag:s9], $0x3200  }
0xf7: {  	[sflag:s9] =	ssyncset.done $0x0;
	s15 =	sshra.s32 s16, $0x2  }
0xf8: {  	[sflag:s9] =	ssyncadd.s32 $0xFFFFCE00;
	s16 =	sadd.s32 $0x3200, s15  }
0xf9: {  	[tilespmem:s24], [sflag:$0x4] =	stream.indirect.gather [hbm4b:s5+s19], $0x40, s16, s19, $0xb8;
	[tilespmem:$0x15E00] =	vst v63  }
0xfa: {  	s15 =	sadd.s32 $0x3268, s15  }
0xfb: {  	[tilespmem:s29], [sflag:$0x4] =	stream.indirect.gather [hbm4b:s5+s21], $0x40, s15, s21, $0xb8;
	[tilespmem:$0x15E00] =	vst v63  }
0xfc: {  	_ =	swait.ge [sflag:s31], $0x1A00  }
0xfd: {  	[sflag:s31] =	ssyncset.done $0x0  }
0xfe: {  	[sflag:s31] =	ssyncadd.s32 $0xFFFFE600  }
0xff: {  	_ =	swait.ge [sflag:s31], $0x1800  }
0x100: {  	[sflag:s31] =	ssyncset.done $0x0  }
0x101: {  	s15 =	simm.s32 $0x0;
	[sflag:s31] =	ssyncadd.s32 $0xFFFFE800  }
0x102: {  	v1 =	vld [tilespmem:s15+$0x0]  }
0x103: {  	v0 =	vld [tilespmem:s15+$0x10]  }
0x104: {  	v3 =	vld [tilespmem:s15+$0xC800]  }
0x105: {  	v4 =	vld [tilespmem:s15+$0xC810]  }
0x106: {  	s16 =	simm.s32 $0x100;
	v2 =	vld [tilespmem:s15+$0xC820]  }
.LBB2_15:
0x107: {  	p0 =	sne.s32 s16, $0xC700;
	v5 =	vld [tilespmem:s15+$0xC830]  }
0x108: {  	v6 =	vld [tilespmem:s15+$0x20]  }
0x109: {  	v3 =	vmul.f32 $8.000000000e+00, v3;
	v7 =	vld [tilespmem:s15+$0x30]  }
0x10a: {  	v4 =	vmul.f32 $8.000000000e+00, v4  }
0x10b: {  	s8 =	sshra.s32 s16, $0x2;
	v3 =	vadd.f32 v1, v3;
	v2 =	vmul.f32 $8.000000000e+00, v2  }
.Ltmp6:
0x10c: {  	v1 =	vld [tilespmem:s8+$0x0];
	v4 =	vadd.f32 v0, v4;
	v5 =	vmul.f32 $8.000000000e+00, v5;
	(pc) =	sbr.rel @p0 .LBB2_15-.Ltmp6, $4  }
0x10d: {  	v0 =	vld [tilespmem:s8+$0x10];
	[tilespmem:s15+$0xC800] =	vst v3;
	v2 =	vadd.f32 v6, v2  }
0x10e: {  	v3 =	vld [tilespmem:s8+$0xC800];
	[tilespmem:s15+$0xC810] =	vst v4;
	v5 =	vadd.f32 v7, v5  }
0x10f: {  	v4 =	vld [tilespmem:s8+$0xC810];
	[tilespmem:s15+$0xC820] =	vst v2  }
0x110: {  	s16 =	sadd.s32 $0x100, s16;
	v2 =	vld [tilespmem:s8+$0xC820];
	[tilespmem:s15+$0xC830] =	vst v5;
	s15 =	smov.u32 s8  }
0x111: {  	v5 =	vld [tilespmem:s15+$0xC830]  }
0x112: {  	v6 =	vld [tilespmem:s15+$0x20]  }
0x113: {  	v7 =	vld [tilespmem:s15+$0x30];
	v3 =	vmul.f32 $8.000000000e+00, v3  }
0x114: {  	v4 =	vmul.f32 $8.000000000e+00, v4  }
0x115: {  	v1 =	vadd.f32 v1, v3;
	v2 =	vmul.f32 $8.000000000e+00, v2  }
0x116: {  	s8 =	sadd.s32 s14, s4;
	v0 =	vadd.f32 v0, v4;
	v3 =	vmul.f32 $8.000000000e+00, v5  }
0x117: {  	s8 =	smul.u32 $0x640, s8;
	[tilespmem:s15+$0xC800] =	vst v1;
	v1 =	vadd.f32 v6, v2  }
0x118: {  	[tilespmem:s15+$0xC810] =	vst v0;
	v0 =	vadd.f32 v7, v3  }
0x119: {  	s8 =	sadd.s32 s2, s8;
	[tilespmem:s15+$0xC820] =	vst v1  }
0x11a: {  	s16 =	simm.s32 $0x0;
	s8 =	sadd.s32 $0x640, s8;
	[tilespmem:s15+$0xC830] =	vst v0;
	s15 =	smul.u32 $0xC80, s11  }
0x11b: {  	[hbm4b:s8+s16] =	stream.linear.scatter [tilespmem:s25], [sflag:$0x6], $0x3200, $0x38;
	[tilespmem:$0x15E00] =	vst v63  }
0x11c: {  	_ =	swait.ge [sflag:s22], $0x3200  }
0x11d: {  	s14 =	sshra.s32 s15, $0x2;
	[sflag:s22] =	ssyncset.done $0x0  }
0x11e: {  	s8 =	sadd.s32 $0x3520, s14;
	[sflag:s22] =	ssyncadd.s32 $0xFFFFCE00  }
0x11f: {  	[tilespmem:s20], [sflag:$0x1] =	stream.indirect.gather [hbm4b:s5+s19], $0x40, s8, s19, $0xb8;
	[tilespmem:$0x15E00] =	vst v63  }
0x120: {  	s16 =	sadd.s32 $0x3588, s14  }
0x121: {  	[tilespmem:s23], [sflag:$0x1] =	stream.indirect.gather [hbm4b:s5+s21], $0x40, s16, s21, $0xb8;
	[tilespmem:$0x15E00] =	vst v63  }
0x122: {  	_ =	swait.ge [sflag:s26], $0x1A00  }
0x123: {  	[sflag:s26] =	ssyncset.done $0x0  }
0x124: {  	[sflag:s26] =	ssyncadd.s32 $0xFFFFE600  }
0x125: {  	_ =	swait.ge [sflag:s26], $0x1800  }
0x126: {  	[sflag:s26] =	ssyncset.done $0x0  }
0x127: {  	s15 =	simm.s32 $0x0;
	[sflag:s26] =	ssyncadd.s32 $0xFFFFE800  }
0x128: {  	v1 =	vld [tilespmem:s15+$0x0]  }
0x129: {  	v0 =	vld [tilespmem:s15+$0x10]  }
0x12a: {  	v3 =	vld [tilespmem:s15+$0xFA00]  }
0x12b: {  	v4 =	vld [tilespmem:s15+$0xFA10]  }
0x12c: {  	s16 =	simm.s32 $0x100;
	v2 =	vld [tilespmem:s15+$0xFA20]  }
.LBB2_17:
0x12d: {  	p0 =	sne.s32 s16, $0xC700;
	v5 =	vld [tilespmem:s15+$0xFA30]  }
0x12e: {  	v6 =	vld [tilespmem:s15+$0x20]  }
0x12f: {  	v3 =	vmul.f32 $8.000000000e+00, v3;
	v7 =	vld [tilespmem:s15+$0x30]  }
0x130: {  	v4 =	vmul.f32 $8.000000000e+00, v4  }
0x131: {  	s8 =	sshra.s32 s16, $0x2;
	v3 =	vadd.f32 v1, v3;
	v2 =	vmul.f32 $8.000000000e+00, v2  }
.Ltmp7:
0x132: {  	v1 =	vld [tilespmem:s8+$0x0];
	v4 =	vadd.f32 v0, v4;
	v5 =	vmul.f32 $8.000000000e+00, v5;
	(pc) =	sbr.rel @p0 .LBB2_17-.Ltmp7, $4  }
0x133: {  	v0 =	vld [tilespmem:s8+$0x10];
	[tilespmem:s15+$0xFA00] =	vst v3;
	v2 =	vadd.f32 v6, v2  }
0x134: {  	v3 =	vld [tilespmem:s8+$0xFA00];
	[tilespmem:s15+$0xFA10] =	vst v4;
	v5 =	vadd.f32 v7, v5  }
0x135: {  	v4 =	vld [tilespmem:s8+$0xFA10];
	[tilespmem:s15+$0xFA20] =	vst v2  }
0x136: {  	s16 =	sadd.s32 $0x100, s16;
	v2 =	vld [tilespmem:s8+$0xFA20];
	[tilespmem:s15+$0xFA30] =	vst v5;
	s15 =	smov.u32 s8  }
0x137: {  	v5 =	vld [tilespmem:s15+$0xFA30]  }
0x138: {  	v6 =	vld [tilespmem:s15+$0x20]  }
0x139: {  	v7 =	vld [tilespmem:s15+$0x30];
	v3 =	vmul.f32 $8.000000000e+00, v3  }
0x13a: {  	v4 =	vmul.f32 $8.000000000e+00, v4  }
0x13b: {  	v1 =	vadd.f32 v1, v3;
	v2 =	vmul.f32 $8.000000000e+00, v2  }
0x13c: {  	v0 =	vadd.f32 v0, v4;
	v3 =	vmul.f32 $8.000000000e+00, v5  }
0x13d: {  	s8 =	sadd.s32 s4, s12;
	[tilespmem:s15+$0xFA00] =	vst v1;
	v1 =	vadd.f32 v6, v2  }
0x13e: {  	s8 =	smul.u32 $0x640, s8;
	[tilespmem:s15+$0xFA10] =	vst v0;
	v0 =	vadd.f32 v7, v3  }
0x13f: {  	[tilespmem:s15+$0xFA20] =	vst v1  }
0x140: {  	s16 =	simm.s32 $0x0;
	s8 =	sadd.s32 s2, s8;
	[tilespmem:s15+$0xFA30] =	vst v0  }
0x141: {  	[hbm4b:s8+s16] =	stream.linear.scatter [tilespmem:s30], [sflag:$0x7], $0x3200, $0x38;
	[tilespmem:$0x15E00] =	vst v63  }
0x142: {  	_ =	swait.ge [sflag:s17], $0x3200  }
0x143: {  	[sflag:s17] =	ssyncset.done $0x0  }
0x144: {  	s15 =	sadd.s32 $0x35E8, s14;
	[sflag:s17] =	ssyncadd.s32 $0xFFFFCE00  }
0x145: {  	[tilespmem:s25], [sflag:$0x2] =	stream.indirect.gather [hbm4b:s5+s19], $0x40, s15, s19, $0xb8;
	[tilespmem:$0x15E00] =	vst v63  }
0x146: {  	s16 =	sadd.s32 $0x3650, s14  }
0x147: {  	[tilespmem:s28], [sflag:$0x2] =	stream.indirect.gather [hbm4b:s5+s21], $0x40, s16, s21, $0xb8;
	[tilespmem:$0x15E00] =	vst v63  }
0x148: {  	_ =	swait.ge [sflag:s6], $0x1A00  }
0x149: {  	[sflag:s6] =	ssyncset.done $0x0  }
0x14a: {  	[sflag:s6] =	ssyncadd.s32 $0xFFFFE600  }
0x14b: {  	_ =	swait.ge [sflag:s6], $0x1800  }
0x14c: {  	[sflag:s6] =	ssyncset.done $0x0  }
0x14d: {  	s12 =	simm.s32 $0x0;
	[sflag:s6] =	ssyncadd.s32 $0xFFFFE800  }
0x14e: {  	v1 =	vld [tilespmem:s12+$0x0]  }
0x14f: {  	v0 =	vld [tilespmem:s12+$0x10]  }
0x150: {  	v3 =	vld [tilespmem:s12+$0x12C00]  }
0x151: {  	v4 =	vld [tilespmem:s12+$0x12C10]  }
0x152: {  	s14 =	simm.s32 $0x100;
	v2 =	vld [tilespmem:s12+$0x12C20]  }
.LBB2_19:
0x153: {  	p0 =	sne.s32 s14, $0xC700;
	v5 =	vld [tilespmem:s12+$0x12C30]  }
0x154: {  	v6 =	vld [tilespmem:s12+$0x20]  }
0x155: {  	v3 =	vmul.f32 $8.000000000e+00, v3;
	v7 =	vld [tilespmem:s12+$0x30]  }
0x156: {  	v4 =	vmul.f32 $8.000000000e+00, v4  }
0x157: {  	s8 =	sshra.s32 s14, $0x2;
	v3 =	vadd.f32 v1, v3;
	v2 =	vmul.f32 $8.000000000e+00, v2  }
.Ltmp8:
0x158: {  	v1 =	vld [tilespmem:s8+$0x0];
	v4 =	vadd.f32 v0, v4;
	v5 =	vmul.f32 $8.000000000e+00, v5;
	(pc) =	sbr.rel @p0 .LBB2_19-.Ltmp8, $4  }
0x159: {  	v0 =	vld [tilespmem:s8+$0x10];
	[tilespmem:s12+$0x12C00] =	vst v3;
	v2 =	vadd.f32 v6, v2  }
0x15a: {  	v3 =	vld [tilespmem:s8+$0x12C00];
	[tilespmem:s12+$0x12C10] =	vst v4;
	v5 =	vadd.f32 v7, v5  }
0x15b: {  	v4 =	vld [tilespmem:s8+$0x12C10];
	[tilespmem:s12+$0x12C20] =	vst v2  }
0x15c: {  	s14 =	sadd.s32 $0x100, s14;
	v2 =	vld [tilespmem:s8+$0x12C20];
	[tilespmem:s12+$0x12C30] =	vst v5;
	s12 =	smov.u32 s8  }
0x15d: {  	v5 =	vld [tilespmem:s12+$0x12C30]  }
0x15e: {  	v6 =	vld [tilespmem:s12+$0x20]  }
0x15f: {  	v7 =	vld [tilespmem:s12+$0x30];
	v3 =	vmul.f32 $8.000000000e+00, v3  }
0x160: {  	v4 =	vmul.f32 $8.000000000e+00, v4  }
0x161: {  	s11 =	sadd.s32 $0x1, s11;
	v1 =	vadd.f32 v1, v3;
	v2 =	vmul.f32 $8.000000000e+00, v2  }
0x162: {  	p0 =	sne.s32 s11, $0x1F;
	v0 =	vadd.f32 v0, v4;
	v61 =	vmul.f32 $8.000000000e+00, v5  }
.Ltmp9:
0x163: {  	s8 =	sadd.s32 s4, s13;
	[tilespmem:s12+$0x12C00] =	vst v1;
	v62 =	vadd.f32 v6, v2;
	(pc) =	sbr.rel @p0 .LBB2_12-.Ltmp9, $4  }
0x164: {  	s8 =	smul.u32 $0x640, s8;
	[tilespmem:s12+$0x12C10] =	vst v0;
	v63 =	vadd.f32 v7, v61  }
0x165: {  	[tilespmem:s12+$0x12C20] =	vst v62  }
0x166: {  	s8 =	sadd.s32 s2, s8;
	[tilespmem:s12+$0x12C30] =	vst v63  }
0x167: {  	[hbm4b:s8+s3] =	stream.linear.scatter [tilespmem:s24], [sflag:$0x8], $0x3200, $0x38;
	[tilespmem:$0x15E00] =	vst v63  }
0x168: {  	_ =	swait.ge [sflag:s7], $0x3200  }
0x169: {  	[sflag:s7] =	ssyncset.done $0x0  }
0x16a: {  	s8 =	simm.s32 $0x9470;
	[sflag:s7] =	ssyncadd.s32 $0xFFFFCE00  }
0x16b: {  	[tilespmem:s30], [sflag:$0x3] =	stream.indirect.gather [hbm4b:s5+s19], $0x40, s8, s19, $0xb8;
	[tilespmem:$0x15E00] =	vst v63  }
0x16c: {  	s16 =	simm.s32 $0x94D8  }
0x16d: {  	[tilespmem:s1], [sflag:$0x3] =	stream.indirect.gather [hbm4b:s5+s21], $0x40, s16, s21, $0xb8;
	[tilespmem:$0x15E00] =	vst v63  }
0x16e: {  	_ =	swait.ge [sflag:s0], $0x1A00  }
0x16f: {  	[sflag:s0] =	ssyncset.done $0x0  }
0x170: {  	[sflag:s0] =	ssyncadd.s32 $0xFFFFE600  }
0x171: {  	_ =	swait.ge [sflag:s0], $0x1800  }
0x172: {  	[sflag:s0] =	ssyncset.done $0x0  }
0x173: {  	s11 =	simm.s32 $0x0;
	[sflag:s0] =	ssyncadd.s32 $0xFFFFE800  }
0x174: {  	v1 =	vld [tilespmem:s11+$0x0]  }
0x175: {  	v0 =	vld [tilespmem:s11+$0x10]  }
0x176: {  	v3 =	vld [tilespmem:s11+$0x9600]  }
0x177: {  	v4 =	vld [tilespmem:s11+$0x9610]  }
0x178: {  	s12 =	simm.s32 $0x100;
	v2 =	vld [tilespmem:s11+$0x9620]  }
.LBB2_22:
0x179: {  	p0 =	sne.s32 s12, $0xC700;
	v5 =	vld [tilespmem:s11+$0x9630]  }
0x17a: {  	v6 =	vld [tilespmem:s11+$0x20]  }
0x17b: {  	v3 =	vmul.f32 $8.000000000e+00, v3;
	v7 =	vld [tilespmem:s11+$0x30]  }
0x17c: {  	v4 =	vmul.f32 $8.000000000e+00, v4  }
0x17d: {  	s8 =	sshra.s32 s12, $0x2;
	v3 =	vadd.f32 v1, v3;
	v2 =	vmul.f32 $8.000000000e+00, v2  }
.Ltmp10:
0x17e: {  	v1 =	vld [tilespmem:s8+$0x0];
	v4 =	vadd.f32 v0, v4;
	v5 =	vmul.f32 $8.000000000e+00, v5;
	(pc) =	sbr.rel @p0 .LBB2_22-.Ltmp10, $4  }
0x17f: {  	v0 =	vld [tilespmem:s8+$0x10];
	[tilespmem:s11+$0x9600] =	vst v3;
	v2 =	vadd.f32 v6, v2  }
0x180: {  	v3 =	vld [tilespmem:s8+$0x9600];
	[tilespmem:s11+$0x9610] =	vst v4;
	v5 =	vadd.f32 v7, v5  }
0x181: {  	v4 =	vld [tilespmem:s8+$0x9610];
	[tilespmem:s11+$0x9620] =	vst v2  }
0x182: {  	s12 =	sadd.s32 $0x100, s12;
	v2 =	vld [tilespmem:s8+$0x9620];
	[tilespmem:s11+$0x9630] =	vst v5;
	s11 =	smov.u32 s8  }
0x183: {  	v5 =	vld [tilespmem:s11+$0x9630]  }
0x184: {  	v6 =	vld [tilespmem:s11+$0x20]  }
0x185: {  	v7 =	vld [tilespmem:s11+$0x30];
	v3 =	vmul.f32 $8.000000000e+00, v3  }
0x186: {  	v4 =	vmul.f32 $8.000000000e+00, v4  }
0x187: {  	v1 =	vadd.f32 v1, v3;
	v2 =	vmul.f32 $8.000000000e+00, v2  }
0x188: {  	v0 =	vadd.f32 v0, v4;
	v3 =	vmul.f32 $8.000000000e+00, v5  }
0x189: {  	[tilespmem:s11+$0x9600] =	vst v1;
	v1 =	vadd.f32 v6, v2  }
0x18a: {  	[tilespmem:s11+$0x9610] =	vst v0;
	v0 =	vadd.f32 v7, v3  }
0x18b: {  	[tilespmem:s11+$0x9620] =	vst v1  }
0x18c: {  	s8 =	simm.s32 $0x0;
	s14 =	rddreg [dreg:$0x9];
	[tilespmem:s11+$0x9630] =	vst v0  }
0x18d: {  	[hbm4b:s14+s8] =	stream.linear.scatter [tilespmem:s20], [sflag:$0x5], $0x3200, $0x38;
	[tilespmem:$0x15E00] =	vst v63  }
0x18e: {  	_ =	swait.ge [sflag:s9], $0x3200  }
0x18f: {  	[sflag:s9] =	ssyncset.done $0x0  }
0x190: {  	s15 =	simm.s32 $0x9538;
	[sflag:s9] =	ssyncadd.s32 $0xFFFFCE00  }
0x191: {  	[tilespmem:s24], [sflag:$0x4] =	stream.indirect.gather [hbm4b:s5+s19], $0x40, s15, s19, $0xb8;
	[tilespmem:$0x15E00] =	vst v63  }
0x192: {  	s16 =	simm.s32 $0x95A0  }
0x193: {  	[tilespmem:s29], [sflag:$0x4] =	stream.indirect.gather [hbm4b:s5+s21], $0x40, s16, s21, $0xb8;
	[tilespmem:$0x15E00] =	vst v63  }
0x194: {  	_ =	swait.ge [sflag:s31], $0x1A00  }
0x195: {  	[sflag:s31] =	ssyncset.done $0x0  }
0x196: {  	[sflag:s31] =	ssyncadd.s32 $0xFFFFE600  }
0x197: {  	_ =	swait.ge [sflag:s31], $0x1800  }
0x198: {  	[sflag:s31] =	ssyncset.done $0x0  }
0x199: {  	s11 =	simm.s32 $0x0;
	[sflag:s31] =	ssyncadd.s32 $0xFFFFE800  }
0x19a: {  	v1 =	vld [tilespmem:s11+$0x0]  }
0x19b: {  	v0 =	vld [tilespmem:s11+$0x10]  }
0x19c: {  	v3 =	vld [tilespmem:s11+$0xC800]  }
0x19d: {  	v4 =	vld [tilespmem:s11+$0xC810]  }
0x19e: {  	s12 =	simm.s32 $0x100;
	s14 =	simm.s32 $0x3200;
	v2 =	vld [tilespmem:s11+$0xC820]  }
.LBB2_24:
0x19f: {  	p0 =	sne.s32 s12, $0xC700;
	v5 =	vld [tilespmem:s11+$0xC830]  }
0x1a0: {  	v6 =	vld [tilespmem:s11+$0x20]  }
0x1a1: {  	v3 =	vmul.f32 $8.000000000e+00, v3;
	v7 =	vld [tilespmem:s11+$0x30]  }
0x1a2: {  	v4 =	vmul.f32 $8.000000000e+00, v4  }
0x1a3: {  	s8 =	sshra.s32 s12, $0x2;
	v3 =	vadd.f32 v1, v3;
	v2 =	vmul.f32 $8.000000000e+00, v2  }
.Ltmp11:
0x1a4: {  	v1 =	vld [tilespmem:s8+$0x0];
	v4 =	vadd.f32 v0, v4;
	v5 =	vmul.f32 $8.000000000e+00, v5;
	(pc) =	sbr.rel @p0 .LBB2_24-.Ltmp11, $4  }
0x1a5: {  	v0 =	vld [tilespmem:s8+$0x10];
	[tilespmem:s11+$0xC800] =	vst v3;
	v2 =	vadd.f32 v6, v2  }
0x1a6: {  	v3 =	vld [tilespmem:s8+$0xC800];
	[tilespmem:s11+$0xC810] =	vst v4;
	v5 =	vadd.f32 v7, v5  }
0x1a7: {  	v4 =	vld [tilespmem:s8+$0xC810];
	[tilespmem:s11+$0xC820] =	vst v2  }
0x1a8: {  	s12 =	sadd.s32 $0x100, s12;
	v2 =	vld [tilespmem:s8+$0xC820];
	[tilespmem:s11+$0xC830] =	vst v5;
	s11 =	smov.u32 s8  }
0x1a9: {  	v5 =	vld [tilespmem:s11+$0xC830]  }
0x1aa: {  	v6 =	vld [tilespmem:s11+$0x20]  }
0x1ab: {  	v7 =	vld [tilespmem:s11+$0x30];
	v3 =	vmul.f32 $8.000000000e+00, v3  }
0x1ac: {  	v4 =	vmul.f32 $8.000000000e+00, v4  }
0x1ad: {  	v1 =	vadd.f32 v1, v3;
	v2 =	vmul.f32 $8.000000000e+00, v2  }
0x1ae: {  	v0 =	vadd.f32 v0, v4;
	v3 =	vmul.f32 $8.000000000e+00, v5  }
0x1af: {  	[tilespmem:s11+$0xC800] =	vst v1;
	v1 =	vadd.f32 v6, v2  }
0x1b0: {  	[tilespmem:s11+$0xC810] =	vst v0;
	v0 =	vadd.f32 v7, v3  }
0x1b1: {  	[tilespmem:s11+$0xC820] =	vst v1  }
0x1b2: {  	s8 =	simm.s32 $0x0;
	s16 =	rddreg [dreg:$0xa];
	[tilespmem:s11+$0xC830] =	vst v0  }
0x1b3: {  	[hbm4b:s16+s8] =	stream.linear.scatter [tilespmem:s25], [sflag:$0x6], $0x3200, $0x38;
	[tilespmem:$0x15E00] =	vst v63  }
0x1b4: {  	_ =	swait.ge [sflag:s26], $0x1A00  }
0x1b5: {  	[sflag:s26] =	ssyncset.done $0x0  }
0x1b6: {  	[sflag:s26] =	ssyncadd.s32 $0xFFFFE600  }
0x1b7: {  	_ =	swait.ge [sflag:s26], $0x1800  }
0x1b8: {  	[sflag:s26] =	ssyncset.done $0x0  }
0x1b9: {  	s11 =	simm.s32 $0x0;
	[sflag:s26] =	ssyncadd.s32 $0xFFFFE800  }
0x1ba: {  	v1 =	vld [tilespmem:s11+$0x0]  }
0x1bb: {  	v0 =	vld [tilespmem:s11+$0x10]  }
0x1bc: {  	v3 =	vld [tilespmem:s11+$0xFA00]  }
0x1bd: {  	v4 =	vld [tilespmem:s11+$0xFA10]  }
0x1be: {  	s12 =	simm.s32 $0x100;
	v2 =	vld [tilespmem:s11+$0xFA20]  }
.LBB2_26:
0x1bf: {  	p0 =	sne.s32 s12, $0xC700;
	v5 =	vld [tilespmem:s11+$0xFA30]  }
0x1c0: {  	v6 =	vld [tilespmem:s11+$0x20]  }
0x1c1: {  	v3 =	vmul.f32 $8.000000000e+00, v3;
	v7 =	vld [tilespmem:s11+$0x30]  }
0x1c2: {  	v4 =	vmul.f32 $8.000000000e+00, v4  }
0x1c3: {  	s8 =	sshra.s32 s12, $0x2;
	v3 =	vadd.f32 v1, v3;
	v2 =	vmul.f32 $8.000000000e+00, v2  }
.Ltmp12:
0x1c4: {  	v1 =	vld [tilespmem:s8+$0x0];
	v4 =	vadd.f32 v0, v4;
	v5 =	vmul.f32 $8.000000000e+00, v5;
	(pc) =	sbr.rel @p0 .LBB2_26-.Ltmp12, $4  }
0x1c5: {  	v0 =	vld [tilespmem:s8+$0x10];
	[tilespmem:s11+$0xFA00] =	vst v3;
	v2 =	vadd.f32 v6, v2  }
0x1c6: {  	v3 =	vld [tilespmem:s8+$0xFA00];
	[tilespmem:s11+$0xFA10] =	vst v4;
	v5 =	vadd.f32 v7, v5  }
0x1c7: {  	v4 =	vld [tilespmem:s8+$0xFA10];
	[tilespmem:s11+$0xFA20] =	vst v2  }
0x1c8: {  	s12 =	sadd.s32 $0x100, s12;
	v2 =	vld [tilespmem:s8+$0xFA20];
	[tilespmem:s11+$0xFA30] =	vst v5;
	s11 =	smov.u32 s8  }
0x1c9: {  	v5 =	vld [tilespmem:s11+$0xFA30]  }
0x1ca: {  	v6 =	vld [tilespmem:s11+$0x20]  }
0x1cb: {  	v7 =	vld [tilespmem:s11+$0x30];
	v3 =	vmul.f32 $8.000000000e+00, v3  }
0x1cc: {  	v4 =	vmul.f32 $8.000000000e+00, v4  }
0x1cd: {  	v1 =	vadd.f32 v1, v3;
	v2 =	vmul.f32 $8.000000000e+00, v2  }
0x1ce: {  	v0 =	vadd.f32 v0, v4;
	v3 =	vmul.f32 $8.000000000e+00, v5  }
0x1cf: {  	[tilespmem:s11+$0xFA00] =	vst v1;
	v1 =	vadd.f32 v6, v2  }
0x1d0: {  	[tilespmem:s11+$0xFA10] =	vst v0;
	v0 =	vadd.f32 v7, v3  }
0x1d1: {  	[tilespmem:s11+$0xFA20] =	vst v1  }
0x1d2: {  	s8 =	simm.s32 $0x0;
	s16 =	rddreg [dreg:$0xb];
	[tilespmem:s11+$0xFA30] =	vst v0  }
0x1d3: {  	[hbm4b:s16+s8] =	stream.linear.scatter [tilespmem:s30], [sflag:$0x7], $0x3200, $0x38;
	[tilespmem:$0x15E00] =	vst v63  }
0x1d4: {  	_ =	swait.ge [sflag:s6], $0x1A00  }
0x1d5: {  	[sflag:s6] =	ssyncset.done $0x0  }
0x1d6: {  	[sflag:s6] =	ssyncadd.s32 $0xFFFFE600  }
0x1d7: {  	_ =	swait.ge [sflag:s6], $0x1800  }
0x1d8: {  	[sflag:s6] =	ssyncset.done $0x0  }
0x1d9: {  	s11 =	simm.s32 $0x0;
	[sflag:s6] =	ssyncadd.s32 $0xFFFFE800  }
0x1da: {  	v1 =	vld [tilespmem:s11+$0x0]  }
0x1db: {  	v0 =	vld [tilespmem:s11+$0x10]  }
0x1dc: {  	v3 =	vld [tilespmem:s11+$0x12C00]  }
0x1dd: {  	v4 =	vld [tilespmem:s11+$0x12C10]  }
0x1de: {  	s12 =	simm.s32 $0x100;
	v2 =	vld [tilespmem:s11+$0x12C20]  }
.LBB2_28:
0x1df: {  	p0 =	sne.s32 s12, $0xC700;
	v5 =	vld [tilespmem:s11+$0x12C30]  }
0x1e0: {  	v6 =	vld [tilespmem:s11+$0x20]  }
0x1e1: {  	v3 =	vmul.f32 $8.000000000e+00, v3;
	v7 =	vld [tilespmem:s11+$0x30]  }
0x1e2: {  	v4 =	vmul.f32 $8.000000000e+00, v4  }
0x1e3: {  	s8 =	sshra.s32 s12, $0x2;
	v3 =	vadd.f32 v1, v3;
	v2 =	vmul.f32 $8.000000000e+00, v2  }
.Ltmp13:
0x1e4: {  	v1 =	vld [tilespmem:s8+$0x0];
	v4 =	vadd.f32 v0, v4;
	v5 =	vmul.f32 $8.000000000e+00, v5;
	(pc) =	sbr.rel @p0 .LBB2_28-.Ltmp13, $4  }
0x1e5: {  	v0 =	vld [tilespmem:s8+$0x10];
	[tilespmem:s11+$0x12C00] =	vst v3;
	v2 =	vadd.f32 v6, v2  }
0x1e6: {  	v3 =	vld [tilespmem:s8+$0x12C00];
	[tilespmem:s11+$0x12C10] =	vst v4;
	v5 =	vadd.f32 v7, v5  }
0x1e7: {  	v4 =	vld [tilespmem:s8+$0x12C10];
	[tilespmem:s11+$0x12C20] =	vst v2  }
0x1e8: {  	s12 =	sadd.s32 $0x100, s12;
	v2 =	vld [tilespmem:s8+$0x12C20];
	[tilespmem:s11+$0x12C30] =	vst v5;
	s11 =	smov.u32 s8  }
0x1e9: {  	v5 =	vld [tilespmem:s11+$0x12C30]  }
0x1ea: {  	v6 =	vld [tilespmem:s11+$0x20]  }
0x1eb: {  	v7 =	vld [tilespmem:s11+$0x30];
	v3 =	vmul.f32 $8.000000000e+00, v3  }
0x1ec: {  	v4 =	vmul.f32 $8.000000000e+00, v4  }
0x1ed: {  	v1 =	vadd.f32 v1, v3;
	v2 =	vmul.f32 $8.000000000e+00, v2  }
0x1ee: {  	v0 =	vadd.f32 v0, v4;
	v61 =	vmul.f32 $8.000000000e+00, v5  }
0x1ef: {  	[tilespmem:s11+$0x12C00] =	vst v1;
	v62 =	vadd.f32 v6, v2  }
0x1f0: {  	[tilespmem:s11+$0x12C10] =	vst v0;
	v63 =	vadd.f32 v7, v61  }
0x1f1: {  	[tilespmem:s11+$0x12C20] =	vst v62  }
0x1f2: {  	s8 =	rddreg [dreg:$0xc];
	[tilespmem:s11+$0x12C30] =	vst v63  }
0x1f3: {  	[hbm4b:s8+s3] =	stream.linear.scatter [tilespmem:s24], [sflag:$0x8], $0x3200, $0x38;
	[tilespmem:$0x15E00] =	vst v63  }
0x1f4: {  	_ =	swait.ge [sflag:s22], $0x3200  }
0x1f5: {  	[sflag:s22] =	ssyncset.done $0x0  }
0x1f6: {  	[sflag:s22] =	ssyncadd.s32 $0xFFFFCE00  }
0x1f7: {  	_ =	swait.ge [sflag:s17], $0x3200  }
0x1f8: {  	[sflag:s17] =	ssyncset.done $0x0  }
0x1f9: {  	[sflag:s17] =	ssyncadd.s32 $0xFFFFCE00  }
0x1fa: {  	_ =	swait.ge [sflag:s7], $0x3200  }
0x1fb: {  	[sflag:s7] =	ssyncset.done $0x0  }
0x1fc: {  	[sflag:s7] =	ssyncadd.s32 $0xFFFFCE00  }
0x1fd: {  	_ =	swait.ge [sflag:s9], $0x3200  }
0x1fe: {  	s10 =	sadd.s32 $0x1, s10;
	s16 =	rddreg [dreg:$0xd]  }
0x1ff: {  	p0 =	sne.s32 s10, s16  }
.Ltmp14:
0x200: {  	_ = 	snop;
	(pc) =	sbr.rel @p0 .LBB2_1-.Ltmp14, $3  }
0x201: {  	_ =	sdelay $0x1  }
0x202: {  	[sflag:s9] =	ssyncset.done $0x0  }
0x203: {  	[sflag:s9] =	ssyncadd.s32 $0xFFFFCE00  }
0x204: {  	_ =	sfence.sel $0x180000  }
0x205: {  	[bflag:$0x0] =	sbarrier.arrive $0xFFFF  }
0x206: {  	_ =	strace $0x90000047  }
0x207: {  	s0 =	stileid.u32;
	[bflag:$0x2] =	sbarrier.arrive $0xFFFF  }
0x208: {  	p0 =	sne.s32 s0, $0x0;
	s0 =	rddreg [dreg:$0x2]  }
0x209: {  	s0 =	sadd.s32 @!p0 $0x100000, s0  }
0x20a: {  	[sflag:s0] =	ssyncadd.tile.s32 @!p0 $0x1;
	_ =	shalt  }
.Lfunc_end2:
_tile_overlayer_lowered:
.L_overlay_start_2:
0x20b: {  	(tag) =	ssettag $0x2  }
0x20c: {  	s0 =	rddreg [dreg:$0x0];
	s2 =	stileid.u32  }
0x20d: {  	s1 =	rddreg [dreg:$0x1];
	p0 =	sne.s32 s2, $0x0  }
0x20e: {  	s3 =	rddreg [dreg:$0x2];
	[bflag:$0x3] =	sbarrier.arrive $0xFFFF;
	s2 =	simm.s32 @!p0 $0x1C09  }
0x20f: {  	[timem:s3], [sflag:s2] =	dma.local @!p0 [hbm:s0], s1  }
0x210: {  	s0 =	simm.s32 @!p0 $0x9  }
0x211: {  	_ =	swait.ge @!p0 [sflag:s0], s1  }
0x212: {  	s1 =	ssub.s32 @!p0 $0x0, s1;
	[sflag:s0] =	ssyncset.done @!p0 $0x0  }
0x213: {  	[sflag:s0] =	ssyncadd.s32 @!p0 s1  }
0x214: {  	[bflag:$0x3] =	sbarrier.arrive $0xFFFF  }
0x215: {  	_ =	shalt  }

// kernel: sparse-core-data-format-call.cloned.1.call-start
scs
called_computation_lowered:
.L_overlay_start_0:
0x0: {  	s2 =	sld [smem:$0x3FD9]  }
0x1: {  	s3 =	sld [smem:$0x3FFE];
	_ =	sdelay $0x1  }
0x2: {  	s1 =	srdreg.scid  }
0x3: {  	s0 =	sand.u32 $0x1, s1  }
0x4: {  	s18 =	sshll.u32 s0, $0xA;
	s2 =	sadd.s32 s3, s2  }
0x5: {  	s2 =	sadd.s32 s2, s18  }
0x6: {  	[smem:$0x3FC5] =	sst s2  }
0x7: {  	_ = 	snop  }
0x8: {  	s2 =	sld [smem:$0x3FD0];
	(tm) =	ssettm $0x1  }
0x9: {  	s19 =	sld [smem:$0x3FFB];
	_ =	sdelay $0x3  }
0xa: {  	_ =	strace s19  }
0xb: {  	s3 =	sld [smem:$0x3FFC];
	_ =	sdelay $0x3  }
0xc: {  	_ =	strace s3  }
0xd: {  	s3 =	sld [smem:$0x3FFD];
	_ =	sdelay $0x3  }
0xe: {  	_ =	strace s3  }
0xf: {  	_ =	strace $0x8FFFFFFF  }
0x10: {  	s20 =	sld [smem:$0x3FDB];
	_ =	sdelay $0x1  }
0x11: {  	s4 =	simm.s32 $_scs_section_size  }
0x12: {  	s5 =	simm.s32 $_size__tile_overlayer_lowered;
	s6 =	simm.s32 $_tile_overlayer_lowered  }
0x13: {  	s23 =	simm.s32 $0x1BFF;
	s22 =	sshll.u32 s6, $0x1;
	s3 =	sadd.s32 s4, s20  }
0x14: {  	s7 =	simm.s32 $0x0;
	s21 =	sshll.u32 s5, $0x1;
	s5 =	sadd.s32 s22, s3  }
0x15: {  	[timem:s7], [sflag:s23] =	dma.local [hbm:s5], s21  }
0x16: {  	_ =	swait.ge [sflag:s23], s21  }
0x17: {  	s4 =	ssub.s32 $0x0, s21;
	[sflag:s23] =	ssyncset.done $0x0  }
0x18: {  	[sflag:s23] =	ssyncadd.s32 s4;
	_ =	sdelay $0x1  }
0x19: {  	s24 =	simm.s32 $0x1B8B  }
0x1a: {  	_ =	swait.ge [sflag:s24], $0x1  }
0x1b: {  	[sflag:s24] =	ssyncset.done $0x0  }
0x1c: {  	s26 =	simm.s32 $0x1B8E;
	s25 =	sld [smem:$0x3FFE];
	[sflag:s24] =	ssyncadd.s32 $0xFFFFFFFF  }
0x1d: {  	s27 =	simm.s32 $execute0_lowered;
	[smem:$0x3FD2] =	sst s26  }
0x1e: {  	s5 =	sshll.u32 s27, $0x1;
	_ =	strace $0x80000049;
	[dreg:$0x1] =	wrdreg $0xFFFFFFFF  }
0x1f: {  	s28 =	simm.s32 $_size_execute0_lowered;
	s3 =	sadd.s32 s3, s5;
	[dreg:$0x0] =	wrdreg $0x0  }
0x20: {  	s5 =	sshll.u32 s28, $0x1;
	[dreg:$0x2] =	wrdreg s3  }
0x21: {  	[dreg:$0x3] =	wrdreg s5  }
0x22: {  	[dreg:$0x4] =	wrdreg $0xC0  }
0x23: {  	_ =	task [dreg:s7], $0x5FFFF  }
0x24: {  	[dreg:$0x1] =	wrdreg $0xFFFFFFFF  }
0x25: {  	[dreg:$0x0] =	wrdreg $0x60  }
0x26: {  	[dreg:$0x2] =	wrdreg s25  }
0x27: {  	[dreg:$0x3] =	wrdreg s2  }
0x28: {  	[dreg:$0x4] =	wrdreg $0x9  }
0x29: {  	_ =	task.clear_ibuf [dreg:s7], $0x5FFFF;
	_ =	strace $0x90000049  }
0x2a: {  	s29 =	simm.s32 $0x9;
	_ =	strace $0x8000004B  }
0x2b: {  	_ =	swait.ge [sflag:s29], $0x1  }
0x2c: {  	[sflag:s29] =	ssyncadd.s32 $0xFFFFFFFF  }
0x2d: {  	_ =	strace $0x9000004B  }
0x2e: {  	_ =	sfence  }
0x2f: {  	s30 =	sld [smem:$0x0];
	_ =	sdelay $0x2  }
0x30: {  	s31 =	sshll.u32 s1, $0xD;
	s1 =	sshrl.u32 s1, $0x2  }
0x31: {  	s3 =	sand.u32 $0x4000, s31;
	s1 =	sadd.s32 s1, s30  }
0x32: {  	s0 =	sor.u32 s3, s0;
	s1 =	sshll.u32 s1, $0x11  }
0x33: {  	s0 =	sor.u32 s1, s0  }
0x34: {  	s0 =	sadd.s32 $0x8F2B, s0  }
0x35: {  	[sflag:s0] =	ssyncadd.remote.s32 $0x1  }
0x36: {  	_ =	sfence.sel $0xFFFF  }
0x37: {  	[dreg:$0x0] =	wrdreg $0xFFFFFFFF;
	(pc) =	sbr.abs _section_cstart, $3  }
0x38: {  	[dreg:$0x1] =	wrdreg $0xFFFFFFFF  }
0x39: {  	_ =	task.clear_ibuf [dreg:s7], $0x2FFFF;
	_ =	strace $0x9FFFFFFF  }
0x3a: {  	(tm) =	ssettm $0x7FFFFFFF  }
0x3b: {  	_ =	shalt  }
tec
execute0_lowered:
.L_overlay_start_1:
0x0: {  	(tag) =	ssettag $0x1  }
0x1: {  	s0 =	srdreg.scid  }
0x2: {  	s1 =	sshll.u32 s0, $0x4  }
0x3: {  	s0 =	stileid.u32;
	s1 =	sand.u32 $0x10, s1  }
0x4: {  	s1 =	sor.u32 s0, s1  }
0x5: {  	s6 =	rddreg [dreg:$0x0];
	s4 =	simm.s32 $0x1;
	s2 =	sshll.u32 s1, $0x7  }
0x6: {  	s7 =	simm.s32 $0x2;
	s12 =	simm.s32 $0x0;
	s1 =	ssub.s32 $0x1000, s2  }
0x7: {  	s8 =	simm.s32 $0x8000;
	s13 =	simm.s32 $0x0;
	s3 =	sand.u32 $0xF80, s1  }
0x8: {  	s9 =	simm.s32 $0x0;
	s5 =	sshrl.u32 s1, $0xC;
	p0 =	sne.s32 s3, $0x0  }
.Ltmp0:
0x9: {  	s1 =	rddreg [dreg:$0x2];
	s4 =	simm.s32 @!p0 $0x0;
	(pc) =	sbr.rel .LBB1_1-.Ltmp0, $4  }
0xa: {  	s11 =	simm.s32 $0x0;
	s3 =	rddreg [dreg:$0x1];
	s5 =	sadd.s32 s4, s5  }
0xb: {  	_ =	strace $0x8000004A;
	s4 =	simm.s32 $0x1;
	s5 =	smul.u32 $0xC8, s5  }
0xc: {  	s6 =	sadd.s32 $0xC00, s6;
	s10 =	smov.u32 s2;
	[sflag:s4] =	ssyncpa.u1 $0x0  }
0xd: {  	p0 =	por $0x0, $0x0;
	[sflag:s7] =	ssyncpa.u1 $0x0;
	s7 =	sor.u32 $0x1, s5  }
.LBB1_4:
0xe: {  	s16 =	sshll.u32 s13, $0x3;
	s17 =	sand.u32 $0x78, s13  }
0xf: {  	s30 =	sand.u32 $0x7E00, s13;
	s12 =	sshll.u32 s12, $0xF;
	s16 =	sand.u32 $0xC00, s16  }
0x10: {  	[tilespmem:s15+$0x810 ss:$0x81] =	vst.msk $0xffff, v2;
	s31 =	sand.u32 $0x7, s13;
	s16 =	sor.u32 s17, s16;
	s17 =	sadd.s32 s3, s30  }
0x11: {  	[tilespmem:s15+$0x1020 ss:$0x81] =	vst.msk $0xffff, v0;
	s13 =	sshll.u32 s31, $0x12;
	s12 =	sadd.s32 s12, s17;
	s16 =	sshrl.u32 s16, $0x3  }
0x12: {  	[tilespmem:s15+$0x0 ss:$0x81] =	vst.msk $0xffff, v1;
	s13 =	sor.u32 $0x400, s13;
	s12 =	sadd.s32 s16, s12  }
0x13: {  	[hbm4b:s12+s13] =	stream.strided.scatter [tilespmem:s14], [sflag:$0x2], $0x2000, s8, s13, $0x20;
	[tilespmem:$0x8080] =	vst v63  }
.LBB1_5:
0x14: {  	s14 =	sadd.s32 $0x1, s9  }
0x15: {  	s12 =	sadd.s32 $0x1000, s10;
	s16 =	smov.u32 s10;
	p2 =	sgt.s32 s14, $0xC7  }
0x16: {  	s16 =	smov.u32 @p2 s12  }
0x17: {  	s14 =	simm.s32 @p2 $0x0;
	p2 =	sgt.s32 s16, $0xFFF  }
0x18: {  	s16 =	smov.u32 @p2 s2;
	p2 =	sne.s32 s11, s7  }
.Ltmp1:
0x19: {  	p1 =	slt.u32 s11, $0x2;
	(pc) =	sbr.rel @!p2 .LBB1_6-.Ltmp1, $4  }
0x1a: {  	s15 =	simm.s32 @!p1 $0x2  }
0x1b: {  	s13 =	smov.u32 s10;
	p0 =	por !p0, !p0;
	_ =	swait.ge @!p1 [sflag:s15], $0x2000  }
0x1c: {  	s12 =	smov.u32 s9;
	[sflag:s15] =	ssyncset.done @!p1 $0x0;
	s9 =	smov.u32 s14  }
0x1d: {  	s11 =	sadd.s32 $0x1, s11;
	[sflag:s15] =	ssyncadd.s32 @!p1 $0xFFFFE000;
	s10 =	smov.u32 s16  }
.LBB1_1:
0x1e: {  	p1 =	sge.u32 s11, s5  }
0x1f: {  	s14 =	sand.u32 @!p1 $0x1FFFFFF, s9  }
0x20: {  	s15 =	smulhi.u32 @!p1 $0x147AE15, s14;
	_ =	sdelay $0x1  }
0x21: {  	s15 =	smul.u32 @!p1 $0xC8, s15  }
0x22: {  	s16 =	sxor.u32 @!p1 $0xFFFFFFFF, s11;
	s17 =	smul.u32 @!p1 $0xC80, s10  }
0x23: {  	s31 =	sadd.s32 $0xFFFFFFFF, s11;
	s16 =	sshll.u32 @!p1 s16, $0xD;
	s14 =	ssub.s32 @!p1 s14, s15  }
0x24: {  	s15 =	sand.u32 @!p1 $0x2000, s16;
	s16 =	sadd.s32 @!p1 s6, s17;
	s14 =	sshll.u32 @!p1 s14, $0x4  }
0x25: {  	s17 =	simm.s32 @!p1 $0x6400;
	s14 =	sadd.s32 @!p1 s14, s16;
	s16 =	simm.s32 @!p1 $0x40  }
0x26: {  	[tilespmem:s15], [sflag:$0x1] =	stream.strided.gather @!p1 [hbm4b:s14+s16], $0x2000, s17, s16, $0x38;
	[tilespmem:$0x8080] =	vst v63  }
0x27: {  	p1 =	sge.u32 s31, s5  }
.Ltmp2:
0x28: {  	_ = 	snop;
	(pc) =	sbr.rel @p1 .LBB1_5-.Ltmp2, $1  }
0x29: {  	_ =	sdelay $0x3  }
0x2a: {  	s14 =	simm.s32 $0x1  }
0x2b: {  	_ =	swait.ge [sflag:s4], $0x2000;
	s14 =	simm.s32 @!p0 $0x0  }
0x2c: {  	[sflag:s4] =	ssyncset.done $0x0;
	s15 =	sshll.u32 s14, $0xD  }
0x2d: {  	[sflag:s4] =	ssyncadd.s32 $0xFFFFE000;
	s18 =	sor.u32 $0x20, s15  }
0x2e: {  	s14 =	smul.u32 $0x8100, s14;
	v3 =	vld [tilespmem:s18+$0x10]  }
0x2f: {  	s30 =	sand.u32 $0x1, s11;
	v2 =	vld [tilespmem:s18+$0xFFFFFFF0]  }
0x30: {  	s15 =	smul.u32 $0x8100, s30;
	s14 =	sshrl.u32 s14, $0x2;
	v0 =	vld [tilespmem:s18+$0x0]  }
0x31: {  	v1 =	vld [tilespmem:s18+$0xFFFFFFE0];
	s16 =	sor.u32 $0x4000, s14  }
0x32: {  	s31 =	sshrl.u32 s15, $0x2;
	s15 =	sadd.s32 $0x0, s16  }
0x33: {  	s17 =	simm.s32 $0x4;
	s18 =	sadd.s32 $0x40, s18;
	s14 =	sor.u32 $0x4000, s31;
	[tilespmem:s15+$0x1830 ss:$0x81] =	vst.msk $0xffff, v3  }
.LBB1_3:
0x34: {  	v3 =	vld [tilespmem:s18+$0x10];
	p1 =	sne.s32 s17, $0x1FC;
	[tilespmem:s15+$0x810 ss:$0x81] =	vst.msk $0xffff, v2;
	s19 =	smov.u32 s17;
	s17 =	sadd.s32 $0x4, s17  }
.Ltmp3:
0x35: {  	v2 =	vld [tilespmem:s18+$0xFFFFFFF0];
	[tilespmem:s15+$0x1020 ss:$0x81] =	vst.msk $0xffff, v0;
	(pc) =	sbr.rel @p1 .LBB1_3-.Ltmp3, $4  }
0x36: {  	v0 =	vld [tilespmem:s18+$0x0];
	[tilespmem:s15+$0x0 ss:$0x81] =	vst.msk $0xffff, v1  }
0x37: {  	s15 =	sshra.s32 s19, $0x2;
	v1 =	vld [tilespmem:s18+$0xFFFFFFE0]  }
0x38: {  	s15 =	sadd.s32 s15, s16  }
0x39: {  	s18 =	sadd.s32 $0x40, s18;
	[tilespmem:s15+$0x1830 ss:$0x81] =	vst.msk $0xffff, v3  }
.Ltmp4:
0x3a: {  	_ = 	snop;
	(pc) =	sbr.rel .LBB1_4-.Ltmp4, $1  }
0x3b: {  	_ =	sdelay $0x3  }
.LBB1_6:
0x3c: {  	_ =	sfence.sel $0x180000  }
0x3d: {  	s2 =	simm.s32 $0x1;
	[bflag:$0x0] =	sbarrier.arrive $0xFFFF  }
0x3e: {  	s31 =	simm.s32 $0x2;
	[sflag:s2] =	ssyncpa.u1 $0x1  }
0x3f: {  	[sflag:s31] =	ssyncpa.u1 $0x1  }
0x40: {  	p0 =	sne.s32 s0, $0x0;
	_ =	strace $0x9000004A  }
0x41: {  	s0 =	sadd.s32 @!p0 $0x100000, s1;
	[bflag:$0x2] =	sbarrier.arrive $0xFFFF  }
0x42: {  	[sflag:s0] =	ssyncadd.tile.s32 @!p0 $0x1;
	_ =	shalt  }
.Lfunc_end1:
_tile_overlayer_lowered:
.L_overlay_start_2:
0x43: {  	(tag) =	ssettag $0x2  }
0x44: {  	s0 =	rddreg [dreg:$0x0];
	s2 =	stileid.u32  }
0x45: {  	s1 =	rddreg [dreg:$0x1];
	p0 =	sne.s32 s2, $0x0  }
0x46: {  	s3 =	rddreg [dreg:$0x2];
	[bflag:$0x3] =	sbarrier.arrive $0xFFFF;
	s2 =	simm.s32 @!p0 $0x1C01  }
0x47: {  	[timem:s3], [sflag:s2] =	dma.local @!p0 [hbm:s0], s1  }
0x48: {  	s0 =	simm.s32 @!p0 $0x1  }
0x49: {  	_ =	swait.ge @!p0 [sflag:s0], s1  }
0x4a: {  	s1 =	ssub.s32 @!p0 $0x0, s1;
	[sflag:s0] =	ssyncset.done @!p0 $0x0  }
0x4b: {  	[sflag:s0] =	ssyncadd.s32 @!p0 s1  }
0x4c: {  	[bflag:$0x3] =	sbarrier.arrive $0xFFFF  }
0x4d: {  	_ =	shalt  }

</sc_bundles>
